<compile_context>
chip_gen: v7x
topology: tpu7x:2x2x1
jax: 0.10.2.dev20260603
libtpu: 0.0.44.dev20260713+nightly
codegen_flags: <defaults>
</compile_context>

<pallas_src>
import functools

import jax
import jax.numpy as jnp
from jax import lax
from jax.experimental import pallas as pl
from jax.experimental.pallas import tpu as pltpu
from jax.experimental.pallas import tpu_sc as plsc

N = 10000
E = 160000
R = 2
D = 256
DA = 16
DH = D // 2

NC = 2
NS = 16
K = 80
NCH = 126
EPC = NCH * K
EP = EPC * NS
NPH = 5056
NG = 80
NPA = NPH + NG + 8
GR = NPA - 1
NP = 2 * NPH
CL = 16
NPC = NG * 128
WPT = NPH // 8


@functools.lru_cache(maxsize=1)
def _build_sc_aggregate():
  mesh = plsc.VectorSubcoreMesh(core_axis_name="c", subcore_axis_name="s",
                                num_cores=NC, num_subcores=NS)

  @functools.partial(
      pl.kernel,
      out_type=(
          jax.ShapeDtypeStruct((R, NC, NP, DH), jnp.float32),
          jax.ShapeDtypeStruct((R, NG, 128), jnp.float32),
      ),
      mesh=mesh,
      scratch_types=(
          pltpu.VMEM((2 * NCH, K), jnp.int32),
          pltpu.VMEM((2 * NCH, K), jnp.int32),
          pltpu.VMEM((K, DH), jnp.float32),
          pltpu.VMEM((K, DH), jnp.float32),
          pltpu.VMEM_SHARED((NPA, DH), jnp.float32),
          pltpu.SemaphoreType.DMA,
          pltpu.SemaphoreType.DMA,
      ),
  )
  def _sc_aggregate(srcA, srcC, locP, locC, feat2e, zeros_d,
                    agg_out, cnt_out,
                    src_v, loc_v, rows_a, rows_b, accum_sh, sem_a, sem_b):
    c = lax.axis_index("c")
    s = lax.axis_index("s")
    zrow = jnp.minimum(s, 7) * WPT
    for r in range(R):
      pltpu.sync_copy(srcA.at[r, c, s], src_v.at[pl.ds(0, NCH)])
      pltpu.sync_copy(srcC.at[r, s], src_v.at[pl.ds(NCH, NCH)])
      for p in range(2):
        pltpu.sync_copy(locP.at[r, p, s], loc_v.at[pl.ds(0, NCH)])
        if p == 0:
            pltpu.sync_copy(locC.at[r, s], loc_v.at[pl.ds(NCH, NCH)])

        @pl.when(s < 8)
        def _():
            pltpu.sync_copy(zeros_d, accum_sh.at[pl.ds(zrow, WPT)])

        @pl.when(s == 8)
        def _():
            pltpu.sync_copy(zeros_d.at[pl.ds(0, NPA - NPH)],
                            accum_sh.at[pl.ds(NPH, NPA - NPH)])

        plsc.subcore_barrier()

        if p == 0:
            nch = NCH + jnp.where(c == r, NCH, 0)
        else:
            nch = NCH

        pltpu.async_copy(feat2e.at[src_v.at[0]], rows_a, sem_a)

        def pair(t, carry):
            j0 = 2 * t
            pltpu.async_copy(feat2e.at[src_v.at[j0 + 1]], rows_b, sem_b)
            pltpu.make_async_copy(feat2e.at[src_v.at[j0]], rows_a,
                                  sem_a).wait()
            pltpu.sync_copy(rows_a, accum_sh.at[loc_v.at[j0]], add=True)

            @pl.when(j0 + 2 < nch)
            def _():
                pltpu.async_copy(feat2e.at[src_v.at[j0 + 2]], rows_a, sem_a)

            pltpu.make_async_copy(feat2e.at[src_v.at[j0 + 1]], rows_b,
                                  sem_b).wait()
            pltpu.sync_copy(rows_b, accum_sh.at[loc_v.at[j0 + 1]], add=True)
            return carry

        lax.fori_loop(0, nch // 2, pair, 0)
        plsc.subcore_barrier()

        @pl.when(s < 8)
        def _():
            pltpu.sync_copy(accum_sh.at[pl.ds(zrow, WPT)],
                            agg_out.at[r, c, pl.ds(p * NPH + zrow, WPT)])

        if p == 0:
          @pl.when(jnp.logical_and(s == 8, c == r))
          def _():
              pltpu.sync_copy(accum_sh.at[pl.ds(NPH, NG)], cnt_out.at[r])

        plsc.subcore_barrier()

  return _sc_aggregate


BN = 400
NB = N // BN


def _ln_relu(x, g, b):
    mu = jnp.mean(x, axis=-1, keepdims=True)
    var = jnp.mean((x - mu) ** 2, axis=-1, keepdims=True)
    return jax.nn.relu((x - mu) / jnp.sqrt(var + 1e-5) * g + b)


def _tc_body(feat_ref, agg_ref, cnt_ref,
             W00, b00, W01, b01, g0, t0,
             W10, b10, W11, b11, g1, t1,
             ws1_ref, ws2_ref, out_ref):
    i = pl.program_id(0)
    feat_b = feat_ref[...]
    params = ((W00, b00, W01, b01, g0, t0), (W10, b10, W11, b11, g1, t1))
    hp = jax.lax.Precision.HIGHEST
    hs = []
    scores = []
    for r in range(R):
        agg_r = jnp.concatenate([agg_ref[r, 0], agg_ref[r, 1]], axis=-1)
        cnt_r = cnt_ref[r, :, 0:1]
        h = feat_b + agg_r / jnp.maximum(cnt_r, 1.0)
        Wa, ba, Wb, bb, g, b = params[r]
        h = _ln_relu(jnp.dot(h, Wa[...], preferred_element_type=jnp.float32,
                             precision=hp) + ba[...], g[...], b[...])
        h = _ln_relu(jnp.dot(h, Wb[...], preferred_element_type=jnp.float32,
                             precision=hp) + bb[...], g[...], b[...])
        t = jnp.tanh(jnp.dot(h, ws1_ref[r], preferred_element_type=jnp.float32,
                             precision=hp))
        scores.append(jnp.sum(t * ws2_ref[r], axis=-1, keepdims=True))
        hs.append(h)
    m = jnp.maximum(scores[0], scores[1])
    e0 = jnp.exp(scores[0] - m)
    e1 = jnp.exp(scores[1] - m)
    h_out = (e0 * hs[0] + e1 * hs[1]) / (e0 + e1)
    part = jnp.sum(h_out, axis=0, keepdims=True) * (1.0 / N)

    @pl.when(i == 0)
    def _():
        out_ref[...] = jnp.zeros_like(out_ref)

    out_ref[...] += part


def kernel(feat, edge_index, W0_0, b0_0, W0_1, b0_1, ln_g0, ln_b0,
           W1_0, b1_0, W1_1, b1_1, ln_g1, ln_b1, ws1, ws2):
    ei = edge_index.astype(jnp.int32)
    src = ei[:, 0, :]
    dst = ei[:, 1, :]
    pads = ((0, 0), (0, EP - E))
    srcA = jnp.pad(jnp.stack([src * 2, src * 2 + 1], axis=1),
                   ((0, 0),) + pads).reshape(R, NC, NS, NCH, K)
    srcC = jnp.pad(2 * N + (dst & 127), pads,
                   constant_values=2 * N).reshape(R, NS, NCH, K)
    loc0 = jnp.where(dst < NPH, dst, GR)
    loc1 = jnp.where(dst >= NPH, dst - NPH, GR)
    locP = jnp.pad(jnp.stack([loc0, loc1], axis=1), ((0, 0),) + pads,
                   constant_values=GR).reshape(R, 2, NS, NCH, K)
    locC = jnp.pad(NPH + (dst >> 7), pads,
                   constant_values=GR).reshape(R, NS, NCH, K)
    feat2e = jnp.concatenate(
        [feat.reshape(2 * N, DH), jnp.eye(DH, dtype=jnp.float32)], axis=0)
    zeros_d = jnp.zeros((WPT, DH), jnp.float32)

    agg, cntg = _build_sc_aggregate()(srcA, srcC, locP, locC, feat2e,
                                      zeros_d)
    cnt = jnp.broadcast_to(cntg.reshape(R, NPC, 1), (R, NPC, CL))

    row = lambda v: v.reshape(1, D)
    out = pl.pallas_call(
        _tc_body,
        grid=(NB,),
        in_specs=[
            pl.BlockSpec((BN, D), lambda i: (i, 0)),
            pl.BlockSpec((R, NC, BN, DH), lambda i: (0, 0, i, 0)),
            pl.BlockSpec((R, BN, CL), lambda i: (0, i, 0)),
        ] + [
            spec
            for _ in range(R)
            for spec in (
                pl.BlockSpec((D, D), lambda i: (0, 0)),
                pl.BlockSpec((1, D), lambda i: (0, 0)),
                pl.BlockSpec((D, D), lambda i: (0, 0)),
                pl.BlockSpec((1, D), lambda i: (0, 0)),
                pl.BlockSpec((1, D), lambda i: (0, 0)),
                pl.BlockSpec((1, D), lambda i: (0, 0)),
            )
        ] + [
            pl.BlockSpec((R, D, DA), lambda i: (0, 0, 0)),
            pl.BlockSpec((R, 1, DA), lambda i: (0, 0, 0)),
        ],
        out_specs=pl.BlockSpec((1, D), lambda i: (0, 0)),
        out_shape=jax.ShapeDtypeStruct((1, D), jnp.float32),
        compiler_params=pltpu.CompilerParams(
            dimension_semantics=("arbitrary",)),
    )(feat, agg, cnt,
      W0_0, row(b0_0), W0_1, row(b0_1), row(ln_g0), row(ln_b0),
      W1_0, row(b1_0), W1_1, row(b1_1), row(ln_g1), row(ln_b1),
      ws1, ws2.reshape(R, 1, DA))
    return out

# --- scband reference (transcript-rebuilt; emitter-appended) ---
"""Pipeline reference for scband-rahmen-11278584119614 (READ-ONLY COPY).

The authoritative reference and input builder live on the scoring server;
editing this copy changes nothing except your own understanding.
"""

import jax, jax.numpy as jnp
import numpy as np

N = 10000
E = 160000
R = 2
D = 256
DA = 16


def layer_norm(x, g, b, eps=1e-5):
    mu = jnp.mean(x, axis=-1, keepdims=True)
    var = jnp.mean((x - mu) ** 2, axis=-1, keepdims=True)
    return (x - mu) / jnp.sqrt(var + eps) * g + b


def message_transform(x, Wa, ba, Wb, bb, g, b):
    # MessageTransform: 2 x (dropout(p=0) -> Linear -> LayerNorm(shared) -> ReLU)
    x = jax.nn.relu(layer_norm(x @ Wa + ba, g, b))
    x = jax.nn.relu(layer_norm(x @ Wb + bb, g, b))
    return x


def setup_inputs(seed: int = 0) -> dict:
    key = jax.random.key(seed)
    ks = jax.random.split(key, 24)
    inp = {}
    inp["feat"] = jax.random.normal(ks[0], (N, D), dtype=jnp.float32)
    inp["edge_index"] = jax.random.randint(ks[1], (R, 2, E), 0, N)
    # per-relation MessageTransform params (2 linears + shared LayerNorm)
    for r in range(R):
        inp[f"W{r}_0"] = jax.random.normal(ks[2 + 6 * r], (D, D), dtype=jnp.float32) * 0.05
        inp[f"b{r}_0"] = jnp.zeros((D,), dtype=jnp.float32)
        inp[f"W{r}_1"] = jax.random.normal(ks[3 + 6 * r], (D, D), dtype=jnp.float32) * 0.05
        inp[f"b{r}_1"] = jnp.zeros((D,), dtype=jnp.float32)
        inp[f"ln_g{r}"] = jnp.ones((D,), dtype=jnp.float32)
        inp[f"ln_b{r}"] = jnp.zeros((D,), dtype=jnp.float32)
    # SemanticAttention params
    inp["ws1"] = jax.random.normal(ks[20], (R, D, DA), dtype=jnp.float32) * 0.1
    inp["ws2"] = jax.random.normal(ks[21], (R, DA, 1), dtype=jnp.float32) * 0.1
    return inp


def reference(feat, edge_index, W0_0, b0_0, W0_1, b0_1, ln_g0, ln_b0,
              W1_0, b1_0, W1_1, b1_1, ln_g1, ln_b1, ws1, ws2):
    params = [
        (W0_0, b0_0, W0_1, b0_1, ln_g0, ln_b0),
        (W1_0, b1_0, W1_1, b1_1, ln_g1, ln_b1),
    ]
    hs = []
    for r in range(R):
        src = edge_index[r, 0]
        dst = edge_index[r, 1]
        msg = feat[src]  # copy_u gather
        agg = jax.ops.segment_sum(msg, dst, num_segments=N)
        cnt = jax.ops.segment_sum(jnp.ones((E,), dtype=feat.dtype), dst, num_segments=N)
        neigh = agg / jnp.maximum(cnt, 1.0)[:, None]  # fn.mean (0 for isolated nodes)
        h_rel = feat + neigh
        Wa, ba, Wb, bb, g, b = params[r]
        hs.append(message_transform(h_rel, Wa, ba, Wb, bb, g, b))
    h = jnp.stack(hs, axis=0)  # [R, N, D]
    # SemanticAttention
    scores = jnp.matmul(jnp.tanh(jnp.matmul(h, ws1)), ws2)  # [R, N, 1]
    attention = jax.nn.softmax(scores, axis=0)[..., 0]  # [R, N]
    h_out = jnp.einsum('rb,rbd->bd', attention, h)  # [N, D]
    # AvgPooling readout over the single graph
    return jnp.mean(h_out, axis=0, keepdims=True)  # [1, D]

if __name__ == "__main__":
    import jax
    _d = setup_inputs()
    print(jax.jit(kernel)(*tuple(_d.values())))

</pallas_src>

<mosaic_0001>
#map = affine_map<(d0, d1) -> (0, 0, 0, 0, 0)>
#map1 = affine_map<(d0, d1) -> (0, 0, 0, 0)>
#map2 = affine_map<(d0, d1) -> (0, 0)>
#map3 = affine_map<(d0, d1) -> (0, 0, 0)>
module attributes {stable_mosaic.version = 14 : i64} {
  func.func @_sc_aggregate(%arg0: i32, %arg1: i32, %arg2: memref<2x2x16x126x80xi32, #tpu.memory_space<hbm>>, %arg3: memref<2x16x126x80xi32, #tpu.memory_space<hbm>>, %arg4: memref<2x2x16x126x80xi32, #tpu.memory_space<hbm>>, %arg5: memref<2x16x126x80xi32, #tpu.memory_space<hbm>>, %arg6: memref<20128x128xf32, #tpu.memory_space<hbm>>, %arg7: memref<632x128xf32, #tpu.memory_space<hbm>>, %arg8: memref<2x2x10112x128xf32, #tpu.memory_space<hbm>>, %arg9: memref<2x80x128xf32, #tpu.memory_space<hbm>>, %arg10: memref<252x80xi32, #tpu.memory_space<vmem>>, %arg11: memref<252x80xi32, #tpu.memory_space<vmem>>, %arg12: memref<80x128xf32, #tpu.memory_space<vmem>>, %arg13: memref<80x128xf32, #tpu.memory_space<vmem>>, %arg14: memref<5144x128xf32, #tpu.memory_space<vmem_shared>>, %arg15: memref<!tpu.dma_semaphore, #tpu.memory_space<semaphore_mem>>, %arg16: memref<!tpu.dma_semaphore, #tpu.memory_space<semaphore_mem>>) attributes {dimension_semantics = [#tpu.dimension_semantics<core_parallel>, #tpu.dimension_semantics<subcore_parallel>], iteration_bounds = array<i64: 2, 16>, scalar_prefetch = 0 : i64, scratch_operands = 7 : i64, tpu.core_type = #tpu.core_type<sc_vector_subcore>, window_params = [{transform_indices = #map}, {transform_indices = #map1}, {transform_indices = #map}, {transform_indices = #map1}, {transform_indices = #map2}, {transform_indices = #map2}, {transform_indices = #map1}, {transform_indices = #map3}]} {
    %min3A = arith.constant 7 : i32
    %min3A_0 = arith.minsi %arg1, %min3A : i32
    %mul3A = arith.constant 632 : i32
    %mul3A_1 = arith.muli %min3A_0, %mul3A : i32
    %run_scoped3A = arith.constant 0 : i32
    "tpu.region"() ({
      %run_scoped3A_208 = tpu.sem_alloc : memref<!tpu.dma_semaphore, #tpu.memory_space<semaphore_mem>>
      %dma_start3A_209 = arith.constant 0 : i32
      %dma_start3A_210 = arith.constant 0 : i32
      %dma_start3A_211 = tpu.memref_slice %arg10[%dma_start3A_209, %dma_start3A_210] : memref<252x80xi32, #tpu.memory_space<vmem>> -> memref<126x80xi32, #tpu.memory_space<vmem>>
      %dma_start3A_212 = arith.constant 0 : i32
      %dma_start3A_213 = arith.constant 0 : i32
      %dma_start3A_214 = tpu.memref_slice %arg2[%run_scoped3A, %arg0, %arg1, %dma_start3A_212, %dma_start3A_213] : memref<2x2x16x126x80xi32, #tpu.memory_space<hbm>> -> memref<1x1x1x126x80xi32, #tpu.memory_space<hbm>>
      %dma_start3A_215 = tpu.memref_squeeze %dma_start3A_214 : memref<1x1x1x126x80xi32, #tpu.memory_space<hbm>> -> memref<126x80xi32, #tpu.memory_space<hbm>>
      %dma_start3A_216 = arith.constant 0 : i32
      %dma_start3A_217 = arith.constant 0 : i32
      %dma_start3A_218 = tpu.memref_slice %arg10[%dma_start3A_216, %dma_start3A_217] : memref<252x80xi32, #tpu.memory_space<vmem>> -> memref<126x80xi32, #tpu.memory_space<vmem>>
      %dma_start3A_219 = arith.constant 0 : i32
      %dma_start3A_220 = arith.constant 0 : i32
      %dma_start3A_221 = tpu.memref_slice %arg2[%run_scoped3A, %arg0, %arg1, %dma_start3A_219, %dma_start3A_220] : memref<2x2x16x126x80xi32, #tpu.memory_space<hbm>> -> memref<1x1x1x126x80xi32, #tpu.memory_space<hbm>>
      %dma_start3A_222 = tpu.memref_squeeze %dma_start3A_221 : memref<1x1x1x126x80xi32, #tpu.memory_space<hbm>> -> memref<126x80xi32, #tpu.memory_space<hbm>>
      tpu.enqueue_dma source(%dma_start3A_222 : memref<126x80xi32, #tpu.memory_space<hbm>>) target(%dma_start3A_218 : memref<126x80xi32, #tpu.memory_space<vmem>>) target_semaphore(%run_scoped3A_208 : memref<!tpu.dma_semaphore, #tpu.memory_space<semaphore_mem>>)
      %dma_wait3A = arith.constant 0 : i32
      %dma_wait3A_223 = arith.constant 0 : i32
      %dma_wait3A_224 = tpu.memref_slice %arg10[%dma_wait3A, %dma_wait3A_223] : memref<252x80xi32, #tpu.memory_space<vmem>> -> memref<126x80xi32, #tpu.memory_space<vmem>>
      %dma_wait3A_225 = arith.constant 0 : i32
      %dma_wait3A_226 = arith.constant 0 : i32
      %dma_wait3A_227 = tpu.memref_slice %arg2[%run_scoped3A, %arg0, %arg1, %dma_wait3A_225, %dma_wait3A_226] : memref<2x2x16x126x80xi32, #tpu.memory_space<hbm>> -> memref<1x1x1x126x80xi32, #tpu.memory_space<hbm>>
      %dma_wait3A_228 = tpu.memref_squeeze %dma_wait3A_227 : memref<1x1x1x126x80xi32, #tpu.memory_space<hbm>> -> memref<126x80xi32, #tpu.memory_space<hbm>>
      %dma_wait3A_229 = arith.constant 0 : i32
      %dma_wait3A_230 = arith.constant 0 : i32
      %dma_wait3A_231 = tpu.memref_slice %arg10[%dma_wait3A_229, %dma_wait3A_230] : memref<252x80xi32, #tpu.memory_space<vmem>> -> memref<126x80xi32, #tpu.memory_space<vmem>>
      %dma_wait3A_232 = arith.constant 0 : i32
      %dma_wait3A_233 = arith.constant 0 : i32
      %dma_wait3A_234 = tpu.memref_slice %arg2[%run_scoped3A, %arg0, %arg1, %dma_wait3A_232, %dma_wait3A_233] : memref<2x2x16x126x80xi32, #tpu.memory_space<hbm>> -> memref<1x1x1x126x80xi32, #tpu.memory_space<hbm>>
      %dma_wait3A_235 = tpu.memref_squeeze %dma_wait3A_234 : memref<1x1x1x126x80xi32, #tpu.memory_space<hbm>> -> memref<126x80xi32, #tpu.memory_space<hbm>>
      tpu.wait_dma2 semaphore(%run_scoped3A_208 : memref<!tpu.dma_semaphore, #tpu.memory_space<semaphore_mem>>) src(%dma_wait3A_235 : memref<126x80xi32, #tpu.memory_space<hbm>>) dst(%dma_wait3A_231 : memref<126x80xi32, #tpu.memory_space<vmem>>)
      tpu.yield
    }) : () -> ()
    %run_scoped3A_2 = arith.constant 0 : i32
    "tpu.region"() ({
      %run_scoped3A_208 = tpu.sem_alloc : memref<!tpu.dma_semaphore, #tpu.memory_space<semaphore_mem>>
      %dma_start3A_209 = arith.constant 126 : i32
      %dma_start3A_210 = arith.constant 0 : i32
      %dma_start3A_211 = tpu.memref_slice %arg10[%dma_start3A_209, %dma_start3A_210] : memref<252x80xi32, #tpu.memory_space<vmem>> -> memref<126x80xi32, #tpu.memory_space<vmem>>
      %dma_start3A_212 = arith.constant 0 : i32
      %dma_start3A_213 = arith.constant 0 : i32
      %dma_start3A_214 = tpu.memref_slice %arg3[%run_scoped3A_2, %arg1, %dma_start3A_212, %dma_start3A_213] : memref<2x16x126x80xi32, #tpu.memory_space<hbm>> -> memref<1x1x126x80xi32, #tpu.memory_space<hbm>>
      %dma_start3A_215 = tpu.memref_squeeze %dma_start3A_214 : memref<1x1x126x80xi32, #tpu.memory_space<hbm>> -> memref<126x80xi32, #tpu.memory_space<hbm>>
      %dma_start3A_216 = arith.constant 126 : i32
      %dma_start3A_217 = arith.constant 0 : i32
      %dma_start3A_218 = tpu.memref_slice %arg10[%dma_start3A_216, %dma_start3A_217] : memref<252x80xi32, #tpu.memory_space<vmem>> -> memref<126x80xi32, #tpu.memory_space<vmem>>
      %dma_start3A_219 = arith.constant 0 : i32
      %dma_start3A_220 = arith.constant 0 : i32
      %dma_start3A_221 = tpu.memref_slice %arg3[%run_scoped3A_2, %arg1, %dma_start3A_219, %dma_start3A_220] : memref<2x16x126x80xi32, #tpu.memory_space<hbm>> -> memref<1x1x126x80xi32, #tpu.memory_space<hbm>>
      %dma_start3A_222 = tpu.memref_squeeze %dma_start3A_221 : memref<1x1x126x80xi32, #tpu.memory_space<hbm>> -> memref<126x80xi32, #tpu.memory_space<hbm>>
      tpu.enqueue_dma source(%dma_start3A_222 : memref<126x80xi32, #tpu.memory_space<hbm>>) target(%dma_start3A_218 : memref<126x80xi32, #tpu.memory_space<vmem>>) target_semaphore(%run_scoped3A_208 : memref<!tpu.dma_semaphore, #tpu.memory_space<semaphore_mem>>)
      %dma_wait3A = arith.constant 126 : i32
      %dma_wait3A_223 = arith.constant 0 : i32
      %dma_wait3A_224 = tpu.memref_slice %arg10[%dma_wait3A, %dma_wait3A_223] : memref<252x80xi32, #tpu.memory_space<vmem>> -> memref<126x80xi32, #tpu.memory_space<vmem>>
      %dma_wait3A_225 = arith.constant 0 : i32
      %dma_wait3A_226 = arith.constant 0 : i32
      %dma_wait3A_227 = tpu.memref_slice %arg3[%run_scoped3A_2, %arg1, %dma_wait3A_225, %dma_wait3A_226] : memref<2x16x126x80xi32, #tpu.memory_space<hbm>> -> memref<1x1x126x80xi32, #tpu.memory_space<hbm>>
      %dma_wait3A_228 = tpu.memref_squeeze %dma_wait3A_227 : memref<1x1x126x80xi32, #tpu.memory_space<hbm>> -> memref<126x80xi32, #tpu.memory_space<hbm>>
      %dma_wait3A_229 = arith.constant 126 : i32
      %dma_wait3A_230 = arith.constant 0 : i32
      %dma_wait3A_231 = tpu.memref_slice %arg10[%dma_wait3A_229, %dma_wait3A_230] : memref<252x80xi32, #tpu.memory_space<vmem>> -> memref<126x80xi32, #tpu.memory_space<vmem>>
      %dma_wait3A_232 = arith.constant 0 : i32
      %dma_wait3A_233 = arith.constant 0 : i32
      %dma_wait3A_234 = tpu.memref_slice %arg3[%run_scoped3A_2, %arg1, %dma_wait3A_232, %dma_wait3A_233] : memref<2x16x126x80xi32, #tpu.memory_space<hbm>> -> memref<1x1x126x80xi32, #tpu.memory_space<hbm>>
      %dma_wait3A_235 = tpu.memref_squeeze %dma_wait3A_234 : memref<1x1x126x80xi32, #tpu.memory_space<hbm>> -> memref<126x80xi32, #tpu.memory_space<hbm>>
      tpu.wait_dma2 semaphore(%run_scoped3A_208 : memref<!tpu.dma_semaphore, #tpu.memory_space<semaphore_mem>>) src(%dma_wait3A_235 : memref<126x80xi32, #tpu.memory_space<hbm>>) dst(%dma_wait3A_231 : memref<126x80xi32, #tpu.memory_space<vmem>>)
      tpu.yield
    }) : () -> ()
    %run_scoped3A_3 = arith.constant 0 : i32
    %run_scoped3A_4 = arith.constant 0 : i32
    "tpu.region"() ({
      %run_scoped3A_208 = tpu.sem_alloc : memref<!tpu.dma_semaphore, #tpu.memory_space<semaphore_mem>>
      %dma_start3A_209 = arith.constant 0 : i32
      %dma_start3A_210 = arith.constant 0 : i32
      %dma_start3A_211 = tpu.memref_slice %arg11[%dma_start3A_209, %dma_start3A_210] : memref<252x80xi32, #tpu.memory_space<vmem>> -> memref<126x80xi32, #tpu.memory_space<vmem>>
      %dma_start3A_212 = arith.constant 0 : i32
      %dma_start3A_213 = arith.constant 0 : i32
      %dma_start3A_214 = tpu.memref_slice %arg4[%run_scoped3A_3, %run_scoped3A_4, %arg1, %dma_start3A_212, %dma_start3A_213] : memref<2x2x16x126x80xi32, #tpu.memory_space<hbm>> -> memref<1x1x1x126x80xi32, #tpu.memory_space<hbm>>
      %dma_start3A_215 = tpu.memref_squeeze %dma_start3A_214 : memref<1x1x1x126x80xi32, #tpu.memory_space<hbm>> -> memref<126x80xi32, #tpu.memory_space<hbm>>
      %dma_start3A_216 = arith.constant 0 : i32
      %dma_start3A_217 = arith.constant 0 : i32
      %dma_start3A_218 = tpu.memref_slice %arg11[%dma_start3A_216, %dma_start3A_217] : memref<252x80xi32, #tpu.memory_space<vmem>> -> memref<126x80xi32, #tpu.memory_space<vmem>>
      %dma_start3A_219 = arith.constant 0 : i32
      %dma_start3A_220 = arith.constant 0 : i32
      %dma_start3A_221 = tpu.memref_slice %arg4[%run_scoped3A_3, %run_scoped3A_4, %arg1, %dma_start3A_219, %dma_start3A_220] : memref<2x2x16x126x80xi32, #tpu.memory_space<hbm>> -> memref<1x1x1x126x80xi32, #tpu.memory_space<hbm>>
      %dma_start3A_222 = tpu.memref_squeeze %dma_start3A_221 : memref<1x1x1x126x80xi32, #tpu.memory_space<hbm>> -> memref<126x80xi32, #tpu.memory_space<hbm>>
      tpu.enqueue_dma source(%dma_start3A_222 : memref<126x80xi32, #tpu.memory_space<hbm>>) target(%dma_start3A_218 : memref<126x80xi32, #tpu.memory_space<vmem>>) target_semaphore(%run_scoped3A_208 : memref<!tpu.dma_semaphore, #tpu.memory_space<semaphore_mem>>)
      %dma_wait3A = arith.constant 0 : i32
      %dma_wait3A_223 = arith.constant 0 : i32
      %dma_wait3A_224 = tpu.memref_slice %arg11[%dma_wait3A, %dma_wait3A_223] : memref<252x80xi32, #tpu.memory_space<vmem>> -> memref<126x80xi32, #tpu.memory_space<vmem>>
      %dma_wait3A_225 = arith.constant 0 : i32
      %dma_wait3A_226 = arith.constant 0 : i32
      %dma_wait3A_227 = tpu.memref_slice %arg4[%run_scoped3A_3, %run_scoped3A_4, %arg1, %dma_wait3A_225, %dma_wait3A_226] : memref<2x2x16x126x80xi32, #tpu.memory_space<hbm>> -> memref<1x1x1x126x80xi32, #tpu.memory_space<hbm>>
      %dma_wait3A_228 = tpu.memref_squeeze %dma_wait3A_227 : memref<1x1x1x126x80xi32, #tpu.memory_space<hbm>> -> memref<126x80xi32, #tpu.memory_space<hbm>>
      %dma_wait3A_229 = arith.constant 0 : i32
      %dma_wait3A_230 = arith.constant 0 : i32
      %dma_wait3A_231 = tpu.memref_slice %arg11[%dma_wait3A_229, %dma_wait3A_230] : memref<252x80xi32, #tpu.memory_space<vmem>> -> memref<126x80xi32, #tpu.memory_space<vmem>>
      %dma_wait3A_232 = arith.constant 0 : i32
      %dma_wait3A_233 = arith.constant 0 : i32
      %dma_wait3A_234 = tpu.memref_slice %arg4[%run_scoped3A_3, %run_scoped3A_4, %arg1, %dma_wait3A_232, %dma_wait3A_233] : memref<2x2x16x126x80xi32, #tpu.memory_space<hbm>> -> memref<1x1x1x126x80xi32, #tpu.memory_space<hbm>>
      %dma_wait3A_235 = tpu.memref_squeeze %dma_wait3A_234 : memref<1x1x1x126x80xi32, #tpu.memory_space<hbm>> -> memref<126x80xi32, #tpu.memory_space<hbm>>
      tpu.wait_dma2 semaphore(%run_scoped3A_208 : memref<!tpu.dma_semaphore, #tpu.memory_space<semaphore_mem>>) src(%dma_wait3A_235 : memref<126x80xi32, #tpu.memory_space<hbm>>) dst(%dma_wait3A_231 : memref<126x80xi32, #tpu.memory_space<vmem>>)
      tpu.yield
    }) : () -> ()
    %run_scoped3A_5 = arith.constant 0 : i32
    "tpu.region"() ({
      %run_scoped3A_208 = tpu.sem_alloc : memref<!tpu.dma_semaphore, #tpu.memory_space<semaphore_mem>>
      %dma_start3A_209 = arith.constant 126 : i32
      %dma_start3A_210 = arith.constant 0 : i32
      %dma_start3A_211 = tpu.memref_slice %arg11[%dma_start3A_209, %dma_start3A_210] : memref<252x80xi32, #tpu.memory_space<vmem>> -> memref<126x80xi32, #tpu.memory_space<vmem>>
      %dma_start3A_212 = arith.constant 0 : i32
      %dma_start3A_213 = arith.constant 0 : i32
      %dma_start3A_214 = tpu.memref_slice %arg5[%run_scoped3A_5, %arg1, %dma_start3A_212, %dma_start3A_213] : memref<2x16x126x80xi32, #tpu.memory_space<hbm>> -> memref<1x1x126x80xi32, #tpu.memory_space<hbm>>
      %dma_start3A_215 = tpu.memref_squeeze %dma_start3A_214 : memref<1x1x126x80xi32, #tpu.memory_space<hbm>> -> memref<126x80xi32, #tpu.memory_space<hbm>>
      %dma_start3A_216 = arith.constant 126 : i32
      %dma_start3A_217 = arith.constant 0 : i32
      %dma_start3A_218 = tpu.memref_slice %arg11[%dma_start3A_216, %dma_start3A_217] : memref<252x80xi32, #tpu.memory_space<vmem>> -> memref<126x80xi32, #tpu.memory_space<vmem>>
      %dma_start3A_219 = arith.constant 0 : i32
      %dma_start3A_220 = arith.constant 0 : i32
      %dma_start3A_221 = tpu.memref_slice %arg5[%run_scoped3A_5, %arg1, %dma_start3A_219, %dma_start3A_220] : memref<2x16x126x80xi32, #tpu.memory_space<hbm>> -> memref<1x1x126x80xi32, #tpu.memory_space<hbm>>
      %dma_start3A_222 = tpu.memref_squeeze %dma_start3A_221 : memref<1x1x126x80xi32, #tpu.memory_space<hbm>> -> memref<126x80xi32, #tpu.memory_space<hbm>>
      tpu.enqueue_dma source(%dma_start3A_222 : memref<126x80xi32, #tpu.memory_space<hbm>>) target(%dma_start3A_218 : memref<126x80xi32, #tpu.memory_space<vmem>>) target_semaphore(%run_scoped3A_208 : memref<!tpu.dma_semaphore, #tpu.memory_space<semaphore_mem>>)
      %dma_wait3A = arith.constant 126 : i32
      %dma_wait3A_223 = arith.constant 0 : i32
      %dma_wait3A_224 = tpu.memref_slice %arg11[%dma_wait3A, %dma_wait3A_223] : memref<252x80xi32, #tpu.memory_space<vmem>> -> memref<126x80xi32, #tpu.memory_space<vmem>>
      %dma_wait3A_225 = arith.constant 0 : i32
      %dma_wait3A_226 = arith.constant 0 : i32
      %dma_wait3A_227 = tpu.memref_slice %arg5[%run_scoped3A_5, %arg1, %dma_wait3A_225, %dma_wait3A_226] : memref<2x16x126x80xi32, #tpu.memory_space<hbm>> -> memref<1x1x126x80xi32, #tpu.memory_space<hbm>>
      %dma_wait3A_228 = tpu.memref_squeeze %dma_wait3A_227 : memref<1x1x126x80xi32, #tpu.memory_space<hbm>> -> memref<126x80xi32, #tpu.memory_space<hbm>>
      %dma_wait3A_229 = arith.constant 126 : i32
      %dma_wait3A_230 = arith.constant 0 : i32
      %dma_wait3A_231 = tpu.memref_slice %arg11[%dma_wait3A_229, %dma_wait3A_230] : memref<252x80xi32, #tpu.memory_space<vmem>> -> memref<126x80xi32, #tpu.memory_space<vmem>>
      %dma_wait3A_232 = arith.constant 0 : i32
      %dma_wait3A_233 = arith.constant 0 : i32
      %dma_wait3A_234 = tpu.memref_slice %arg5[%run_scoped3A_5, %arg1, %dma_wait3A_232, %dma_wait3A_233] : memref<2x16x126x80xi32, #tpu.memory_space<hbm>> -> memref<1x1x126x80xi32, #tpu.memory_space<hbm>>
      %dma_wait3A_235 = tpu.memref_squeeze %dma_wait3A_234 : memref<1x1x126x80xi32, #tpu.memory_space<hbm>> -> memref<126x80xi32, #tpu.memory_space<hbm>>
      tpu.wait_dma2 semaphore(%run_scoped3A_208 : memref<!tpu.dma_semaphore, #tpu.memory_space<semaphore_mem>>) src(%dma_wait3A_235 : memref<126x80xi32, #tpu.memory_space<hbm>>) dst(%dma_wait3A_231 : memref<126x80xi32, #tpu.memory_space<vmem>>)
      tpu.yield
    }) : () -> ()
    %lt3A = arith.constant 8 : i32
    %lt3A_6 = arith.cmpi slt, %arg1, %lt3A : i32
    %convert_element_type3A = arith.extui %lt3A_6 : i1 to i32
    %cond3A = arith.constant 0 : i32
    %cond3A_7 = arith.cmpi ne, %convert_element_type3A, %cond3A : i32
    scf.if %cond3A_7 {
      "tpu.region"() ({
        %run_scoped3A_208 = tpu.sem_alloc : memref<!tpu.dma_semaphore, #tpu.memory_space<semaphore_mem>>
        %dma_start3A_209 = arith.constant 0 : i32
        %dma_start3A_210 = tpu.memref_slice %arg14[%mul3A_1, %dma_start3A_209] : memref<5144x128xf32, #tpu.memory_space<vmem_shared>> -> memref<632x128xf32, #tpu.memory_space<vmem_shared>>
        tpu.enqueue_dma source(%arg7 : memref<632x128xf32, #tpu.memory_space<hbm>>) target(%dma_start3A_210 : memref<632x128xf32, #tpu.memory_space<vmem_shared>>) target_semaphore(%run_scoped3A_208 : memref<!tpu.dma_semaphore, #tpu.memory_space<semaphore_mem>>)
        %dma_wait3A = arith.constant 0 : i32
        %dma_wait3A_211 = tpu.memref_slice %arg14[%mul3A_1, %dma_wait3A] : memref<5144x128xf32, #tpu.memory_space<vmem_shared>> -> memref<632x128xf32, #tpu.memory_space<vmem_shared>>
        tpu.wait_dma2 semaphore(%run_scoped3A_208 : memref<!tpu.dma_semaphore, #tpu.memory_space<semaphore_mem>>) src(%arg7 : memref<632x128xf32, #tpu.memory_space<hbm>>) dst(%dma_wait3A_211 : memref<632x128xf32, #tpu.memory_space<vmem_shared>>)
        tpu.yield
      }) : () -> ()
    } else {
    }
    %eq3A = arith.constant 8 : i32
    %eq3A_8 = arith.cmpi eq, %arg1, %eq3A : i32
    %convert_element_type3A_9 = arith.extui %eq3A_8 : i1 to i32
    %cond3A_10 = arith.constant 0 : i32
    %cond3A_11 = arith.cmpi ne, %convert_element_type3A_9, %cond3A_10 : i32
    scf.if %cond3A_11 {
      "tpu.region"() ({
        %run_scoped3A_208 = tpu.sem_alloc : memref<!tpu.dma_semaphore, #tpu.memory_space<semaphore_mem>>
        %dma_start3A_209 = arith.constant 5056 : i32
        %dma_start3A_210 = arith.constant 0 : i32
        %dma_start3A_211 = tpu.memref_slice %arg14[%dma_start3A_209, %dma_start3A_210] : memref<5144x128xf32, #tpu.memory_space<vmem_shared>> -> memref<88x128xf32, #tpu.memory_space<vmem_shared>>
        %dma_start3A_212 = arith.constant 0 : i32
        %dma_start3A_213 = arith.constant 0 : i32
        %dma_start3A_214 = tpu.memref_slice %arg7[%dma_start3A_212, %dma_start3A_213] : memref<632x128xf32, #tpu.memory_space<hbm>> -> memref<88x128xf32, #tpu.memory_space<hbm>>
        tpu.enqueue_dma source(%dma_start3A_214 : memref<88x128xf32, #tpu.memory_space<hbm>>) target(%dma_start3A_211 : memref<88x128xf32, #tpu.memory_space<vmem_shared>>) target_semaphore(%run_scoped3A_208 : memref<!tpu.dma_semaphore, #tpu.memory_space<semaphore_mem>>)
        %dma_wait3A = arith.constant 5056 : i32
        %dma_wait3A_215 = arith.constant 0 : i32
        %dma_wait3A_216 = tpu.memref_slice %arg14[%dma_wait3A, %dma_wait3A_215] : memref<5144x128xf32, #tpu.memory_space<vmem_shared>> -> memref<88x128xf32, #tpu.memory_space<vmem_shared>>
        %dma_wait3A_217 = arith.constant 0 : i32
        %dma_wait3A_218 = arith.constant 0 : i32
        %dma_wait3A_219 = tpu.memref_slice %arg7[%dma_wait3A_217, %dma_wait3A_218] : memref<632x128xf32, #tpu.memory_space<hbm>> -> memref<88x128xf32, #tpu.memory_space<hbm>>
        tpu.wait_dma2 semaphore(%run_scoped3A_208 : memref<!tpu.dma_semaphore, #tpu.memory_space<semaphore_mem>>) src(%dma_wait3A_219 : memref<88x128xf32, #tpu.memory_space<hbm>>) dst(%dma_wait3A_216 : memref<88x128xf32, #tpu.memory_space<vmem_shared>>)
        tpu.yield
      }) : () -> ()
    } else {
    }
    %barrier3A = arith.constant 0 : index
    tpu.barrier barrier_id(%barrier3A)
    %eq3A_12 = arith.constant 0 : i32
    %eq3A_13 = arith.cmpi eq, %arg0, %eq3A_12 : i32
    %jit3A = arith.constant 126 : i32
    %jit3A_14 = arith.constant 0 : i32
    %select_n3A = arith.select %eq3A_13, %jit3A, %jit3A_14 : i32
    %add3A = arith.constant 126 : i32
    %add3A_15 = arith.addi %add3A, %select_n3A : i32
    %dma_start3A = arith.constant 0 : i32
    %dma_start3A_16 = arith.constant 0 : i32
    %dma_start3A_17 = tpu.memref_slice %arg10[%dma_start3A, %dma_start3A_16] : memref<252x80xi32, #tpu.memory_space<vmem>> -> memref<1x80xi32, #tpu.memory_space<vmem>>
    %dma_start3A_18 = tpu.memref_squeeze %dma_start3A_17 : memref<1x80xi32, #tpu.memory_space<vmem>> -> memref<80xi32, #tpu.memory_space<vmem>>
    %dma_start3A_19 = arith.constant 0 : i32
    %dma_start3A_20 = arith.constant 0 : i32
    %dma_start3A_21 = tpu.memref_slice %arg6[%dma_start3A_19, %dma_start3A_20] : memref<20128x128xf32, #tpu.memory_space<hbm>> -> memref<20128x128xf32, #tpu.memory_space<hbm>>
    tpu.enqueue_indirect_dma source(%dma_start3A_21 : memref<20128x128xf32, #tpu.memory_space<hbm>>) target(%arg12 : memref<80x128xf32, #tpu.memory_space<vmem>>) offsets(%dma_start3A_18 : memref<80xi32, #tpu.memory_space<vmem>>) semaphore(%arg15 : memref<!tpu.dma_semaphore, #tpu.memory_space<semaphore_mem>>)
    %jit3A_22 = arith.constant 2 : i32
    %div3A = arith.divsi %add3A_15, %jit3A_22 : i32
    %sign3A = arith.constant 0 : i32
    %sign3A_23 = arith.cmpi sgt, %add3A_15, %sign3A : i32
    %sign3A_24 = arith.extui %sign3A_23 : i1 to i32
    %sign3A_25 = arith.constant 0 : i32
    %sign3A_26 = arith.cmpi slt, %add3A_15, %sign3A_25 : i32
    %sign3A_27 = arith.extui %sign3A_26 : i1 to i32
    %sign3A_28 = arith.subi %sign3A_24, %sign3A_27 : i32
    %sign3A_29 = arith.constant 0 : i32
    %sign3A_30 = arith.cmpi sgt, %jit3A_22, %sign3A_29 : i32
    %sign3A_31 = arith.extui %sign3A_30 : i1 to i32
    %sign3A_32 = arith.constant 0 : i32
    %sign3A_33 = arith.cmpi slt, %jit3A_22, %sign3A_32 : i32
    %sign3A_34 = arith.extui %sign3A_33 : i1 to i32
    %sign3A_35 = arith.subi %sign3A_31, %sign3A_34 : i32
    %ne3A = arith.cmpi ne, %sign3A_28, %sign3A_35 : i32
    %rem3A = arith.remsi %add3A_15, %jit3A_22 : i32
    %ne3A_36 = arith.constant 0 : i32
    %ne3A_37 = arith.cmpi ne, %rem3A, %ne3A_36 : i32
    %and3A = arith.andi %ne3A, %ne3A_37 : i1
    %sub3A = arith.constant 1 : i32
    %sub3A_38 = arith.subi %div3A, %sub3A : i32
    %select_n3A_39 = arith.select %and3A, %sub3A_38, %div3A : i32
    %while3A = arith.constant 0 : i32
    %while3A_40 = arith.constant 0 : i32
    %while3A_41 = arith.subi %select_n3A_39, %while3A_40 : i32
    %while3A_42 = arith.addi %while3A_40, %while3A_41 : i32
    %while3A_43 = arith.constant 1 : i32
    %while3A_44 = arith.divsi %while3A_41, %while3A_43 : i32
    %while3A_45 = arith.muli %while3A_44, %while3A_43 : i32
    %while3A_46 = arith.addi %while3A_40, %while3A_45 : i32
    %while3A_47 = arith.constant 1 : i32
    scf.for %while3A_208 = %while3A_40 to %while3A_46 step %while3A_47  : i32 {
      %mul3A_209 = arith.constant 2 : i32
      %mul3A_210 = arith.muli %mul3A_209, %while3A_208 : i32
      %add3A_211 = arith.constant 1 : i32
      %add3A_212 = arith.addi %mul3A_210, %add3A_211 : i32
      %dma_start3A_213 = arith.constant 0 : i32
      %dma_start3A_214 = tpu.memref_slice %arg10[%add3A_212, %dma_start3A_213] : memref<252x80xi32, #tpu.memory_space<vmem>> -> memref<1x80xi32, #tpu.memory_space<vmem>>
      %dma_start3A_215 = tpu.memref_squeeze %dma_start3A_214 : memref<1x80xi32, #tpu.memory_space<vmem>> -> memref<80xi32, #tpu.memory_space<vmem>>
      %dma_start3A_216 = arith.constant 0 : i32
      %dma_start3A_217 = arith.constant 0 : i32
      %dma_start3A_218 = tpu.memref_slice %arg6[%dma_start3A_216, %dma_start3A_217] : memref<20128x128xf32, #tpu.memory_space<hbm>> -> memref<20128x128xf32, #tpu.memory_space<hbm>>
      tpu.enqueue_indirect_dma source(%dma_start3A_218 : memref<20128x128xf32, #tpu.memory_space<hbm>>) target(%arg13 : memref<80x128xf32, #tpu.memory_space<vmem>>) offsets(%dma_start3A_215 : memref<80xi32, #tpu.memory_space<vmem>>) semaphore(%arg16 : memref<!tpu.dma_semaphore, #tpu.memory_space<semaphore_mem>>)
      %dma_wait3A = arith.constant 0 : i32
      %dma_wait3A_219 = tpu.memref_slice %arg10[%mul3A_210, %dma_wait3A] : memref<252x80xi32, #tpu.memory_space<vmem>> -> memref<1x80xi32, #tpu.memory_space<vmem>>
      %dma_wait3A_220 = tpu.memref_squeeze %dma_wait3A_219 : memref<1x80xi32, #tpu.memory_space<vmem>> -> memref<80xi32, #tpu.memory_space<vmem>>
      %dma_wait3A_221 = arith.constant 0 : i32
      %dma_wait3A_222 = arith.constant 0 : i32
      %dma_wait3A_223 = tpu.memref_slice %arg6[%dma_wait3A_221, %dma_wait3A_222] : memref<20128x128xf32, #tpu.memory_space<hbm>> -> memref<20128x128xf32, #tpu.memory_space<hbm>>
      tpu.wait_indirect_dma semaphore(%arg15 : memref<!tpu.dma_semaphore, #tpu.memory_space<semaphore_mem>>) src(%dma_wait3A_223 : memref<20128x128xf32, #tpu.memory_space<hbm>>) dst(%arg12 : memref<80x128xf32, #tpu.memory_space<vmem>>)
      "tpu.region"() ({
        %run_scoped3A_240 = tpu.sem_alloc : memref<!tpu.dma_semaphore, #tpu.memory_space<semaphore_mem>>
        %dma_start3A_241 = arith.constant 0 : i32
        %dma_start3A_242 = tpu.memref_slice %arg11[%mul3A_210, %dma_start3A_241] : memref<252x80xi32, #tpu.memory_space<vmem>> -> memref<1x80xi32, #tpu.memory_space<vmem>>
        %dma_start3A_243 = tpu.memref_squeeze %dma_start3A_242 : memref<1x80xi32, #tpu.memory_space<vmem>> -> memref<80xi32, #tpu.memory_space<vmem>>
        %dma_start3A_244 = arith.constant 0 : i32
        %dma_start3A_245 = arith.constant 0 : i32
        %dma_start3A_246 = tpu.memref_slice %arg14[%dma_start3A_244, %dma_start3A_245] : memref<5144x128xf32, #tpu.memory_space<vmem_shared>> -> memref<5144x128xf32, #tpu.memory_space<vmem_shared>>
        tpu.enqueue_indirect_dma source(%arg12 : memref<80x128xf32, #tpu.memory_space<vmem>>) target(%dma_start3A_246 : memref<5144x128xf32, #tpu.memory_space<vmem_shared>>) offsets(%dma_start3A_243 : memref<80xi32, #tpu.memory_space<vmem>>) semaphore(%run_scoped3A_240 : memref<!tpu.dma_semaphore, #tpu.memory_space<semaphore_mem>>) {add = true}
        %dma_wait3A_247 = arith.constant 0 : i32
        %dma_wait3A_248 = tpu.memref_slice %arg11[%mul3A_210, %dma_wait3A_247] : memref<252x80xi32, #tpu.memory_space<vmem>> -> memref<1x80xi32, #tpu.memory_space<vmem>>
        %dma_wait3A_249 = tpu.memref_squeeze %dma_wait3A_248 : memref<1x80xi32, #tpu.memory_space<vmem>> -> memref<80xi32, #tpu.memory_space<vmem>>
        %dma_wait3A_250 = arith.constant 0 : i32
        %dma_wait3A_251 = arith.constant 0 : i32
        %dma_wait3A_252 = tpu.memref_slice %arg14[%dma_wait3A_250, %dma_wait3A_251] : memref<5144x128xf32, #tpu.memory_space<vmem_shared>> -> memref<5144x128xf32, #tpu.memory_space<vmem_shared>>
        tpu.wait_indirect_dma semaphore(%run_scoped3A_240 : memref<!tpu.dma_semaphore, #tpu.memory_space<semaphore_mem>>) src(%arg12 : memref<80x128xf32, #tpu.memory_space<vmem>>) dst(%dma_wait3A_252 : memref<5144x128xf32, #tpu.memory_space<vmem_shared>>)
        tpu.yield
      }) : () -> ()
      %add3A_224 = arith.constant 2 : i32
      %add3A_225 = arith.addi %mul3A_210, %add3A_224 : i32
      %lt3A_226 = arith.cmpi slt, %add3A_225, %add3A_15 : i32
      %convert_element_type3A_227 = arith.extui %lt3A_226 : i1 to i32
      %cond3A_228 = arith.constant 0 : i32
      %cond3A_229 = arith.cmpi ne, %convert_element_type3A_227, %cond3A_228 : i32
      scf.if %cond3A_229 {
        %add3A_240 = arith.constant 2 : i32
        %add3A_241 = arith.addi %mul3A_210, %add3A_240 : i32
        %dma_start3A_242 = arith.constant 0 : i32
        %dma_start3A_243 = tpu.memref_slice %arg10[%add3A_241, %dma_start3A_242] : memref<252x80xi32, #tpu.memory_space<vmem>> -> memref<1x80xi32, #tpu.memory_space<vmem>>
        %dma_start3A_244 = tpu.memref_squeeze %dma_start3A_243 : memref<1x80xi32, #tpu.memory_space<vmem>> -> memref<80xi32, #tpu.memory_space<vmem>>
        %dma_start3A_245 = arith.constant 0 : i32
        %dma_start3A_246 = arith.constant 0 : i32
        %dma_start3A_247 = tpu.memref_slice %arg6[%dma_start3A_245, %dma_start3A_246] : memref<20128x128xf32, #tpu.memory_space<hbm>> -> memref<20128x128xf32, #tpu.memory_space<hbm>>
        tpu.enqueue_indirect_dma source(%dma_start3A_247 : memref<20128x128xf32, #tpu.memory_space<hbm>>) target(%arg12 : memref<80x128xf32, #tpu.memory_space<vmem>>) offsets(%dma_start3A_244 : memref<80xi32, #tpu.memory_space<vmem>>) semaphore(%arg15 : memref<!tpu.dma_semaphore, #tpu.memory_space<semaphore_mem>>)
      } else {
      }
      %add3A_230 = arith.constant 1 : i32
      %add3A_231 = arith.addi %mul3A_210, %add3A_230 : i32
      %dma_wait3A_232 = arith.constant 0 : i32
      %dma_wait3A_233 = tpu.memref_slice %arg10[%add3A_231, %dma_wait3A_232] : memref<252x80xi32, #tpu.memory_space<vmem>> -> memref<1x80xi32, #tpu.memory_space<vmem>>
      %dma_wait3A_234 = tpu.memref_squeeze %dma_wait3A_233 : memref<1x80xi32, #tpu.memory_space<vmem>> -> memref<80xi32, #tpu.memory_space<vmem>>
      %dma_wait3A_235 = arith.constant 0 : i32
      %dma_wait3A_236 = arith.constant 0 : i32
      %dma_wait3A_237 = tpu.memref_slice %arg6[%dma_wait3A_235, %dma_wait3A_236] : memref<20128x128xf32, #tpu.memory_space<hbm>> -> memref<20128x128xf32, #tpu.memory_space<hbm>>
      tpu.wait_indirect_dma semaphore(%arg16 : memref<!tpu.dma_semaphore, #tpu.memory_space<semaphore_mem>>) src(%dma_wait3A_237 : memref<20128x128xf32, #tpu.memory_space<hbm>>) dst(%arg13 : memref<80x128xf32, #tpu.memory_space<vmem>>)
      %add3A_238 = arith.constant 1 : i32
      %add3A_239 = arith.addi %mul3A_210, %add3A_238 : i32
      "tpu.region"() ({
        %run_scoped3A_240 = tpu.sem_alloc : memref<!tpu.dma_semaphore, #tpu.memory_space<semaphore_mem>>
        %dma_start3A_241 = arith.constant 0 : i32
        %dma_start3A_242 = tpu.memref_slice %arg11[%add3A_239, %dma_start3A_241] : memref<252x80xi32, #tpu.memory_space<vmem>> -> memref<1x80xi32, #tpu.memory_space<vmem>>
        %dma_start3A_243 = tpu.memref_squeeze %dma_start3A_242 : memref<1x80xi32, #tpu.memory_space<vmem>> -> memref<80xi32, #tpu.memory_space<vmem>>
        %dma_start3A_244 = arith.constant 0 : i32
        %dma_start3A_245 = arith.constant 0 : i32
        %dma_start3A_246 = tpu.memref_slice %arg14[%dma_start3A_244, %dma_start3A_245] : memref<5144x128xf32, #tpu.memory_space<vmem_shared>> -> memref<5144x128xf32, #tpu.memory_space<vmem_shared>>
        tpu.enqueue_indirect_dma source(%arg13 : memref<80x128xf32, #tpu.memory_space<vmem>>) target(%dma_start3A_246 : memref<5144x128xf32, #tpu.memory_space<vmem_shared>>) offsets(%dma_start3A_243 : memref<80xi32, #tpu.memory_space<vmem>>) semaphore(%run_scoped3A_240 : memref<!tpu.dma_semaphore, #tpu.memory_space<semaphore_mem>>) {add = true}
        %dma_wait3A_247 = arith.constant 0 : i32
        %dma_wait3A_248 = tpu.memref_slice %arg11[%add3A_239, %dma_wait3A_247] : memref<252x80xi32, #tpu.memory_space<vmem>> -> memref<1x80xi32, #tpu.memory_space<vmem>>
        %dma_wait3A_249 = tpu.memref_squeeze %dma_wait3A_248 : memref<1x80xi32, #tpu.memory_space<vmem>> -> memref<80xi32, #tpu.memory_space<vmem>>
        %dma_wait3A_250 = arith.constant 0 : i32
        %dma_wait3A_251 = arith.constant 0 : i32
        %dma_wait3A_252 = tpu.memref_slice %arg14[%dma_wait3A_250, %dma_wait3A_251] : memref<5144x128xf32, #tpu.memory_space<vmem_shared>> -> memref<5144x128xf32, #tpu.memory_space<vmem_shared>>
        tpu.wait_indirect_dma semaphore(%run_scoped3A_240 : memref<!tpu.dma_semaphore, #tpu.memory_space<semaphore_mem>>) src(%arg13 : memref<80x128xf32, #tpu.memory_space<vmem>>) dst(%dma_wait3A_252 : memref<5144x128xf32, #tpu.memory_space<vmem_shared>>)
        tpu.yield
      }) : () -> ()
    }
    %while3A_48 = arith.constant 1 : i32
    scf.for %while3A_208 = %while3A_46 to %while3A_42 step %while3A_48  : i32 {
      %mul3A_209 = arith.constant 2 : i32
      %mul3A_210 = arith.muli %mul3A_209, %while3A_208 : i32
      %add3A_211 = arith.constant 1 : i32
      %add3A_212 = arith.addi %mul3A_210, %add3A_211 : i32
      %dma_start3A_213 = arith.constant 0 : i32
      %dma_start3A_214 = tpu.memref_slice %arg10[%add3A_212, %dma_start3A_213] : memref<252x80xi32, #tpu.memory_space<vmem>> -> memref<1x80xi32, #tpu.memory_space<vmem>>
      %dma_start3A_215 = tpu.memref_squeeze %dma_start3A_214 : memref<1x80xi32, #tpu.memory_space<vmem>> -> memref<80xi32, #tpu.memory_space<vmem>>
      %dma_start3A_216 = arith.constant 0 : i32
      %dma_start3A_217 = arith.constant 0 : i32
      %dma_start3A_218 = tpu.memref_slice %arg6[%dma_start3A_216, %dma_start3A_217] : memref<20128x128xf32, #tpu.memory_space<hbm>> -> memref<20128x128xf32, #tpu.memory_space<hbm>>
      tpu.enqueue_indirect_dma source(%dma_start3A_218 : memref<20128x128xf32, #tpu.memory_space<hbm>>) target(%arg13 : memref<80x128xf32, #tpu.memory_space<vmem>>) offsets(%dma_start3A_215 : memref<80xi32, #tpu.memory_space<vmem>>) semaphore(%arg16 : memref<!tpu.dma_semaphore, #tpu.memory_space<semaphore_mem>>)
      %dma_wait3A = arith.constant 0 : i32
      %dma_wait3A_219 = tpu.memref_slice %arg10[%mul3A_210, %dma_wait3A] : memref<252x80xi32, #tpu.memory_space<vmem>> -> memref<1x80xi32, #tpu.memory_space<vmem>>
      %dma_wait3A_220 = tpu.memref_squeeze %dma_wait3A_219 : memref<1x80xi32, #tpu.memory_space<vmem>> -> memref<80xi32, #tpu.memory_space<vmem>>
      %dma_wait3A_221 = arith.constant 0 : i32
      %dma_wait3A_222 = arith.constant 0 : i32
      %dma_wait3A_223 = tpu.memref_slice %arg6[%dma_wait3A_221, %dma_wait3A_222] : memref<20128x128xf32, #tpu.memory_space<hbm>> -> memref<20128x128xf32, #tpu.memory_space<hbm>>
      tpu.wait_indirect_dma semaphore(%arg15 : memref<!tpu.dma_semaphore, #tpu.memory_space<semaphore_mem>>) src(%dma_wait3A_223 : memref<20128x128xf32, #tpu.memory_space<hbm>>) dst(%arg12 : memref<80x128xf32, #tpu.memory_space<vmem>>)
      "tpu.region"() ({
        %run_scoped3A_240 = tpu.sem_alloc : memref<!tpu.dma_semaphore, #tpu.memory_space<semaphore_mem>>
        %dma_start3A_241 = arith.constant 0 : i32
        %dma_start3A_242 = tpu.memref_slice %arg11[%mul3A_210, %dma_start3A_241] : memref<252x80xi32, #tpu.memory_space<vmem>> -> memref<1x80xi32, #tpu.memory_space<vmem>>
        %dma_start3A_243 = tpu.memref_squeeze %dma_start3A_242 : memref<1x80xi32, #tpu.memory_space<vmem>> -> memref<80xi32, #tpu.memory_space<vmem>>
        %dma_start3A_244 = arith.constant 0 : i32
        %dma_start3A_245 = arith.constant 0 : i32
        %dma_start3A_246 = tpu.memref_slice %arg14[%dma_start3A_244, %dma_start3A_245] : memref<5144x128xf32, #tpu.memory_space<vmem_shared>> -> memref<5144x128xf32, #tpu.memory_space<vmem_shared>>
        tpu.enqueue_indirect_dma source(%arg12 : memref<80x128xf32, #tpu.memory_space<vmem>>) target(%dma_start3A_246 : memref<5144x128xf32, #tpu.memory_space<vmem_shared>>) offsets(%dma_start3A_243 : memref<80xi32, #tpu.memory_space<vmem>>) semaphore(%run_scoped3A_240 : memref<!tpu.dma_semaphore, #tpu.memory_space<semaphore_mem>>) {add = true}
        %dma_wait3A_247 = arith.constant 0 : i32
        %dma_wait3A_248 = tpu.memref_slice %arg11[%mul3A_210, %dma_wait3A_247] : memref<252x80xi32, #tpu.memory_space<vmem>> -> memref<1x80xi32, #tpu.memory_space<vmem>>
        %dma_wait3A_249 = tpu.memref_squeeze %dma_wait3A_248 : memref<1x80xi32, #tpu.memory_space<vmem>> -> memref<80xi32, #tpu.memory_space<vmem>>
        %dma_wait3A_250 = arith.constant 0 : i32
        %dma_wait3A_251 = arith.constant 0 : i32
        %dma_wait3A_252 = tpu.memref_slice %arg14[%dma_wait3A_250, %dma_wait3A_251] : memref<5144x128xf32, #tpu.memory_space<vmem_shared>> -> memref<5144x128xf32, #tpu.memory_space<vmem_shared>>
        tpu.wait_indirect_dma semaphore(%run_scoped3A_240 : memref<!tpu.dma_semaphore, #tpu.memory_space<semaphore_mem>>) src(%arg12 : memref<80x128xf32, #tpu.memory_space<vmem>>) dst(%dma_wait3A_252 : memref<5144x128xf32, #tpu.memory_space<vmem_shared>>)
        tpu.yield
      }) : () -> ()
      %add3A_224 = arith.constant 2 : i32
      %add3A_225 = arith.addi %mul3A_210, %add3A_224 : i32
      %lt3A_226 = arith.cmpi slt, %add3A_225, %add3A_15 : i32
      %convert_element_type3A_227 = arith.extui %lt3A_226 : i1 to i32
      %cond3A_228 = arith.constant 0 : i32
      %cond3A_229 = arith.cmpi ne, %convert_element_type3A_227, %cond3A_228 : i32
      scf.if %cond3A_229 {
        %add3A_240 = arith.constant 2 : i32
        %add3A_241 = arith.addi %mul3A_210, %add3A_240 : i32
        %dma_start3A_242 = arith.constant 0 : i32
        %dma_start3A_243 = tpu.memref_slice %arg10[%add3A_241, %dma_start3A_242] : memref<252x80xi32, #tpu.memory_space<vmem>> -> memref<1x80xi32, #tpu.memory_space<vmem>>
        %dma_start3A_244 = tpu.memref_squeeze %dma_start3A_243 : memref<1x80xi32, #tpu.memory_space<vmem>> -> memref<80xi32, #tpu.memory_space<vmem>>
        %dma_start3A_245 = arith.constant 0 : i32
        %dma_start3A_246 = arith.constant 0 : i32
        %dma_start3A_247 = tpu.memref_slice %arg6[%dma_start3A_245, %dma_start3A_246] : memref<20128x128xf32, #tpu.memory_space<hbm>> -> memref<20128x128xf32, #tpu.memory_space<hbm>>
        tpu.enqueue_indirect_dma source(%dma_start3A_247 : memref<20128x128xf32, #tpu.memory_space<hbm>>) target(%arg12 : memref<80x128xf32, #tpu.memory_space<vmem>>) offsets(%dma_start3A_244 : memref<80xi32, #tpu.memory_space<vmem>>) semaphore(%arg15 : memref<!tpu.dma_semaphore, #tpu.memory_space<semaphore_mem>>)
      } else {
      }
      %add3A_230 = arith.constant 1 : i32
      %add3A_231 = arith.addi %mul3A_210, %add3A_230 : i32
      %dma_wait3A_232 = arith.constant 0 : i32
      %dma_wait3A_233 = tpu.memref_slice %arg10[%add3A_231, %dma_wait3A_232] : memref<252x80xi32, #tpu.memory_space<vmem>> -> memref<1x80xi32, #tpu.memory_space<vmem>>
      %dma_wait3A_234 = tpu.memref_squeeze %dma_wait3A_233 : memref<1x80xi32, #tpu.memory_space<vmem>> -> memref<80xi32, #tpu.memory_space<vmem>>
      %dma_wait3A_235 = arith.constant 0 : i32
      %dma_wait3A_236 = arith.constant 0 : i32
      %dma_wait3A_237 = tpu.memref_slice %arg6[%dma_wait3A_235, %dma_wait3A_236] : memref<20128x128xf32, #tpu.memory_space<hbm>> -> memref<20128x128xf32, #tpu.memory_space<hbm>>
      tpu.wait_indirect_dma semaphore(%arg16 : memref<!tpu.dma_semaphore, #tpu.memory_space<semaphore_mem>>) src(%dma_wait3A_237 : memref<20128x128xf32, #tpu.memory_space<hbm>>) dst(%arg13 : memref<80x128xf32, #tpu.memory_space<vmem>>)
      %add3A_238 = arith.constant 1 : i32
      %add3A_239 = arith.addi %mul3A_210, %add3A_238 : i32
      "tpu.region"() ({
        %run_scoped3A_240 = tpu.sem_alloc : memref<!tpu.dma_semaphore, #tpu.memory_space<semaphore_mem>>
        %dma_start3A_241 = arith.constant 0 : i32
        %dma_start3A_242 = tpu.memref_slice %arg11[%add3A_239, %dma_start3A_241] : memref<252x80xi32, #tpu.memory_space<vmem>> -> memref<1x80xi32, #tpu.memory_space<vmem>>
        %dma_start3A_243 = tpu.memref_squeeze %dma_start3A_242 : memref<1x80xi32, #tpu.memory_space<vmem>> -> memref<80xi32, #tpu.memory_space<vmem>>
        %dma_start3A_244 = arith.constant 0 : i32
        %dma_start3A_245 = arith.constant 0 : i32
        %dma_start3A_246 = tpu.memref_slice %arg14[%dma_start3A_244, %dma_start3A_245] : memref<5144x128xf32, #tpu.memory_space<vmem_shared>> -> memref<5144x128xf32, #tpu.memory_space<vmem_shared>>
        tpu.enqueue_indirect_dma source(%arg13 : memref<80x128xf32, #tpu.memory_space<vmem>>) target(%dma_start3A_246 : memref<5144x128xf32, #tpu.memory_space<vmem_shared>>) offsets(%dma_start3A_243 : memref<80xi32, #tpu.memory_space<vmem>>) semaphore(%run_scoped3A_240 : memref<!tpu.dma_semaphore, #tpu.memory_space<semaphore_mem>>) {add = true}
        %dma_wait3A_247 = arith.constant 0 : i32
        %dma_wait3A_248 = tpu.memref_slice %arg11[%add3A_239, %dma_wait3A_247] : memref<252x80xi32, #tpu.memory_space<vmem>> -> memref<1x80xi32, #tpu.memory_space<vmem>>
        %dma_wait3A_249 = tpu.memref_squeeze %dma_wait3A_248 : memref<1x80xi32, #tpu.memory_space<vmem>> -> memref<80xi32, #tpu.memory_space<vmem>>
        %dma_wait3A_250 = arith.constant 0 : i32
        %dma_wait3A_251 = arith.constant 0 : i32
        %dma_wait3A_252 = tpu.memref_slice %arg14[%dma_wait3A_250, %dma_wait3A_251] : memref<5144x128xf32, #tpu.memory_space<vmem_shared>> -> memref<5144x128xf32, #tpu.memory_space<vmem_shared>>
        tpu.wait_indirect_dma semaphore(%run_scoped3A_240 : memref<!tpu.dma_semaphore, #tpu.memory_space<semaphore_mem>>) src(%arg13 : memref<80x128xf32, #tpu.memory_space<vmem>>) dst(%dma_wait3A_252 : memref<5144x128xf32, #tpu.memory_space<vmem_shared>>)
        tpu.yield
      }) : () -> ()
    }
    %barrier3A_49 = arith.constant 0 : index
    tpu.barrier barrier_id(%barrier3A_49)
    %lt3A_50 = arith.constant 8 : i32
    %lt3A_51 = arith.cmpi slt, %arg1, %lt3A_50 : i32
    %convert_element_type3A_52 = arith.extui %lt3A_51 : i1 to i32
    %cond3A_53 = arith.constant 0 : i32
    %cond3A_54 = arith.cmpi ne, %convert_element_type3A_52, %cond3A_53 : i32
    scf.if %cond3A_54 {
      %add3A_208 = arith.constant 0 : i32
      %add3A_209 = arith.addi %add3A_208, %mul3A_1 : i32
      %run_scoped3A_210 = arith.constant 0 : i32
      "tpu.region"() ({
        %run_scoped3A_211 = tpu.sem_alloc : memref<!tpu.dma_semaphore, #tpu.memory_space<semaphore_mem>>
        %dma_start3A_212 = arith.constant 0 : i32
        %dma_start3A_213 = tpu.memref_slice %arg8[%run_scoped3A_210, %arg0, %add3A_209, %dma_start3A_212] : memref<2x2x10112x128xf32, #tpu.memory_space<hbm>> -> memref<1x1x632x128xf32, #tpu.memory_space<hbm>>
        %dma_start3A_214 = tpu.memref_squeeze %dma_start3A_213 : memref<1x1x632x128xf32, #tpu.memory_space<hbm>> -> memref<632x128xf32, #tpu.memory_space<hbm>>
        %dma_start3A_215 = arith.constant 0 : i32
        %dma_start3A_216 = tpu.memref_slice %arg14[%mul3A_1, %dma_start3A_215] : memref<5144x128xf32, #tpu.memory_space<vmem_shared>> -> memref<632x128xf32, #tpu.memory_space<vmem_shared>>
        tpu.enqueue_dma source(%dma_start3A_216 : memref<632x128xf32, #tpu.memory_space<vmem_shared>>) target(%dma_start3A_214 : memref<632x128xf32, #tpu.memory_space<hbm>>) target_semaphore(%run_scoped3A_211 : memref<!tpu.dma_semaphore, #tpu.memory_space<semaphore_mem>>)
        %dma_wait3A = arith.constant 0 : i32
        %dma_wait3A_217 = tpu.memref_slice %arg8[%run_scoped3A_210, %arg0, %add3A_209, %dma_wait3A] : memref<2x2x10112x128xf32, #tpu.memory_space<hbm>> -> memref<1x1x632x128xf32, #tpu.memory_space<hbm>>
        %dma_wait3A_218 = tpu.memref_squeeze %dma_wait3A_217 : memref<1x1x632x128xf32, #tpu.memory_space<hbm>> -> memref<632x128xf32, #tpu.memory_space<hbm>>
        %dma_wait3A_219 = arith.constant 0 : i32
        %dma_wait3A_220 = tpu.memref_slice %arg14[%mul3A_1, %dma_wait3A_219] : memref<5144x128xf32, #tpu.memory_space<vmem_shared>> -> memref<632x128xf32, #tpu.memory_space<vmem_shared>>
        tpu.wait_dma2 semaphore(%run_scoped3A_211 : memref<!tpu.dma_semaphore, #tpu.memory_space<semaphore_mem>>) src(%dma_wait3A_220 : memref<632x128xf32, #tpu.memory_space<vmem_shared>>) dst(%dma_wait3A_218 : memref<632x128xf32, #tpu.memory_space<hbm>>)
        tpu.yield
      }) : () -> ()
    } else {
    }
    %eq3A_55 = arith.constant 8 : i32
    %eq3A_56 = arith.cmpi eq, %arg1, %eq3A_55 : i32
    %eq3A_57 = arith.constant 0 : i32
    %eq3A_58 = arith.cmpi eq, %arg0, %eq3A_57 : i32
    %and3A_59 = arith.andi %eq3A_56, %eq3A_58 : i1
    %convert_element_type3A_60 = arith.extui %and3A_59 : i1 to i32
    %cond3A_61 = arith.constant 0 : i32
    %cond3A_62 = arith.cmpi ne, %convert_element_type3A_60, %cond3A_61 : i32
    scf.if %cond3A_62 {
      %run_scoped3A_208 = arith.constant 0 : i32
      "tpu.region"() ({
        %run_scoped3A_209 = tpu.sem_alloc : memref<!tpu.dma_semaphore, #tpu.memory_space<semaphore_mem>>
        %dma_start3A_210 = arith.constant 0 : i32
        %dma_start3A_211 = arith.constant 0 : i32
        %dma_start3A_212 = tpu.memref_slice %arg9[%run_scoped3A_208, %dma_start3A_210, %dma_start3A_211] : memref<2x80x128xf32, #tpu.memory_space<hbm>> -> memref<1x80x128xf32, #tpu.memory_space<hbm>>
        %dma_start3A_213 = tpu.memref_squeeze %dma_start3A_212 : memref<1x80x128xf32, #tpu.memory_space<hbm>> -> memref<80x128xf32, #tpu.memory_space<hbm>>
        %dma_start3A_214 = arith.constant 5056 : i32
        %dma_start3A_215 = arith.constant 0 : i32
        %dma_start3A_216 = tpu.memref_slice %arg14[%dma_start3A_214, %dma_start3A_215] : memref<5144x128xf32, #tpu.memory_space<vmem_shared>> -> memref<80x128xf32, #tpu.memory_space<vmem_shared>>
        tpu.enqueue_dma source(%dma_start3A_216 : memref<80x128xf32, #tpu.memory_space<vmem_shared>>) target(%dma_start3A_213 : memref<80x128xf32, #tpu.memory_space<hbm>>) target_semaphore(%run_scoped3A_209 : memref<!tpu.dma_semaphore, #tpu.memory_space<semaphore_mem>>)
        %dma_wait3A = arith.constant 0 : i32
        %dma_wait3A_217 = arith.constant 0 : i32
        %dma_wait3A_218 = tpu.memref_slice %arg9[%run_scoped3A_208, %dma_wait3A, %dma_wait3A_217] : memref<2x80x128xf32, #tpu.memory_space<hbm>> -> memref<1x80x128xf32, #tpu.memory_space<hbm>>
        %dma_wait3A_219 = tpu.memref_squeeze %dma_wait3A_218 : memref<1x80x128xf32, #tpu.memory_space<hbm>> -> memref<80x128xf32, #tpu.memory_space<hbm>>
        %dma_wait3A_220 = arith.constant 5056 : i32
        %dma_wait3A_221 = arith.constant 0 : i32
        %dma_wait3A_222 = tpu.memref_slice %arg14[%dma_wait3A_220, %dma_wait3A_221] : memref<5144x128xf32, #tpu.memory_space<vmem_shared>> -> memref<80x128xf32, #tpu.memory_space<vmem_shared>>
        tpu.wait_dma2 semaphore(%run_scoped3A_209 : memref<!tpu.dma_semaphore, #tpu.memory_space<semaphore_mem>>) src(%dma_wait3A_222 : memref<80x128xf32, #tpu.memory_space<vmem_shared>>) dst(%dma_wait3A_219 : memref<80x128xf32, #tpu.memory_space<hbm>>)
        tpu.yield
      }) : () -> ()
    } else {
    }
    %barrier3A_63 = arith.constant 0 : index
    tpu.barrier barrier_id(%barrier3A_63)
    %run_scoped3A_64 = arith.constant 0 : i32
    %run_scoped3A_65 = arith.constant 1 : i32
    "tpu.region"() ({
      %run_scoped3A_208 = tpu.sem_alloc : memref<!tpu.dma_semaphore, #tpu.memory_space<semaphore_mem>>
      %dma_start3A_209 = arith.constant 0 : i32
      %dma_start3A_210 = arith.constant 0 : i32
      %dma_start3A_211 = tpu.memref_slice %arg11[%dma_start3A_209, %dma_start3A_210] : memref<252x80xi32, #tpu.memory_space<vmem>> -> memref<126x80xi32, #tpu.memory_space<vmem>>
      %dma_start3A_212 = arith.constant 0 : i32
      %dma_start3A_213 = arith.constant 0 : i32
      %dma_start3A_214 = tpu.memref_slice %arg4[%run_scoped3A_64, %run_scoped3A_65, %arg1, %dma_start3A_212, %dma_start3A_213] : memref<2x2x16x126x80xi32, #tpu.memory_space<hbm>> -> memref<1x1x1x126x80xi32, #tpu.memory_space<hbm>>
      %dma_start3A_215 = tpu.memref_squeeze %dma_start3A_214 : memref<1x1x1x126x80xi32, #tpu.memory_space<hbm>> -> memref<126x80xi32, #tpu.memory_space<hbm>>
      %dma_start3A_216 = arith.constant 0 : i32
      %dma_start3A_217 = arith.constant 0 : i32
      %dma_start3A_218 = tpu.memref_slice %arg11[%dma_start3A_216, %dma_start3A_217] : memref<252x80xi32, #tpu.memory_space<vmem>> -> memref<126x80xi32, #tpu.memory_space<vmem>>
      %dma_start3A_219 = arith.constant 0 : i32
      %dma_start3A_220 = arith.constant 0 : i32
      %dma_start3A_221 = tpu.memref_slice %arg4[%run_scoped3A_64, %run_scoped3A_65, %arg1, %dma_start3A_219, %dma_start3A_220] : memref<2x2x16x126x80xi32, #tpu.memory_space<hbm>> -> memref<1x1x1x126x80xi32, #tpu.memory_space<hbm>>
      %dma_start3A_222 = tpu.memref_squeeze %dma_start3A_221 : memref<1x1x1x126x80xi32, #tpu.memory_space<hbm>> -> memref<126x80xi32, #tpu.memory_space<hbm>>
      tpu.enqueue_dma source(%dma_start3A_222 : memref<126x80xi32, #tpu.memory_space<hbm>>) target(%dma_start3A_218 : memref<126x80xi32, #tpu.memory_space<vmem>>) target_semaphore(%run_scoped3A_208 : memref<!tpu.dma_semaphore, #tpu.memory_space<semaphore_mem>>)
      %dma_wait3A = arith.constant 0 : i32
      %dma_wait3A_223 = arith.constant 0 : i32
      %dma_wait3A_224 = tpu.memref_slice %arg11[%dma_wait3A, %dma_wait3A_223] : memref<252x80xi32, #tpu.memory_space<vmem>> -> memref<126x80xi32, #tpu.memory_space<vmem>>
      %dma_wait3A_225 = arith.constant 0 : i32
      %dma_wait3A_226 = arith.constant 0 : i32
      %dma_wait3A_227 = tpu.memref_slice %arg4[%run_scoped3A_64, %run_scoped3A_65, %arg1, %dma_wait3A_225, %dma_wait3A_226] : memref<2x2x16x126x80xi32, #tpu.memory_space<hbm>> -> memref<1x1x1x126x80xi32, #tpu.memory_space<hbm>>
      %dma_wait3A_228 = tpu.memref_squeeze %dma_wait3A_227 : memref<1x1x1x126x80xi32, #tpu.memory_space<hbm>> -> memref<126x80xi32, #tpu.memory_space<hbm>>
      %dma_wait3A_229 = arith.constant 0 : i32
      %dma_wait3A_230 = arith.constant 0 : i32
      %dma_wait3A_231 = tpu.memref_slice %arg11[%dma_wait3A_229, %dma_wait3A_230] : memref<252x80xi32, #tpu.memory_space<vmem>> -> memref<126x80xi32, #tpu.memory_space<vmem>>
      %dma_wait3A_232 = arith.constant 0 : i32
      %dma_wait3A_233 = arith.constant 0 : i32
      %dma_wait3A_234 = tpu.memref_slice %arg4[%run_scoped3A_64, %run_scoped3A_65, %arg1, %dma_wait3A_232, %dma_wait3A_233] : memref<2x2x16x126x80xi32, #tpu.memory_space<hbm>> -> memref<1x1x1x126x80xi32, #tpu.memory_space<hbm>>
      %dma_wait3A_235 = tpu.memref_squeeze %dma_wait3A_234 : memref<1x1x1x126x80xi32, #tpu.memory_space<hbm>> -> memref<126x80xi32, #tpu.memory_space<hbm>>
      tpu.wait_dma2 semaphore(%run_scoped3A_208 : memref<!tpu.dma_semaphore, #tpu.memory_space<semaphore_mem>>) src(%dma_wait3A_235 : memref<126x80xi32, #tpu.memory_space<hbm>>) dst(%dma_wait3A_231 : memref<126x80xi32, #tpu.memory_space<vmem>>)
      tpu.yield
    }) : () -> ()
    %lt3A_66 = arith.constant 8 : i32
    %lt3A_67 = arith.cmpi slt, %arg1, %lt3A_66 : i32
    %convert_element_type3A_68 = arith.extui %lt3A_67 : i1 to i32
    %cond3A_69 = arith.constant 0 : i32
    %cond3A_70 = arith.cmpi ne, %convert_element_type3A_68, %cond3A_69 : i32
    scf.if %cond3A_70 {
      "tpu.region"() ({
        %run_scoped3A_208 = tpu.sem_alloc : memref<!tpu.dma_semaphore, #tpu.memory_space<semaphore_mem>>
        %dma_start3A_209 = arith.constant 0 : i32
        %dma_start3A_210 = tpu.memref_slice %arg14[%mul3A_1, %dma_start3A_209] : memref<5144x128xf32, #tpu.memory_space<vmem_shared>> -> memref<632x128xf32, #tpu.memory_space<vmem_shared>>
        tpu.enqueue_dma source(%arg7 : memref<632x128xf32, #tpu.memory_space<hbm>>) target(%dma_start3A_210 : memref<632x128xf32, #tpu.memory_space<vmem_shared>>) target_semaphore(%run_scoped3A_208 : memref<!tpu.dma_semaphore, #tpu.memory_space<semaphore_mem>>)
        %dma_wait3A = arith.constant 0 : i32
        %dma_wait3A_211 = tpu.memref_slice %arg14[%mul3A_1, %dma_wait3A] : memref<5144x128xf32, #tpu.memory_space<vmem_shared>> -> memref<632x128xf32, #tpu.memory_space<vmem_shared>>
        tpu.wait_dma2 semaphore(%run_scoped3A_208 : memref<!tpu.dma_semaphore, #tpu.memory_space<semaphore_mem>>) src(%arg7 : memref<632x128xf32, #tpu.memory_space<hbm>>) dst(%dma_wait3A_211 : memref<632x128xf32, #tpu.memory_space<vmem_shared>>)
        tpu.yield
      }) : () -> ()
    } else {
    }
    %eq3A_71 = arith.constant 8 : i32
    %eq3A_72 = arith.cmpi eq, %arg1, %eq3A_71 : i32
    %convert_element_type3A_73 = arith.extui %eq3A_72 : i1 to i32
    %cond3A_74 = arith.constant 0 : i32
    %cond3A_75 = arith.cmpi ne, %convert_element_type3A_73, %cond3A_74 : i32
    scf.if %cond3A_75 {
      "tpu.region"() ({
        %run_scoped3A_208 = tpu.sem_alloc : memref<!tpu.dma_semaphore, #tpu.memory_space<semaphore_mem>>
        %dma_start3A_209 = arith.constant 5056 : i32
        %dma_start3A_210 = arith.constant 0 : i32
        %dma_start3A_211 = tpu.memref_slice %arg14[%dma_start3A_209, %dma_start3A_210] : memref<5144x128xf32, #tpu.memory_space<vmem_shared>> -> memref<88x128xf32, #tpu.memory_space<vmem_shared>>
        %dma_start3A_212 = arith.constant 0 : i32
        %dma_start3A_213 = arith.constant 0 : i32
        %dma_start3A_214 = tpu.memref_slice %arg7[%dma_start3A_212, %dma_start3A_213] : memref<632x128xf32, #tpu.memory_space<hbm>> -> memref<88x128xf32, #tpu.memory_space<hbm>>
        tpu.enqueue_dma source(%dma_start3A_214 : memref<88x128xf32, #tpu.memory_space<hbm>>) target(%dma_start3A_211 : memref<88x128xf32, #tpu.memory_space<vmem_shared>>) target_semaphore(%run_scoped3A_208 : memref<!tpu.dma_semaphore, #tpu.memory_space<semaphore_mem>>)
        %dma_wait3A = arith.constant 5056 : i32
        %dma_wait3A_215 = arith.constant 0 : i32
        %dma_wait3A_216 = tpu.memref_slice %arg14[%dma_wait3A, %dma_wait3A_215] : memref<5144x128xf32, #tpu.memory_space<vmem_shared>> -> memref<88x128xf32, #tpu.memory_space<vmem_shared>>
        %dma_wait3A_217 = arith.constant 0 : i32
        %dma_wait3A_218 = arith.constant 0 : i32
        %dma_wait3A_219 = tpu.memref_slice %arg7[%dma_wait3A_217, %dma_wait3A_218] : memref<632x128xf32, #tpu.memory_space<hbm>> -> memref<88x128xf32, #tpu.memory_space<hbm>>
        tpu.wait_dma2 semaphore(%run_scoped3A_208 : memref<!tpu.dma_semaphore, #tpu.memory_space<semaphore_mem>>) src(%dma_wait3A_219 : memref<88x128xf32, #tpu.memory_space<hbm>>) dst(%dma_wait3A_216 : memref<88x128xf32, #tpu.memory_space<vmem_shared>>)
        tpu.yield
      }) : () -> ()
    } else {
    }
    %barrier3A_76 = arith.constant 0 : index
    tpu.barrier barrier_id(%barrier3A_76)
    %dma_start3A_77 = arith.constant 0 : i32
    %dma_start3A_78 = arith.constant 0 : i32
    %dma_start3A_79 = tpu.memref_slice %arg10[%dma_start3A_77, %dma_start3A_78] : memref<252x80xi32, #tpu.memory_space<vmem>> -> memref<1x80xi32, #tpu.memory_space<vmem>>
    %dma_start3A_80 = tpu.memref_squeeze %dma_start3A_79 : memref<1x80xi32, #tpu.memory_space<vmem>> -> memref<80xi32, #tpu.memory_space<vmem>>
    %dma_start3A_81 = arith.constant 0 : i32
    %dma_start3A_82 = arith.constant 0 : i32
    %dma_start3A_83 = tpu.memref_slice %arg6[%dma_start3A_81, %dma_start3A_82] : memref<20128x128xf32, #tpu.memory_space<hbm>> -> memref<20128x128xf32, #tpu.memory_space<hbm>>
    tpu.enqueue_indirect_dma source(%dma_start3A_83 : memref<20128x128xf32, #tpu.memory_space<hbm>>) target(%arg12 : memref<80x128xf32, #tpu.memory_space<vmem>>) offsets(%dma_start3A_80 : memref<80xi32, #tpu.memory_space<vmem>>) semaphore(%arg15 : memref<!tpu.dma_semaphore, #tpu.memory_space<semaphore_mem>>)
    %scan3A = arith.constant 0 : i32
    %scan3A_84 = arith.constant 0 : i32
    %scan3A_85 = arith.constant 63 : i32
    %scan3A_86 = arith.addi %scan3A_84, %scan3A_85 : i32
    %scan3A_87 = arith.constant 1 : i32
    scf.for %scan3A_208 = %scan3A_84 to %scan3A_86 step %scan3A_87  : i32 {
      %mul3A_209 = arith.constant 2 : i32
      %mul3A_210 = arith.muli %mul3A_209, %scan3A_208 : i32
      %add3A_211 = arith.constant 1 : i32
      %add3A_212 = arith.addi %mul3A_210, %add3A_211 : i32
      %dma_start3A_213 = arith.constant 0 : i32
      %dma_start3A_214 = tpu.memref_slice %arg10[%add3A_212, %dma_start3A_213] : memref<252x80xi32, #tpu.memory_space<vmem>> -> memref<1x80xi32, #tpu.memory_space<vmem>>
      %dma_start3A_215 = tpu.memref_squeeze %dma_start3A_214 : memref<1x80xi32, #tpu.memory_space<vmem>> -> memref<80xi32, #tpu.memory_space<vmem>>
      %dma_start3A_216 = arith.constant 0 : i32
      %dma_start3A_217 = arith.constant 0 : i32
      %dma_start3A_218 = tpu.memref_slice %arg6[%dma_start3A_216, %dma_start3A_217] : memref<20128x128xf32, #tpu.memory_space<hbm>> -> memref<20128x128xf32, #tpu.memory_space<hbm>>
      tpu.enqueue_indirect_dma source(%dma_start3A_218 : memref<20128x128xf32, #tpu.memory_space<hbm>>) target(%arg13 : memref<80x128xf32, #tpu.memory_space<vmem>>) offsets(%dma_start3A_215 : memref<80xi32, #tpu.memory_space<vmem>>) semaphore(%arg16 : memref<!tpu.dma_semaphore, #tpu.memory_space<semaphore_mem>>)
      %dma_wait3A = arith.constant 0 : i32
      %dma_wait3A_219 = tpu.memref_slice %arg10[%mul3A_210, %dma_wait3A] : memref<252x80xi32, #tpu.memory_space<vmem>> -> memref<1x80xi32, #tpu.memory_space<vmem>>
      %dma_wait3A_220 = tpu.memref_squeeze %dma_wait3A_219 : memref<1x80xi32, #tpu.memory_space<vmem>> -> memref<80xi32, #tpu.memory_space<vmem>>
      %dma_wait3A_221 = arith.constant 0 : i32
      %dma_wait3A_222 = arith.constant 0 : i32
      %dma_wait3A_223 = tpu.memref_slice %arg6[%dma_wait3A_221, %dma_wait3A_222] : memref<20128x128xf32, #tpu.memory_space<hbm>> -> memref<20128x128xf32, #tpu.memory_space<hbm>>
      tpu.wait_indirect_dma semaphore(%arg15 : memref<!tpu.dma_semaphore, #tpu.memory_space<semaphore_mem>>) src(%dma_wait3A_223 : memref<20128x128xf32, #tpu.memory_space<hbm>>) dst(%arg12 : memref<80x128xf32, #tpu.memory_space<vmem>>)
      "tpu.region"() ({
        %run_scoped3A_241 = tpu.sem_alloc : memref<!tpu.dma_semaphore, #tpu.memory_space<semaphore_mem>>
        %dma_start3A_242 = arith.constant 0 : i32
        %dma_start3A_243 = tpu.memref_slice %arg11[%mul3A_210, %dma_start3A_242] : memref<252x80xi32, #tpu.memory_space<vmem>> -> memref<1x80xi32, #tpu.memory_space<vmem>>
        %dma_start3A_244 = tpu.memref_squeeze %dma_start3A_243 : memref<1x80xi32, #tpu.memory_space<vmem>> -> memref<80xi32, #tpu.memory_space<vmem>>
        %dma_start3A_245 = arith.constant 0 : i32
        %dma_start3A_246 = arith.constant 0 : i32
        %dma_start3A_247 = tpu.memref_slice %arg14[%dma_start3A_245, %dma_start3A_246] : memref<5144x128xf32, #tpu.memory_space<vmem_shared>> -> memref<5144x128xf32, #tpu.memory_space<vmem_shared>>
        tpu.enqueue_indirect_dma source(%arg12 : memref<80x128xf32, #tpu.memory_space<vmem>>) target(%dma_start3A_247 : memref<5144x128xf32, #tpu.memory_space<vmem_shared>>) offsets(%dma_start3A_244 : memref<80xi32, #tpu.memory_space<vmem>>) semaphore(%run_scoped3A_241 : memref<!tpu.dma_semaphore, #tpu.memory_space<semaphore_mem>>) {add = true}
        %dma_wait3A_248 = arith.constant 0 : i32
        %dma_wait3A_249 = tpu.memref_slice %arg11[%mul3A_210, %dma_wait3A_248] : memref<252x80xi32, #tpu.memory_space<vmem>> -> memref<1x80xi32, #tpu.memory_space<vmem>>
        %dma_wait3A_250 = tpu.memref_squeeze %dma_wait3A_249 : memref<1x80xi32, #tpu.memory_space<vmem>> -> memref<80xi32, #tpu.memory_space<vmem>>
        %dma_wait3A_251 = arith.constant 0 : i32
        %dma_wait3A_252 = arith.constant 0 : i32
        %dma_wait3A_253 = tpu.memref_slice %arg14[%dma_wait3A_251, %dma_wait3A_252] : memref<5144x128xf32, #tpu.memory_space<vmem_shared>> -> memref<5144x128xf32, #tpu.memory_space<vmem_shared>>
        tpu.wait_indirect_dma semaphore(%run_scoped3A_241 : memref<!tpu.dma_semaphore, #tpu.memory_space<semaphore_mem>>) src(%arg12 : memref<80x128xf32, #tpu.memory_space<vmem>>) dst(%dma_wait3A_253 : memref<5144x128xf32, #tpu.memory_space<vmem_shared>>)
        tpu.yield
      }) : () -> ()
      %add3A_224 = arith.constant 2 : i32
      %add3A_225 = arith.addi %mul3A_210, %add3A_224 : i32
      %lt3A_226 = arith.constant 126 : i32
      %lt3A_227 = arith.cmpi slt, %add3A_225, %lt3A_226 : i32
      %convert_element_type3A_228 = arith.extui %lt3A_227 : i1 to i32
      %cond3A_229 = arith.constant 0 : i32
      %cond3A_230 = arith.cmpi ne, %convert_element_type3A_228, %cond3A_229 : i32
      scf.if %cond3A_230 {
        %add3A_241 = arith.constant 2 : i32
        %add3A_242 = arith.addi %mul3A_210, %add3A_241 : i32
        %dma_start3A_243 = arith.constant 0 : i32
        %dma_start3A_244 = tpu.memref_slice %arg10[%add3A_242, %dma_start3A_243] : memref<252x80xi32, #tpu.memory_space<vmem>> -> memref<1x80xi32, #tpu.memory_space<vmem>>
        %dma_start3A_245 = tpu.memref_squeeze %dma_start3A_244 : memref<1x80xi32, #tpu.memory_space<vmem>> -> memref<80xi32, #tpu.memory_space<vmem>>
        %dma_start3A_246 = arith.constant 0 : i32
        %dma_start3A_247 = arith.constant 0 : i32
        %dma_start3A_248 = tpu.memref_slice %arg6[%dma_start3A_246, %dma_start3A_247] : memref<20128x128xf32, #tpu.memory_space<hbm>> -> memref<20128x128xf32, #tpu.memory_space<hbm>>
        tpu.enqueue_indirect_dma source(%dma_start3A_248 : memref<20128x128xf32, #tpu.memory_space<hbm>>) target(%arg12 : memref<80x128xf32, #tpu.memory_space<vmem>>) offsets(%dma_start3A_245 : memref<80xi32, #tpu.memory_space<vmem>>) semaphore(%arg15 : memref<!tpu.dma_semaphore, #tpu.memory_space<semaphore_mem>>)
      } else {
      }
      %add3A_231 = arith.constant 1 : i32
      %add3A_232 = arith.addi %mul3A_210, %add3A_231 : i32
      %dma_wait3A_233 = arith.constant 0 : i32
      %dma_wait3A_234 = tpu.memref_slice %arg10[%add3A_232, %dma_wait3A_233] : memref<252x80xi32, #tpu.memory_space<vmem>> -> memref<1x80xi32, #tpu.memory_space<vmem>>
      %dma_wait3A_235 = tpu.memref_squeeze %dma_wait3A_234 : memref<1x80xi32, #tpu.memory_space<vmem>> -> memref<80xi32, #tpu.memory_space<vmem>>
      %dma_wait3A_236 = arith.constant 0 : i32
      %dma_wait3A_237 = arith.constant 0 : i32
      %dma_wait3A_238 = tpu.memref_slice %arg6[%dma_wait3A_236, %dma_wait3A_237] : memref<20128x128xf32, #tpu.memory_space<hbm>> -> memref<20128x128xf32, #tpu.memory_space<hbm>>
      tpu.wait_indirect_dma semaphore(%arg16 : memref<!tpu.dma_semaphore, #tpu.memory_space<semaphore_mem>>) src(%dma_wait3A_238 : memref<20128x128xf32, #tpu.memory_space<hbm>>) dst(%arg13 : memref<80x128xf32, #tpu.memory_space<vmem>>)
      %add3A_239 = arith.constant 1 : i32
      %add3A_240 = arith.addi %mul3A_210, %add3A_239 : i32
      "tpu.region"() ({
        %run_scoped3A_241 = tpu.sem_alloc : memref<!tpu.dma_semaphore, #tpu.memory_space<semaphore_mem>>
        %dma_start3A_242 = arith.constant 0 : i32
        %dma_start3A_243 = tpu.memref_slice %arg11[%add3A_240, %dma_start3A_242] : memref<252x80xi32, #tpu.memory_space<vmem>> -> memref<1x80xi32, #tpu.memory_space<vmem>>
        %dma_start3A_244 = tpu.memref_squeeze %dma_start3A_243 : memref<1x80xi32, #tpu.memory_space<vmem>> -> memref<80xi32, #tpu.memory_space<vmem>>
        %dma_start3A_245 = arith.constant 0 : i32
        %dma_start3A_246 = arith.constant 0 : i32
        %dma_start3A_247 = tpu.memref_slice %arg14[%dma_start3A_245, %dma_start3A_246] : memref<5144x128xf32, #tpu.memory_space<vmem_shared>> -> memref<5144x128xf32, #tpu.memory_space<vmem_shared>>
        tpu.enqueue_indirect_dma source(%arg13 : memref<80x128xf32, #tpu.memory_space<vmem>>) target(%dma_start3A_247 : memref<5144x128xf32, #tpu.memory_space<vmem_shared>>) offsets(%dma_start3A_244 : memref<80xi32, #tpu.memory_space<vmem>>) semaphore(%run_scoped3A_241 : memref<!tpu.dma_semaphore, #tpu.memory_space<semaphore_mem>>) {add = true}
        %dma_wait3A_248 = arith.constant 0 : i32
        %dma_wait3A_249 = tpu.memref_slice %arg11[%add3A_240, %dma_wait3A_248] : memref<252x80xi32, #tpu.memory_space<vmem>> -> memref<1x80xi32, #tpu.memory_space<vmem>>
        %dma_wait3A_250 = tpu.memref_squeeze %dma_wait3A_249 : memref<1x80xi32, #tpu.memory_space<vmem>> -> memref<80xi32, #tpu.memory_space<vmem>>
        %dma_wait3A_251 = arith.constant 0 : i32
        %dma_wait3A_252 = arith.constant 0 : i32
        %dma_wait3A_253 = tpu.memref_slice %arg14[%dma_wait3A_251, %dma_wait3A_252] : memref<5144x128xf32, #tpu.memory_space<vmem_shared>> -> memref<5144x128xf32, #tpu.memory_space<vmem_shared>>
        tpu.wait_indirect_dma semaphore(%run_scoped3A_241 : memref<!tpu.dma_semaphore, #tpu.memory_space<semaphore_mem>>) src(%arg13 : memref<80x128xf32, #tpu.memory_space<vmem>>) dst(%dma_wait3A_253 : memref<5144x128xf32, #tpu.memory_space<vmem_shared>>)
        tpu.yield
      }) : () -> ()
    }
    %scan3A_88 = arith.constant 63 : i32
    %barrier3A_89 = arith.constant 0 : index
    tpu.barrier barrier_id(%barrier3A_89)
    %lt3A_90 = arith.constant 8 : i32
    %lt3A_91 = arith.cmpi slt, %arg1, %lt3A_90 : i32
    %convert_element_type3A_92 = arith.extui %lt3A_91 : i1 to i32
    %cond3A_93 = arith.constant 0 : i32
    %cond3A_94 = arith.cmpi ne, %convert_element_type3A_92, %cond3A_93 : i32
    scf.if %cond3A_94 {
      %add3A_208 = arith.constant 5056 : i32
      %add3A_209 = arith.addi %add3A_208, %mul3A_1 : i32
      %run_scoped3A_210 = arith.constant 0 : i32
      "tpu.region"() ({
        %run_scoped3A_211 = tpu.sem_alloc : memref<!tpu.dma_semaphore, #tpu.memory_space<semaphore_mem>>
        %dma_start3A_212 = arith.constant 0 : i32
        %dma_start3A_213 = tpu.memref_slice %arg8[%run_scoped3A_210, %arg0, %add3A_209, %dma_start3A_212] : memref<2x2x10112x128xf32, #tpu.memory_space<hbm>> -> memref<1x1x632x128xf32, #tpu.memory_space<hbm>>
        %dma_start3A_214 = tpu.memref_squeeze %dma_start3A_213 : memref<1x1x632x128xf32, #tpu.memory_space<hbm>> -> memref<632x128xf32, #tpu.memory_space<hbm>>
        %dma_start3A_215 = arith.constant 0 : i32
        %dma_start3A_216 = tpu.memref_slice %arg14[%mul3A_1, %dma_start3A_215] : memref<5144x128xf32, #tpu.memory_space<vmem_shared>> -> memref<632x128xf32, #tpu.memory_space<vmem_shared>>
        tpu.enqueue_dma source(%dma_start3A_216 : memref<632x128xf32, #tpu.memory_space<vmem_shared>>) target(%dma_start3A_214 : memref<632x128xf32, #tpu.memory_space<hbm>>) target_semaphore(%run_scoped3A_211 : memref<!tpu.dma_semaphore, #tpu.memory_space<semaphore_mem>>)
        %dma_wait3A = arith.constant 0 : i32
        %dma_wait3A_217 = tpu.memref_slice %arg8[%run_scoped3A_210, %arg0, %add3A_209, %dma_wait3A] : memref<2x2x10112x128xf32, #tpu.memory_space<hbm>> -> memref<1x1x632x128xf32, #tpu.memory_space<hbm>>
        %dma_wait3A_218 = tpu.memref_squeeze %dma_wait3A_217 : memref<1x1x632x128xf32, #tpu.memory_space<hbm>> -> memref<632x128xf32, #tpu.memory_space<hbm>>
        %dma_wait3A_219 = arith.constant 0 : i32
        %dma_wait3A_220 = tpu.memref_slice %arg14[%mul3A_1, %dma_wait3A_219] : memref<5144x128xf32, #tpu.memory_space<vmem_shared>> -> memref<632x128xf32, #tpu.memory_space<vmem_shared>>
        tpu.wait_dma2 semaphore(%run_scoped3A_211 : memref<!tpu.dma_semaphore, #tpu.memory_space<semaphore_mem>>) src(%dma_wait3A_220 : memref<632x128xf32, #tpu.memory_space<vmem_shared>>) dst(%dma_wait3A_218 : memref<632x128xf32, #tpu.memory_space<hbm>>)
        tpu.yield
      }) : () -> ()
    } else {
    }
    %barrier3A_95 = arith.constant 0 : index
    tpu.barrier barrier_id(%barrier3A_95)
    %run_scoped3A_96 = arith.constant 1 : i32
    "tpu.region"() ({
      %run_scoped3A_208 = tpu.sem_alloc : memref<!tpu.dma_semaphore, #tpu.memory_space<semaphore_mem>>
      %dma_start3A_209 = arith.constant 0 : i32
      %dma_start3A_210 = arith.constant 0 : i32
      %dma_start3A_211 = tpu.memref_slice %arg10[%dma_start3A_209, %dma_start3A_210] : memref<252x80xi32, #tpu.memory_space<vmem>> -> memref<126x80xi32, #tpu.memory_space<vmem>>
      %dma_start3A_212 = arith.constant 0 : i32
      %dma_start3A_213 = arith.constant 0 : i32
      %dma_start3A_214 = tpu.memref_slice %arg2[%run_scoped3A_96, %arg0, %arg1, %dma_start3A_212, %dma_start3A_213] : memref<2x2x16x126x80xi32, #tpu.memory_space<hbm>> -> memref<1x1x1x126x80xi32, #tpu.memory_space<hbm>>
      %dma_start3A_215 = tpu.memref_squeeze %dma_start3A_214 : memref<1x1x1x126x80xi32, #tpu.memory_space<hbm>> -> memref<126x80xi32, #tpu.memory_space<hbm>>
      %dma_start3A_216 = arith.constant 0 : i32
      %dma_start3A_217 = arith.constant 0 : i32
      %dma_start3A_218 = tpu.memref_slice %arg10[%dma_start3A_216, %dma_start3A_217] : memref<252x80xi32, #tpu.memory_space<vmem>> -> memref<126x80xi32, #tpu.memory_space<vmem>>
      %dma_start3A_219 = arith.constant 0 : i32
      %dma_start3A_220 = arith.constant 0 : i32
      %dma_start3A_221 = tpu.memref_slice %arg2[%run_scoped3A_96, %arg0, %arg1, %dma_start3A_219, %dma_start3A_220] : memref<2x2x16x126x80xi32, #tpu.memory_space<hbm>> -> memref<1x1x1x126x80xi32, #tpu.memory_space<hbm>>
      %dma_start3A_222 = tpu.memref_squeeze %dma_start3A_221 : memref<1x1x1x126x80xi32, #tpu.memory_space<hbm>> -> memref<126x80xi32, #tpu.memory_space<hbm>>
      tpu.enqueue_dma source(%dma_start3A_222 : memref<126x80xi32, #tpu.memory_space<hbm>>) target(%dma_start3A_218 : memref<126x80xi32, #tpu.memory_space<vmem>>) target_semaphore(%run_scoped3A_208 : memref<!tpu.dma_semaphore, #tpu.memory_space<semaphore_mem>>)
      %dma_wait3A = arith.constant 0 : i32
      %dma_wait3A_223 = arith.constant 0 : i32
      %dma_wait3A_224 = tpu.memref_slice %arg10[%dma_wait3A, %dma_wait3A_223] : memref<252x80xi32, #tpu.memory_space<vmem>> -> memref<126x80xi32, #tpu.memory_space<vmem>>
      %dma_wait3A_225 = arith.constant 0 : i32
      %dma_wait3A_226 = arith.constant 0 : i32
      %dma_wait3A_227 = tpu.memref_slice %arg2[%run_scoped3A_96, %arg0, %arg1, %dma_wait3A_225, %dma_wait3A_226] : memref<2x2x16x126x80xi32, #tpu.memory_space<hbm>> -> memref<1x1x1x126x80xi32, #tpu.memory_space<hbm>>
      %dma_wait3A_228 = tpu.memref_squeeze %dma_wait3A_227 : memref<1x1x1x126x80xi32, #tpu.memory_space<hbm>> -> memref<126x80xi32, #tpu.memory_space<hbm>>
      %dma_wait3A_229 = arith.constant 0 : i32
      %dma_wait3A_230 = arith.constant 0 : i32
      %dma_wait3A_231 = tpu.memref_slice %arg10[%dma_wait3A_229, %dma_wait3A_230] : memref<252x80xi32, #tpu.memory_space<vmem>> -> memref<126x80xi32, #tpu.memory_space<vmem>>
      %dma_wait3A_232 = arith.constant 0 : i32
      %dma_wait3A_233 = arith.constant 0 : i32
      %dma_wait3A_234 = tpu.memref_slice %arg2[%run_scoped3A_96, %arg0, %arg1, %dma_wait3A_232, %dma_wait3A_233] : memref<2x2x16x126x80xi32, #tpu.memory_space<hbm>> -> memref<1x1x1x126x80xi32, #tpu.memory_space<hbm>>
      %dma_wait3A_235 = tpu.memref_squeeze %dma_wait3A_234 : memref<1x1x1x126x80xi32, #tpu.memory_space<hbm>> -> memref<126x80xi32, #tpu.memory_space<hbm>>
      tpu.wait_dma2 semaphore(%run_scoped3A_208 : memref<!tpu.dma_semaphore, #tpu.memory_space<semaphore_mem>>) src(%dma_wait3A_235 : memref<126x80xi32, #tpu.memory_space<hbm>>) dst(%dma_wait3A_231 : memref<126x80xi32, #tpu.memory_space<vmem>>)
      tpu.yield
    }) : () -> ()
    %run_scoped3A_97 = arith.constant 1 : i32
    "tpu.region"() ({
      %run_scoped3A_208 = tpu.sem_alloc : memref<!tpu.dma_semaphore, #tpu.memory_space<semaphore_mem>>
      %dma_start3A_209 = arith.constant 126 : i32
      %dma_start3A_210 = arith.constant 0 : i32
      %dma_start3A_211 = tpu.memref_slice %arg10[%dma_start3A_209, %dma_start3A_210] : memref<252x80xi32, #tpu.memory_space<vmem>> -> memref<126x80xi32, #tpu.memory_space<vmem>>
      %dma_start3A_212 = arith.constant 0 : i32
      %dma_start3A_213 = arith.constant 0 : i32
      %dma_start3A_214 = tpu.memref_slice %arg3[%run_scoped3A_97, %arg1, %dma_start3A_212, %dma_start3A_213] : memref<2x16x126x80xi32, #tpu.memory_space<hbm>> -> memref<1x1x126x80xi32, #tpu.memory_space<hbm>>
      %dma_start3A_215 = tpu.memref_squeeze %dma_start3A_214 : memref<1x1x126x80xi32, #tpu.memory_space<hbm>> -> memref<126x80xi32, #tpu.memory_space<hbm>>
      %dma_start3A_216 = arith.constant 126 : i32
      %dma_start3A_217 = arith.constant 0 : i32
      %dma_start3A_218 = tpu.memref_slice %arg10[%dma_start3A_216, %dma_start3A_217] : memref<252x80xi32, #tpu.memory_space<vmem>> -> memref<126x80xi32, #tpu.memory_space<vmem>>
      %dma_start3A_219 = arith.constant 0 : i32
      %dma_start3A_220 = arith.constant 0 : i32
      %dma_start3A_221 = tpu.memref_slice %arg3[%run_scoped3A_97, %arg1, %dma_start3A_219, %dma_start3A_220] : memref<2x16x126x80xi32, #tpu.memory_space<hbm>> -> memref<1x1x126x80xi32, #tpu.memory_space<hbm>>
      %dma_start3A_222 = tpu.memref_squeeze %dma_start3A_221 : memref<1x1x126x80xi32, #tpu.memory_space<hbm>> -> memref<126x80xi32, #tpu.memory_space<hbm>>
      tpu.enqueue_dma source(%dma_start3A_222 : memref<126x80xi32, #tpu.memory_space<hbm>>) target(%dma_start3A_218 : memref<126x80xi32, #tpu.memory_space<vmem>>) target_semaphore(%run_scoped3A_208 : memref<!tpu.dma_semaphore, #tpu.memory_space<semaphore_mem>>)
      %dma_wait3A = arith.constant 126 : i32
      %dma_wait3A_223 = arith.constant 0 : i32
      %dma_wait3A_224 = tpu.memref_slice %arg10[%dma_wait3A, %dma_wait3A_223] : memref<252x80xi32, #tpu.memory_space<vmem>> -> memref<126x80xi32, #tpu.memory_space<vmem>>
      %dma_wait3A_225 = arith.constant 0 : i32
      %dma_wait3A_226 = arith.constant 0 : i32
      %dma_wait3A_227 = tpu.memref_slice %arg3[%run_scoped3A_97, %arg1, %dma_wait3A_225, %dma_wait3A_226] : memref<2x16x126x80xi32, #tpu.memory_space<hbm>> -> memref<1x1x126x80xi32, #tpu.memory_space<hbm>>
      %dma_wait3A_228 = tpu.memref_squeeze %dma_wait3A_227 : memref<1x1x126x80xi32, #tpu.memory_space<hbm>> -> memref<126x80xi32, #tpu.memory_space<hbm>>
      %dma_wait3A_229 = arith.constant 126 : i32
      %dma_wait3A_230 = arith.constant 0 : i32
      %dma_wait3A_231 = tpu.memref_slice %arg10[%dma_wait3A_229, %dma_wait3A_230] : memref<252x80xi32, #tpu.memory_space<vmem>> -> memref<126x80xi32, #tpu.memory_space<vmem>>
      %dma_wait3A_232 = arith.constant 0 : i32
      %dma_wait3A_233 = arith.constant 0 : i32
      %dma_wait3A_234 = tpu.memref_slice %arg3[%run_scoped3A_97, %arg1, %dma_wait3A_232, %dma_wait3A_233] : memref<2x16x126x80xi32, #tpu.memory_space<hbm>> -> memref<1x1x126x80xi32, #tpu.memory_space<hbm>>
      %dma_wait3A_235 = tpu.memref_squeeze %dma_wait3A_234 : memref<1x1x126x80xi32, #tpu.memory_space<hbm>> -> memref<126x80xi32, #tpu.memory_space<hbm>>
      tpu.wait_dma2 semaphore(%run_scoped3A_208 : memref<!tpu.dma_semaphore, #tpu.memory_space<semaphore_mem>>) src(%dma_wait3A_235 : memref<126x80xi32, #tpu.memory_space<hbm>>) dst(%dma_wait3A_231 : memref<126x80xi32, #tpu.memory_space<vmem>>)
      tpu.yield
    }) : () -> ()
    %run_scoped3A_98 = arith.constant 1 : i32
    %run_scoped3A_99 = arith.constant 0 : i32
    "tpu.region"() ({
      %run_scoped3A_208 = tpu.sem_alloc : memref<!tpu.dma_semaphore, #tpu.memory_space<semaphore_mem>>
      %dma_start3A_209 = arith.constant 0 : i32
      %dma_start3A_210 = arith.constant 0 : i32
      %dma_start3A_211 = tpu.memref_slice %arg11[%dma_start3A_209, %dma_start3A_210] : memref<252x80xi32, #tpu.memory_space<vmem>> -> memref<126x80xi32, #tpu.memory_space<vmem>>
      %dma_start3A_212 = arith.constant 0 : i32
      %dma_start3A_213 = arith.constant 0 : i32
      %dma_start3A_214 = tpu.memref_slice %arg4[%run_scoped3A_98, %run_scoped3A_99, %arg1, %dma_start3A_212, %dma_start3A_213] : memref<2x2x16x126x80xi32, #tpu.memory_space<hbm>> -> memref<1x1x1x126x80xi32, #tpu.memory_space<hbm>>
      %dma_start3A_215 = tpu.memref_squeeze %dma_start3A_214 : memref<1x1x1x126x80xi32, #tpu.memory_space<hbm>> -> memref<126x80xi32, #tpu.memory_space<hbm>>
      %dma_start3A_216 = arith.constant 0 : i32
      %dma_start3A_217 = arith.constant 0 : i32
      %dma_start3A_218 = tpu.memref_slice %arg11[%dma_start3A_216, %dma_start3A_217] : memref<252x80xi32, #tpu.memory_space<vmem>> -> memref<126x80xi32, #tpu.memory_space<vmem>>
      %dma_start3A_219 = arith.constant 0 : i32
      %dma_start3A_220 = arith.constant 0 : i32
      %dma_start3A_221 = tpu.memref_slice %arg4[%run_scoped3A_98, %run_scoped3A_99, %arg1, %dma_start3A_219, %dma_start3A_220] : memref<2x2x16x126x80xi32, #tpu.memory_space<hbm>> -> memref<1x1x1x126x80xi32, #tpu.memory_space<hbm>>
      %dma_start3A_222 = tpu.memref_squeeze %dma_start3A_221 : memref<1x1x1x126x80xi32, #tpu.memory_space<hbm>> -> memref<126x80xi32, #tpu.memory_space<hbm>>
      tpu.enqueue_dma source(%dma_start3A_222 : memref<126x80xi32, #tpu.memory_space<hbm>>) target(%dma_start3A_218 : memref<126x80xi32, #tpu.memory_space<vmem>>) target_semaphore(%run_scoped3A_208 : memref<!tpu.dma_semaphore, #tpu.memory_space<semaphore_mem>>)
      %dma_wait3A = arith.constant 0 : i32
      %dma_wait3A_223 = arith.constant 0 : i32
      %dma_wait3A_224 = tpu.memref_slice %arg11[%dma_wait3A, %dma_wait3A_223] : memref<252x80xi32, #tpu.memory_space<vmem>> -> memref<126x80xi32, #tpu.memory_space<vmem>>
      %dma_wait3A_225 = arith.constant 0 : i32
      %dma_wait3A_226 = arith.constant 0 : i32
      %dma_wait3A_227 = tpu.memref_slice %arg4[%run_scoped3A_98, %run_scoped3A_99, %arg1, %dma_wait3A_225, %dma_wait3A_226] : memref<2x2x16x126x80xi32, #tpu.memory_space<hbm>> -> memref<1x1x1x126x80xi32, #tpu.memory_space<hbm>>
      %dma_wait3A_228 = tpu.memref_squeeze %dma_wait3A_227 : memref<1x1x1x126x80xi32, #tpu.memory_space<hbm>> -> memref<126x80xi32, #tpu.memory_space<hbm>>
      %dma_wait3A_229 = arith.constant 0 : i32
      %dma_wait3A_230 = arith.constant 0 : i32
      %dma_wait3A_231 = tpu.memref_slice %arg11[%dma_wait3A_229, %dma_wait3A_230] : memref<252x80xi32, #tpu.memory_space<vmem>> -> memref<126x80xi32, #tpu.memory_space<vmem>>
      %dma_wait3A_232 = arith.constant 0 : i32
      %dma_wait3A_233 = arith.constant 0 : i32
      %dma_wait3A_234 = tpu.memref_slice %arg4[%run_scoped3A_98, %run_scoped3A_99, %arg1, %dma_wait3A_232, %dma_wait3A_233] : memref<2x2x16x126x80xi32, #tpu.memory_space<hbm>> -> memref<1x1x1x126x80xi32, #tpu.memory_space<hbm>>
      %dma_wait3A_235 = tpu.memref_squeeze %dma_wait3A_234 : memref<1x1x1x126x80xi32, #tpu.memory_space<hbm>> -> memref<126x80xi32, #tpu.memory_space<hbm>>
      tpu.wait_dma2 semaphore(%run_scoped3A_208 : memref<!tpu.dma_semaphore, #tpu.memory_space<semaphore_mem>>) src(%dma_wait3A_235 : memref<126x80xi32, #tpu.memory_space<hbm>>) dst(%dma_wait3A_231 : memref<126x80xi32, #tpu.memory_space<vmem>>)
      tpu.yield
    }) : () -> ()
    %run_scoped3A_100 = arith.constant 1 : i32
    "tpu.region"() ({
      %run_scoped3A_208 = tpu.sem_alloc : memref<!tpu.dma_semaphore, #tpu.memory_space<semaphore_mem>>
      %dma_start3A_209 = arith.constant 126 : i32
      %dma_start3A_210 = arith.constant 0 : i32
      %dma_start3A_211 = tpu.memref_slice %arg11[%dma_start3A_209, %dma_start3A_210] : memref<252x80xi32, #tpu.memory_space<vmem>> -> memref<126x80xi32, #tpu.memory_space<vmem>>
      %dma_start3A_212 = arith.constant 0 : i32
      %dma_start3A_213 = arith.constant 0 : i32
      %dma_start3A_214 = tpu.memref_slice %arg5[%run_scoped3A_100, %arg1, %dma_start3A_212, %dma_start3A_213] : memref<2x16x126x80xi32, #tpu.memory_space<hbm>> -> memref<1x1x126x80xi32, #tpu.memory_space<hbm>>
      %dma_start3A_215 = tpu.memref_squeeze %dma_start3A_214 : memref<1x1x126x80xi32, #tpu.memory_space<hbm>> -> memref<126x80xi32, #tpu.memory_space<hbm>>
      %dma_start3A_216 = arith.constant 126 : i32
      %dma_start3A_217 = arith.constant 0 : i32
      %dma_start3A_218 = tpu.memref_slice %arg11[%dma_start3A_216, %dma_start3A_217] : memref<252x80xi32, #tpu.memory_space<vmem>> -> memref<126x80xi32, #tpu.memory_space<vmem>>
      %dma_start3A_219 = arith.constant 0 : i32
      %dma_start3A_220 = arith.constant 0 : i32
      %dma_start3A_221 = tpu.memref_slice %arg5[%run_scoped3A_100, %arg1, %dma_start3A_219, %dma_start3A_220] : memref<2x16x126x80xi32, #tpu.memory_space<hbm>> -> memref<1x1x126x80xi32, #tpu.memory_space<hbm>>
      %dma_start3A_222 = tpu.memref_squeeze %dma_start3A_221 : memref<1x1x126x80xi32, #tpu.memory_space<hbm>> -> memref<126x80xi32, #tpu.memory_space<hbm>>
      tpu.enqueue_dma source(%dma_start3A_222 : memref<126x80xi32, #tpu.memory_space<hbm>>) target(%dma_start3A_218 : memref<126x80xi32, #tpu.memory_space<vmem>>) target_semaphore(%run_scoped3A_208 : memref<!tpu.dma_semaphore, #tpu.memory_space<semaphore_mem>>)
      %dma_wait3A = arith.constant 126 : i32
      %dma_wait3A_223 = arith.constant 0 : i32
      %dma_wait3A_224 = tpu.memref_slice %arg11[%dma_wait3A, %dma_wait3A_223] : memref<252x80xi32, #tpu.memory_space<vmem>> -> memref<126x80xi32, #tpu.memory_space<vmem>>
      %dma_wait3A_225 = arith.constant 0 : i32
      %dma_wait3A_226 = arith.constant 0 : i32
      %dma_wait3A_227 = tpu.memref_slice %arg5[%run_scoped3A_100, %arg1, %dma_wait3A_225, %dma_wait3A_226] : memref<2x16x126x80xi32, #tpu.memory_space<hbm>> -> memref<1x1x126x80xi32, #tpu.memory_space<hbm>>
      %dma_wait3A_228 = tpu.memref_squeeze %dma_wait3A_227 : memref<1x1x126x80xi32, #tpu.memory_space<hbm>> -> memref<126x80xi32, #tpu.memory_space<hbm>>
      %dma_wait3A_229 = arith.constant 126 : i32
      %dma_wait3A_230 = arith.constant 0 : i32
      %dma_wait3A_231 = tpu.memref_slice %arg11[%dma_wait3A_229, %dma_wait3A_230] : memref<252x80xi32, #tpu.memory_space<vmem>> -> memref<126x80xi32, #tpu.memory_space<vmem>>
      %dma_wait3A_232 = arith.constant 0 : i32
      %dma_wait3A_233 = arith.constant 0 : i32
      %dma_wait3A_234 = tpu.memref_slice %arg5[%run_scoped3A_100, %arg1, %dma_wait3A_232, %dma_wait3A_233] : memref<2x16x126x80xi32, #tpu.memory_space<hbm>> -> memref<1x1x126x80xi32, #tpu.memory_space<hbm>>
      %dma_wait3A_235 = tpu.memref_squeeze %dma_wait3A_234 : memref<1x1x126x80xi32, #tpu.memory_space<hbm>> -> memref<126x80xi32, #tpu.memory_space<hbm>>
      tpu.wait_dma2 semaphore(%run_scoped3A_208 : memref<!tpu.dma_semaphore, #tpu.memory_space<semaphore_mem>>) src(%dma_wait3A_235 : memref<126x80xi32, #tpu.memory_space<hbm>>) dst(%dma_wait3A_231 : memref<126x80xi32, #tpu.memory_space<vmem>>)
      tpu.yield
    }) : () -> ()
    %lt3A_101 = arith.constant 8 : i32
    %lt3A_102 = arith.cmpi slt, %arg1, %lt3A_101 : i32
    %convert_element_type3A_103 = arith.extui %lt3A_102 : i1 to i32
    %cond3A_104 = arith.constant 0 : i32
    %cond3A_105 = arith.cmpi ne, %convert_element_type3A_103, %cond3A_104 : i32
    scf.if %cond3A_105 {
      "tpu.region"() ({
        %run_scoped3A_208 = tpu.sem_alloc : memref<!tpu.dma_semaphore, #tpu.memory_space<semaphore_mem>>
        %dma_start3A_209 = arith.constant 0 : i32
        %dma_start3A_210 = tpu.memref_slice %arg14[%mul3A_1, %dma_start3A_209] : memref<5144x128xf32, #tpu.memory_space<vmem_shared>> -> memref<632x128xf32, #tpu.memory_space<vmem_shared>>
        tpu.enqueue_dma source(%arg7 : memref<632x128xf32, #tpu.memory_space<hbm>>) target(%dma_start3A_210 : memref<632x128xf32, #tpu.memory_space<vmem_shared>>) target_semaphore(%run_scoped3A_208 : memref<!tpu.dma_semaphore, #tpu.memory_space<semaphore_mem>>)
        %dma_wait3A = arith.constant 0 : i32
        %dma_wait3A_211 = tpu.memref_slice %arg14[%mul3A_1, %dma_wait3A] : memref<5144x128xf32, #tpu.memory_space<vmem_shared>> -> memref<632x128xf32, #tpu.memory_space<vmem_shared>>
        tpu.wait_dma2 semaphore(%run_scoped3A_208 : memref<!tpu.dma_semaphore, #tpu.memory_space<semaphore_mem>>) src(%arg7 : memref<632x128xf32, #tpu.memory_space<hbm>>) dst(%dma_wait3A_211 : memref<632x128xf32, #tpu.memory_space<vmem_shared>>)
        tpu.yield
      }) : () -> ()
    } else {
    }
    %eq3A_106 = arith.constant 8 : i32
    %eq3A_107 = arith.cmpi eq, %arg1, %eq3A_106 : i32
    %convert_element_type3A_108 = arith.extui %eq3A_107 : i1 to i32
    %cond3A_109 = arith.constant 0 : i32
    %cond3A_110 = arith.cmpi ne, %convert_element_type3A_108, %cond3A_109 : i32
    scf.if %cond3A_110 {
      "tpu.region"() ({
        %run_scoped3A_208 = tpu.sem_alloc : memref<!tpu.dma_semaphore, #tpu.memory_space<semaphore_mem>>
        %dma_start3A_209 = arith.constant 5056 : i32
        %dma_start3A_210 = arith.constant 0 : i32
        %dma_start3A_211 = tpu.memref_slice %arg14[%dma_start3A_209, %dma_start3A_210] : memref<5144x128xf32, #tpu.memory_space<vmem_shared>> -> memref<88x128xf32, #tpu.memory_space<vmem_shared>>
        %dma_start3A_212 = arith.constant 0 : i32
        %dma_start3A_213 = arith.constant 0 : i32
        %dma_start3A_214 = tpu.memref_slice %arg7[%dma_start3A_212, %dma_start3A_213] : memref<632x128xf32, #tpu.memory_space<hbm>> -> memref<88x128xf32, #tpu.memory_space<hbm>>
        tpu.enqueue_dma source(%dma_start3A_214 : memref<88x128xf32, #tpu.memory_space<hbm>>) target(%dma_start3A_211 : memref<88x128xf32, #tpu.memory_space<vmem_shared>>) target_semaphore(%run_scoped3A_208 : memref<!tpu.dma_semaphore, #tpu.memory_space<semaphore_mem>>)
        %dma_wait3A = arith.constant 5056 : i32
        %dma_wait3A_215 = arith.constant 0 : i32
        %dma_wait3A_216 = tpu.memref_slice %arg14[%dma_wait3A, %dma_wait3A_215] : memref<5144x128xf32, #tpu.memory_space<vmem_shared>> -> memref<88x128xf32, #tpu.memory_space<vmem_shared>>
        %dma_wait3A_217 = arith.constant 0 : i32
        %dma_wait3A_218 = arith.constant 0 : i32
        %dma_wait3A_219 = tpu.memref_slice %arg7[%dma_wait3A_217, %dma_wait3A_218] : memref<632x128xf32, #tpu.memory_space<hbm>> -> memref<88x128xf32, #tpu.memory_space<hbm>>
        tpu.wait_dma2 semaphore(%run_scoped3A_208 : memref<!tpu.dma_semaphore, #tpu.memory_space<semaphore_mem>>) src(%dma_wait3A_219 : memref<88x128xf32, #tpu.memory_space<hbm>>) dst(%dma_wait3A_216 : memref<88x128xf32, #tpu.memory_space<vmem_shared>>)
        tpu.yield
      }) : () -> ()
    } else {
    }
    %barrier3A_111 = arith.constant 0 : index
    tpu.barrier barrier_id(%barrier3A_111)
    %eq3A_112 = arith.constant 1 : i32
    %eq3A_113 = arith.cmpi eq, %arg0, %eq3A_112 : i32
    %jit3A_114 = arith.constant 126 : i32
    %jit3A_115 = arith.constant 0 : i32
    %select_n3A_116 = arith.select %eq3A_113, %jit3A_114, %jit3A_115 : i32
    %add3A_117 = arith.constant 126 : i32
    %add3A_118 = arith.addi %add3A_117, %select_n3A_116 : i32
    %dma_start3A_119 = arith.constant 0 : i32
    %dma_start3A_120 = arith.constant 0 : i32
    %dma_start3A_121 = tpu.memref_slice %arg10[%dma_start3A_119, %dma_start3A_120] : memref<252x80xi32, #tpu.memory_space<vmem>> -> memref<1x80xi32, #tpu.memory_space<vmem>>
    %dma_start3A_122 = tpu.memref_squeeze %dma_start3A_121 : memref<1x80xi32, #tpu.memory_space<vmem>> -> memref<80xi32, #tpu.memory_space<vmem>>
    %dma_start3A_123 = arith.constant 0 : i32
    %dma_start3A_124 = arith.constant 0 : i32
    %dma_start3A_125 = tpu.memref_slice %arg6[%dma_start3A_123, %dma_start3A_124] : memref<20128x128xf32, #tpu.memory_space<hbm>> -> memref<20128x128xf32, #tpu.memory_space<hbm>>
    tpu.enqueue_indirect_dma source(%dma_start3A_125 : memref<20128x128xf32, #tpu.memory_space<hbm>>) target(%arg12 : memref<80x128xf32, #tpu.memory_space<vmem>>) offsets(%dma_start3A_122 : memref<80xi32, #tpu.memory_space<vmem>>) semaphore(%arg15 : memref<!tpu.dma_semaphore, #tpu.memory_space<semaphore_mem>>)
    %jit3A_126 = arith.constant 2 : i32
    %div3A_127 = arith.divsi %add3A_118, %jit3A_126 : i32
    %sign3A_128 = arith.constant 0 : i32
    %sign3A_129 = arith.cmpi sgt, %add3A_118, %sign3A_128 : i32
    %sign3A_130 = arith.extui %sign3A_129 : i1 to i32
    %sign3A_131 = arith.constant 0 : i32
    %sign3A_132 = arith.cmpi slt, %add3A_118, %sign3A_131 : i32
    %sign3A_133 = arith.extui %sign3A_132 : i1 to i32
    %sign3A_134 = arith.subi %sign3A_130, %sign3A_133 : i32
    %sign3A_135 = arith.constant 0 : i32
    %sign3A_136 = arith.cmpi sgt, %jit3A_126, %sign3A_135 : i32
    %sign3A_137 = arith.extui %sign3A_136 : i1 to i32
    %sign3A_138 = arith.constant 0 : i32
    %sign3A_139 = arith.cmpi slt, %jit3A_126, %sign3A_138 : i32
    %sign3A_140 = arith.extui %sign3A_139 : i1 to i32
    %sign3A_141 = arith.subi %sign3A_137, %sign3A_140 : i32
    %ne3A_142 = arith.cmpi ne, %sign3A_134, %sign3A_141 : i32
    %rem3A_143 = arith.remsi %add3A_118, %jit3A_126 : i32
    %ne3A_144 = arith.constant 0 : i32
    %ne3A_145 = arith.cmpi ne, %rem3A_143, %ne3A_144 : i32
    %and3A_146 = arith.andi %ne3A_142, %ne3A_145 : i1
    %sub3A_147 = arith.constant 1 : i32
    %sub3A_148 = arith.subi %div3A_127, %sub3A_147 : i32
    %select_n3A_149 = arith.select %and3A_146, %sub3A_148, %div3A_127 : i32
    %while3A_150 = arith.constant 0 : i32
    %while3A_151 = arith.constant 0 : i32
    %while3A_152 = arith.subi %select_n3A_149, %while3A_151 : i32
    %while3A_153 = arith.addi %while3A_151, %while3A_152 : i32
    %while3A_154 = arith.constant 1 : i32
    %while3A_155 = arith.divsi %while3A_152, %while3A_154 : i32
    %while3A_156 = arith.muli %while3A_155, %while3A_154 : i32
    %while3A_157 = arith.addi %while3A_151, %while3A_156 : i32
    %while3A_158 = arith.constant 1 : i32
    scf.for %while3A_208 = %while3A_151 to %while3A_157 step %while3A_158  : i32 {
      %mul3A_209 = arith.constant 2 : i32
      %mul3A_210 = arith.muli %mul3A_209, %while3A_208 : i32
      %add3A_211 = arith.constant 1 : i32
      %add3A_212 = arith.addi %mul3A_210, %add3A_211 : i32
      %dma_start3A_213 = arith.constant 0 : i32
      %dma_start3A_214 = tpu.memref_slice %arg10[%add3A_212, %dma_start3A_213] : memref<252x80xi32, #tpu.memory_space<vmem>> -> memref<1x80xi32, #tpu.memory_space<vmem>>
      %dma_start3A_215 = tpu.memref_squeeze %dma_start3A_214 : memref<1x80xi32, #tpu.memory_space<vmem>> -> memref<80xi32, #tpu.memory_space<vmem>>
      %dma_start3A_216 = arith.constant 0 : i32
      %dma_start3A_217 = arith.constant 0 : i32
      %dma_start3A_218 = tpu.memref_slice %arg6[%dma_start3A_216, %dma_start3A_217] : memref<20128x128xf32, #tpu.memory_space<hbm>> -> memref<20128x128xf32, #tpu.memory_space<hbm>>
      tpu.enqueue_indirect_dma source(%dma_start3A_218 : memref<20128x128xf32, #tpu.memory_space<hbm>>) target(%arg13 : memref<80x128xf32, #tpu.memory_space<vmem>>) offsets(%dma_start3A_215 : memref<80xi32, #tpu.memory_space<vmem>>) semaphore(%arg16 : memref<!tpu.dma_semaphore, #tpu.memory_space<semaphore_mem>>)
      %dma_wait3A = arith.constant 0 : i32
      %dma_wait3A_219 = tpu.memref_slice %arg10[%mul3A_210, %dma_wait3A] : memref<252x80xi32, #tpu.memory_space<vmem>> -> memref<1x80xi32, #tpu.memory_space<vmem>>
      %dma_wait3A_220 = tpu.memref_squeeze %dma_wait3A_219 : memref<1x80xi32, #tpu.memory_space<vmem>> -> memref<80xi32, #tpu.memory_space<vmem>>
      %dma_wait3A_221 = arith.constant 0 : i32
      %dma_wait3A_222 = arith.constant 0 : i32
      %dma_wait3A_223 = tpu.memref_slice %arg6[%dma_wait3A_221, %dma_wait3A_222] : memref<20128x128xf32, #tpu.memory_space<hbm>> -> memref<20128x128xf32, #tpu.memory_space<hbm>>
      tpu.wait_indirect_dma semaphore(%arg15 : memref<!tpu.dma_semaphore, #tpu.memory_space<semaphore_mem>>) src(%dma_wait3A_223 : memref<20128x128xf32, #tpu.memory_space<hbm>>) dst(%arg12 : memref<80x128xf32, #tpu.memory_space<vmem>>)
      "tpu.region"() ({
        %run_scoped3A_240 = tpu.sem_alloc : memref<!tpu.dma_semaphore, #tpu.memory_space<semaphore_mem>>
        %dma_start3A_241 = arith.constant 0 : i32
        %dma_start3A_242 = tpu.memref_slice %arg11[%mul3A_210, %dma_start3A_241] : memref<252x80xi32, #tpu.memory_space<vmem>> -> memref<1x80xi32, #tpu.memory_space<vmem>>
        %dma_start3A_243 = tpu.memref_squeeze %dma_start3A_242 : memref<1x80xi32, #tpu.memory_space<vmem>> -> memref<80xi32, #tpu.memory_space<vmem>>
        %dma_start3A_244 = arith.constant 0 : i32
        %dma_start3A_245 = arith.constant 0 : i32
        %dma_start3A_246 = tpu.memref_slice %arg14[%dma_start3A_244, %dma_start3A_245] : memref<5144x128xf32, #tpu.memory_space<vmem_shared>> -> memref<5144x128xf32, #tpu.memory_space<vmem_shared>>
        tpu.enqueue_indirect_dma source(%arg12 : memref<80x128xf32, #tpu.memory_space<vmem>>) target(%dma_start3A_246 : memref<5144x128xf32, #tpu.memory_space<vmem_shared>>) offsets(%dma_start3A_243 : memref<80xi32, #tpu.memory_space<vmem>>) semaphore(%run_scoped3A_240 : memref<!tpu.dma_semaphore, #tpu.memory_space<semaphore_mem>>) {add = true}
        %dma_wait3A_247 = arith.constant 0 : i32
        %dma_wait3A_248 = tpu.memref_slice %arg11[%mul3A_210, %dma_wait3A_247] : memref<252x80xi32, #tpu.memory_space<vmem>> -> memref<1x80xi32, #tpu.memory_space<vmem>>
        %dma_wait3A_249 = tpu.memref_squeeze %dma_wait3A_248 : memref<1x80xi32, #tpu.memory_space<vmem>> -> memref<80xi32, #tpu.memory_space<vmem>>
        %dma_wait3A_250 = arith.constant 0 : i32
        %dma_wait3A_251 = arith.constant 0 : i32
        %dma_wait3A_252 = tpu.memref_slice %arg14[%dma_wait3A_250, %dma_wait3A_251] : memref<5144x128xf32, #tpu.memory_space<vmem_shared>> -> memref<5144x128xf32, #tpu.memory_space<vmem_shared>>
        tpu.wait_indirect_dma semaphore(%run_scoped3A_240 : memref<!tpu.dma_semaphore, #tpu.memory_space<semaphore_mem>>) src(%arg12 : memref<80x128xf32, #tpu.memory_space<vmem>>) dst(%dma_wait3A_252 : memref<5144x128xf32, #tpu.memory_space<vmem_shared>>)
        tpu.yield
      }) : () -> ()
      %add3A_224 = arith.constant 2 : i32
      %add3A_225 = arith.addi %mul3A_210, %add3A_224 : i32
      %lt3A_226 = arith.cmpi slt, %add3A_225, %add3A_118 : i32
      %convert_element_type3A_227 = arith.extui %lt3A_226 : i1 to i32
      %cond3A_228 = arith.constant 0 : i32
      %cond3A_229 = arith.cmpi ne, %convert_element_type3A_227, %cond3A_228 : i32
      scf.if %cond3A_229 {
        %add3A_240 = arith.constant 2 : i32
        %add3A_241 = arith.addi %mul3A_210, %add3A_240 : i32
        %dma_start3A_242 = arith.constant 0 : i32
        %dma_start3A_243 = tpu.memref_slice %arg10[%add3A_241, %dma_start3A_242] : memref<252x80xi32, #tpu.memory_space<vmem>> -> memref<1x80xi32, #tpu.memory_space<vmem>>
        %dma_start3A_244 = tpu.memref_squeeze %dma_start3A_243 : memref<1x80xi32, #tpu.memory_space<vmem>> -> memref<80xi32, #tpu.memory_space<vmem>>
        %dma_start3A_245 = arith.constant 0 : i32
        %dma_start3A_246 = arith.constant 0 : i32
        %dma_start3A_247 = tpu.memref_slice %arg6[%dma_start3A_245, %dma_start3A_246] : memref<20128x128xf32, #tpu.memory_space<hbm>> -> memref<20128x128xf32, #tpu.memory_space<hbm>>
        tpu.enqueue_indirect_dma source(%dma_start3A_247 : memref<20128x128xf32, #tpu.memory_space<hbm>>) target(%arg12 : memref<80x128xf32, #tpu.memory_space<vmem>>) offsets(%dma_start3A_244 : memref<80xi32, #tpu.memory_space<vmem>>) semaphore(%arg15 : memref<!tpu.dma_semaphore, #tpu.memory_space<semaphore_mem>>)
      } else {
      }
      %add3A_230 = arith.constant 1 : i32
      %add3A_231 = arith.addi %mul3A_210, %add3A_230 : i32
      %dma_wait3A_232 = arith.constant 0 : i32
      %dma_wait3A_233 = tpu.memref_slice %arg10[%add3A_231, %dma_wait3A_232] : memref<252x80xi32, #tpu.memory_space<vmem>> -> memref<1x80xi32, #tpu.memory_space<vmem>>
      %dma_wait3A_234 = tpu.memref_squeeze %dma_wait3A_233 : memref<1x80xi32, #tpu.memory_space<vmem>> -> memref<80xi32, #tpu.memory_space<vmem>>
      %dma_wait3A_235 = arith.constant 0 : i32
      %dma_wait3A_236 = arith.constant 0 : i32
      %dma_wait3A_237 = tpu.memref_slice %arg6[%dma_wait3A_235, %dma_wait3A_236] : memref<20128x128xf32, #tpu.memory_space<hbm>> -> memref<20128x128xf32, #tpu.memory_space<hbm>>
      tpu.wait_indirect_dma semaphore(%arg16 : memref<!tpu.dma_semaphore, #tpu.memory_space<semaphore_mem>>) src(%dma_wait3A_237 : memref<20128x128xf32, #tpu.memory_space<hbm>>) dst(%arg13 : memref<80x128xf32, #tpu.memory_space<vmem>>)
      %add3A_238 = arith.constant 1 : i32
      %add3A_239 = arith.addi %mul3A_210, %add3A_238 : i32
      "tpu.region"() ({
        %run_scoped3A_240 = tpu.sem_alloc : memref<!tpu.dma_semaphore, #tpu.memory_space<semaphore_mem>>
        %dma_start3A_241 = arith.constant 0 : i32
        %dma_start3A_242 = tpu.memref_slice %arg11[%add3A_239, %dma_start3A_241] : memref<252x80xi32, #tpu.memory_space<vmem>> -> memref<1x80xi32, #tpu.memory_space<vmem>>
        %dma_start3A_243 = tpu.memref_squeeze %dma_start3A_242 : memref<1x80xi32, #tpu.memory_space<vmem>> -> memref<80xi32, #tpu.memory_space<vmem>>
        %dma_start3A_244 = arith.constant 0 : i32
        %dma_start3A_245 = arith.constant 0 : i32
        %dma_start3A_246 = tpu.memref_slice %arg14[%dma_start3A_244, %dma_start3A_245] : memref<5144x128xf32, #tpu.memory_space<vmem_shared>> -> memref<5144x128xf32, #tpu.memory_space<vmem_shared>>
        tpu.enqueue_indirect_dma source(%arg13 : memref<80x128xf32, #tpu.memory_space<vmem>>) target(%dma_start3A_246 : memref<5144x128xf32, #tpu.memory_space<vmem_shared>>) offsets(%dma_start3A_243 : memref<80xi32, #tpu.memory_space<vmem>>) semaphore(%run_scoped3A_240 : memref<!tpu.dma_semaphore, #tpu.memory_space<semaphore_mem>>) {add = true}
        %dma_wait3A_247 = arith.constant 0 : i32
        %dma_wait3A_248 = tpu.memref_slice %arg11[%add3A_239, %dma_wait3A_247] : memref<252x80xi32, #tpu.memory_space<vmem>> -> memref<1x80xi32, #tpu.memory_space<vmem>>
        %dma_wait3A_249 = tpu.memref_squeeze %dma_wait3A_248 : memref<1x80xi32, #tpu.memory_space<vmem>> -> memref<80xi32, #tpu.memory_space<vmem>>
        %dma_wait3A_250 = arith.constant 0 : i32
        %dma_wait3A_251 = arith.constant 0 : i32
        %dma_wait3A_252 = tpu.memref_slice %arg14[%dma_wait3A_250, %dma_wait3A_251] : memref<5144x128xf32, #tpu.memory_space<vmem_shared>> -> memref<5144x128xf32, #tpu.memory_space<vmem_shared>>
        tpu.wait_indirect_dma semaphore(%run_scoped3A_240 : memref<!tpu.dma_semaphore, #tpu.memory_space<semaphore_mem>>) src(%arg13 : memref<80x128xf32, #tpu.memory_space<vmem>>) dst(%dma_wait3A_252 : memref<5144x128xf32, #tpu.memory_space<vmem_shared>>)
        tpu.yield
      }) : () -> ()
    }
    %while3A_159 = arith.constant 1 : i32
    scf.for %while3A_208 = %while3A_157 to %while3A_153 step %while3A_159  : i32 {
      %mul3A_209 = arith.constant 2 : i32
      %mul3A_210 = arith.muli %mul3A_209, %while3A_208 : i32
      %add3A_211 = arith.constant 1 : i32
      %add3A_212 = arith.addi %mul3A_210, %add3A_211 : i32
      %dma_start3A_213 = arith.constant 0 : i32
      %dma_start3A_214 = tpu.memref_slice %arg10[%add3A_212, %dma_start3A_213] : memref<252x80xi32, #tpu.memory_space<vmem>> -> memref<1x80xi32, #tpu.memory_space<vmem>>
      %dma_start3A_215 = tpu.memref_squeeze %dma_start3A_214 : memref<1x80xi32, #tpu.memory_space<vmem>> -> memref<80xi32, #tpu.memory_space<vmem>>
      %dma_start3A_216 = arith.constant 0 : i32
      %dma_start3A_217 = arith.constant 0 : i32
      %dma_start3A_218 = tpu.memref_slice %arg6[%dma_start3A_216, %dma_start3A_217] : memref<20128x128xf32, #tpu.memory_space<hbm>> -> memref<20128x128xf32, #tpu.memory_space<hbm>>
      tpu.enqueue_indirect_dma source(%dma_start3A_218 : memref<20128x128xf32, #tpu.memory_space<hbm>>) target(%arg13 : memref<80x128xf32, #tpu.memory_space<vmem>>) offsets(%dma_start3A_215 : memref<80xi32, #tpu.memory_space<vmem>>) semaphore(%arg16 : memref<!tpu.dma_semaphore, #tpu.memory_space<semaphore_mem>>)
      %dma_wait3A = arith.constant 0 : i32
      %dma_wait3A_219 = tpu.memref_slice %arg10[%mul3A_210, %dma_wait3A] : memref<252x80xi32, #tpu.memory_space<vmem>> -> memref<1x80xi32, #tpu.memory_space<vmem>>
      %dma_wait3A_220 = tpu.memref_squeeze %dma_wait3A_219 : memref<1x80xi32, #tpu.memory_space<vmem>> -> memref<80xi32, #tpu.memory_space<vmem>>
      %dma_wait3A_221 = arith.constant 0 : i32
      %dma_wait3A_222 = arith.constant 0 : i32
      %dma_wait3A_223 = tpu.memref_slice %arg6[%dma_wait3A_221, %dma_wait3A_222] : memref<20128x128xf32, #tpu.memory_space<hbm>> -> memref<20128x128xf32, #tpu.memory_space<hbm>>
      tpu.wait_indirect_dma semaphore(%arg15 : memref<!tpu.dma_semaphore, #tpu.memory_space<semaphore_mem>>) src(%dma_wait3A_223 : memref<20128x128xf32, #tpu.memory_space<hbm>>) dst(%arg12 : memref<80x128xf32, #tpu.memory_space<vmem>>)
      "tpu.region"() ({
        %run_scoped3A_240 = tpu.sem_alloc : memref<!tpu.dma_semaphore, #tpu.memory_space<semaphore_mem>>
        %dma_start3A_241 = arith.constant 0 : i32
        %dma_start3A_242 = tpu.memref_slice %arg11[%mul3A_210, %dma_start3A_241] : memref<252x80xi32, #tpu.memory_space<vmem>> -> memref<1x80xi32, #tpu.memory_space<vmem>>
        %dma_start3A_243 = tpu.memref_squeeze %dma_start3A_242 : memref<1x80xi32, #tpu.memory_space<vmem>> -> memref<80xi32, #tpu.memory_space<vmem>>
        %dma_start3A_244 = arith.constant 0 : i32
        %dma_start3A_245 = arith.constant 0 : i32
        %dma_start3A_246 = tpu.memref_slice %arg14[%dma_start3A_244, %dma_start3A_245] : memref<5144x128xf32, #tpu.memory_space<vmem_shared>> -> memref<5144x128xf32, #tpu.memory_space<vmem_shared>>
        tpu.enqueue_indirect_dma source(%arg12 : memref<80x128xf32, #tpu.memory_space<vmem>>) target(%dma_start3A_246 : memref<5144x128xf32, #tpu.memory_space<vmem_shared>>) offsets(%dma_start3A_243 : memref<80xi32, #tpu.memory_space<vmem>>) semaphore(%run_scoped3A_240 : memref<!tpu.dma_semaphore, #tpu.memory_space<semaphore_mem>>) {add = true}
        %dma_wait3A_247 = arith.constant 0 : i32
        %dma_wait3A_248 = tpu.memref_slice %arg11[%mul3A_210, %dma_wait3A_247] : memref<252x80xi32, #tpu.memory_space<vmem>> -> memref<1x80xi32, #tpu.memory_space<vmem>>
        %dma_wait3A_249 = tpu.memref_squeeze %dma_wait3A_248 : memref<1x80xi32, #tpu.memory_space<vmem>> -> memref<80xi32, #tpu.memory_space<vmem>>
        %dma_wait3A_250 = arith.constant 0 : i32
        %dma_wait3A_251 = arith.constant 0 : i32
        %dma_wait3A_252 = tpu.memref_slice %arg14[%dma_wait3A_250, %dma_wait3A_251] : memref<5144x128xf32, #tpu.memory_space<vmem_shared>> -> memref<5144x128xf32, #tpu.memory_space<vmem_shared>>
        tpu.wait_indirect_dma semaphore(%run_scoped3A_240 : memref<!tpu.dma_semaphore, #tpu.memory_space<semaphore_mem>>) src(%arg12 : memref<80x128xf32, #tpu.memory_space<vmem>>) dst(%dma_wait3A_252 : memref<5144x128xf32, #tpu.memory_space<vmem_shared>>)
        tpu.yield
      }) : () -> ()
      %add3A_224 = arith.constant 2 : i32
      %add3A_225 = arith.addi %mul3A_210, %add3A_224 : i32
      %lt3A_226 = arith.cmpi slt, %add3A_225, %add3A_118 : i32
      %convert_element_type3A_227 = arith.extui %lt3A_226 : i1 to i32
      %cond3A_228 = arith.constant 0 : i32
      %cond3A_229 = arith.cmpi ne, %convert_element_type3A_227, %cond3A_228 : i32
      scf.if %cond3A_229 {
        %add3A_240 = arith.constant 2 : i32
        %add3A_241 = arith.addi %mul3A_210, %add3A_240 : i32
        %dma_start3A_242 = arith.constant 0 : i32
        %dma_start3A_243 = tpu.memref_slice %arg10[%add3A_241, %dma_start3A_242] : memref<252x80xi32, #tpu.memory_space<vmem>> -> memref<1x80xi32, #tpu.memory_space<vmem>>
        %dma_start3A_244 = tpu.memref_squeeze %dma_start3A_243 : memref<1x80xi32, #tpu.memory_space<vmem>> -> memref<80xi32, #tpu.memory_space<vmem>>
        %dma_start3A_245 = arith.constant 0 : i32
        %dma_start3A_246 = arith.constant 0 : i32
        %dma_start3A_247 = tpu.memref_slice %arg6[%dma_start3A_245, %dma_start3A_246] : memref<20128x128xf32, #tpu.memory_space<hbm>> -> memref<20128x128xf32, #tpu.memory_space<hbm>>
        tpu.enqueue_indirect_dma source(%dma_start3A_247 : memref<20128x128xf32, #tpu.memory_space<hbm>>) target(%arg12 : memref<80x128xf32, #tpu.memory_space<vmem>>) offsets(%dma_start3A_244 : memref<80xi32, #tpu.memory_space<vmem>>) semaphore(%arg15 : memref<!tpu.dma_semaphore, #tpu.memory_space<semaphore_mem>>)
      } else {
      }
      %add3A_230 = arith.constant 1 : i32
      %add3A_231 = arith.addi %mul3A_210, %add3A_230 : i32
      %dma_wait3A_232 = arith.constant 0 : i32
      %dma_wait3A_233 = tpu.memref_slice %arg10[%add3A_231, %dma_wait3A_232] : memref<252x80xi32, #tpu.memory_space<vmem>> -> memref<1x80xi32, #tpu.memory_space<vmem>>
      %dma_wait3A_234 = tpu.memref_squeeze %dma_wait3A_233 : memref<1x80xi32, #tpu.memory_space<vmem>> -> memref<80xi32, #tpu.memory_space<vmem>>
      %dma_wait3A_235 = arith.constant 0 : i32
      %dma_wait3A_236 = arith.constant 0 : i32
      %dma_wait3A_237 = tpu.memref_slice %arg6[%dma_wait3A_235, %dma_wait3A_236] : memref<20128x128xf32, #tpu.memory_space<hbm>> -> memref<20128x128xf32, #tpu.memory_space<hbm>>
      tpu.wait_indirect_dma semaphore(%arg16 : memref<!tpu.dma_semaphore, #tpu.memory_space<semaphore_mem>>) src(%dma_wait3A_237 : memref<20128x128xf32, #tpu.memory_space<hbm>>) dst(%arg13 : memref<80x128xf32, #tpu.memory_space<vmem>>)
      %add3A_238 = arith.constant 1 : i32
      %add3A_239 = arith.addi %mul3A_210, %add3A_238 : i32
      "tpu.region"() ({
        %run_scoped3A_240 = tpu.sem_alloc : memref<!tpu.dma_semaphore, #tpu.memory_space<semaphore_mem>>
        %dma_start3A_241 = arith.constant 0 : i32
        %dma_start3A_242 = tpu.memref_slice %arg11[%add3A_239, %dma_start3A_241] : memref<252x80xi32, #tpu.memory_space<vmem>> -> memref<1x80xi32, #tpu.memory_space<vmem>>
        %dma_start3A_243 = tpu.memref_squeeze %dma_start3A_242 : memref<1x80xi32, #tpu.memory_space<vmem>> -> memref<80xi32, #tpu.memory_space<vmem>>
        %dma_start3A_244 = arith.constant 0 : i32
        %dma_start3A_245 = arith.constant 0 : i32
        %dma_start3A_246 = tpu.memref_slice %arg14[%dma_start3A_244, %dma_start3A_245] : memref<5144x128xf32, #tpu.memory_space<vmem_shared>> -> memref<5144x128xf32, #tpu.memory_space<vmem_shared>>
        tpu.enqueue_indirect_dma source(%arg13 : memref<80x128xf32, #tpu.memory_space<vmem>>) target(%dma_start3A_246 : memref<5144x128xf32, #tpu.memory_space<vmem_shared>>) offsets(%dma_start3A_243 : memref<80xi32, #tpu.memory_space<vmem>>) semaphore(%run_scoped3A_240 : memref<!tpu.dma_semaphore, #tpu.memory_space<semaphore_mem>>) {add = true}
        %dma_wait3A_247 = arith.constant 0 : i32
        %dma_wait3A_248 = tpu.memref_slice %arg11[%add3A_239, %dma_wait3A_247] : memref<252x80xi32, #tpu.memory_space<vmem>> -> memref<1x80xi32, #tpu.memory_space<vmem>>
        %dma_wait3A_249 = tpu.memref_squeeze %dma_wait3A_248 : memref<1x80xi32, #tpu.memory_space<vmem>> -> memref<80xi32, #tpu.memory_space<vmem>>
        %dma_wait3A_250 = arith.constant 0 : i32
        %dma_wait3A_251 = arith.constant 0 : i32
        %dma_wait3A_252 = tpu.memref_slice %arg14[%dma_wait3A_250, %dma_wait3A_251] : memref<5144x128xf32, #tpu.memory_space<vmem_shared>> -> memref<5144x128xf32, #tpu.memory_space<vmem_shared>>
        tpu.wait_indirect_dma semaphore(%run_scoped3A_240 : memref<!tpu.dma_semaphore, #tpu.memory_space<semaphore_mem>>) src(%arg13 : memref<80x128xf32, #tpu.memory_space<vmem>>) dst(%dma_wait3A_252 : memref<5144x128xf32, #tpu.memory_space<vmem_shared>>)
        tpu.yield
      }) : () -> ()
    }
    %barrier3A_160 = arith.constant 0 : index
    tpu.barrier barrier_id(%barrier3A_160)
    %lt3A_161 = arith.constant 8 : i32
    %lt3A_162 = arith.cmpi slt, %arg1, %lt3A_161 : i32
    %convert_element_type3A_163 = arith.extui %lt3A_162 : i1 to i32
    %cond3A_164 = arith.constant 0 : i32
    %cond3A_165 = arith.cmpi ne, %convert_element_type3A_163, %cond3A_164 : i32
    scf.if %cond3A_165 {
      %add3A_208 = arith.constant 0 : i32
      %add3A_209 = arith.addi %add3A_208, %mul3A_1 : i32
      %run_scoped3A_210 = arith.constant 1 : i32
      "tpu.region"() ({
        %run_scoped3A_211 = tpu.sem_alloc : memref<!tpu.dma_semaphore, #tpu.memory_space<semaphore_mem>>
        %dma_start3A_212 = arith.constant 0 : i32
        %dma_start3A_213 = tpu.memref_slice %arg8[%run_scoped3A_210, %arg0, %add3A_209, %dma_start3A_212] : memref<2x2x10112x128xf32, #tpu.memory_space<hbm>> -> memref<1x1x632x128xf32, #tpu.memory_space<hbm>>
        %dma_start3A_214 = tpu.memref_squeeze %dma_start3A_213 : memref<1x1x632x128xf32, #tpu.memory_space<hbm>> -> memref<632x128xf32, #tpu.memory_space<hbm>>
        %dma_start3A_215 = arith.constant 0 : i32
        %dma_start3A_216 = tpu.memref_slice %arg14[%mul3A_1, %dma_start3A_215] : memref<5144x128xf32, #tpu.memory_space<vmem_shared>> -> memref<632x128xf32, #tpu.memory_space<vmem_shared>>
        tpu.enqueue_dma source(%dma_start3A_216 : memref<632x128xf32, #tpu.memory_space<vmem_shared>>) target(%dma_start3A_214 : memref<632x128xf32, #tpu.memory_space<hbm>>) target_semaphore(%run_scoped3A_211 : memref<!tpu.dma_semaphore, #tpu.memory_space<semaphore_mem>>)
        %dma_wait3A = arith.constant 0 : i32
        %dma_wait3A_217 = tpu.memref_slice %arg8[%run_scoped3A_210, %arg0, %add3A_209, %dma_wait3A] : memref<2x2x10112x128xf32, #tpu.memory_space<hbm>> -> memref<1x1x632x128xf32, #tpu.memory_space<hbm>>
        %dma_wait3A_218 = tpu.memref_squeeze %dma_wait3A_217 : memref<1x1x632x128xf32, #tpu.memory_space<hbm>> -> memref<632x128xf32, #tpu.memory_space<hbm>>
        %dma_wait3A_219 = arith.constant 0 : i32
        %dma_wait3A_220 = tpu.memref_slice %arg14[%mul3A_1, %dma_wait3A_219] : memref<5144x128xf32, #tpu.memory_space<vmem_shared>> -> memref<632x128xf32, #tpu.memory_space<vmem_shared>>
        tpu.wait_dma2 semaphore(%run_scoped3A_211 : memref<!tpu.dma_semaphore, #tpu.memory_space<semaphore_mem>>) src(%dma_wait3A_220 : memref<632x128xf32, #tpu.memory_space<vmem_shared>>) dst(%dma_wait3A_218 : memref<632x128xf32, #tpu.memory_space<hbm>>)
        tpu.yield
      }) : () -> ()
    } else {
    }
    %eq3A_166 = arith.constant 8 : i32
    %eq3A_167 = arith.cmpi eq, %arg1, %eq3A_166 : i32
    %eq3A_168 = arith.constant 1 : i32
    %eq3A_169 = arith.cmpi eq, %arg0, %eq3A_168 : i32
    %and3A_170 = arith.andi %eq3A_167, %eq3A_169 : i1
    %convert_element_type3A_171 = arith.extui %and3A_170 : i1 to i32
    %cond3A_172 = arith.constant 0 : i32
    %cond3A_173 = arith.cmpi ne, %convert_element_type3A_171, %cond3A_172 : i32
    scf.if %cond3A_173 {
      %run_scoped3A_208 = arith.constant 1 : i32
      "tpu.region"() ({
        %run_scoped3A_209 = tpu.sem_alloc : memref<!tpu.dma_semaphore, #tpu.memory_space<semaphore_mem>>
        %dma_start3A_210 = arith.constant 0 : i32
        %dma_start3A_211 = arith.constant 0 : i32
        %dma_start3A_212 = tpu.memref_slice %arg9[%run_scoped3A_208, %dma_start3A_210, %dma_start3A_211] : memref<2x80x128xf32, #tpu.memory_space<hbm>> -> memref<1x80x128xf32, #tpu.memory_space<hbm>>
        %dma_start3A_213 = tpu.memref_squeeze %dma_start3A_212 : memref<1x80x128xf32, #tpu.memory_space<hbm>> -> memref<80x128xf32, #tpu.memory_space<hbm>>
        %dma_start3A_214 = arith.constant 5056 : i32
        %dma_start3A_215 = arith.constant 0 : i32
        %dma_start3A_216 = tpu.memref_slice %arg14[%dma_start3A_214, %dma_start3A_215] : memref<5144x128xf32, #tpu.memory_space<vmem_shared>> -> memref<80x128xf32, #tpu.memory_space<vmem_shared>>
        tpu.enqueue_dma source(%dma_start3A_216 : memref<80x128xf32, #tpu.memory_space<vmem_shared>>) target(%dma_start3A_213 : memref<80x128xf32, #tpu.memory_space<hbm>>) target_semaphore(%run_scoped3A_209 : memref<!tpu.dma_semaphore, #tpu.memory_space<semaphore_mem>>)
        %dma_wait3A = arith.constant 0 : i32
        %dma_wait3A_217 = arith.constant 0 : i32
        %dma_wait3A_218 = tpu.memref_slice %arg9[%run_scoped3A_208, %dma_wait3A, %dma_wait3A_217] : memref<2x80x128xf32, #tpu.memory_space<hbm>> -> memref<1x80x128xf32, #tpu.memory_space<hbm>>
        %dma_wait3A_219 = tpu.memref_squeeze %dma_wait3A_218 : memref<1x80x128xf32, #tpu.memory_space<hbm>> -> memref<80x128xf32, #tpu.memory_space<hbm>>
        %dma_wait3A_220 = arith.constant 5056 : i32
        %dma_wait3A_221 = arith.constant 0 : i32
        %dma_wait3A_222 = tpu.memref_slice %arg14[%dma_wait3A_220, %dma_wait3A_221] : memref<5144x128xf32, #tpu.memory_space<vmem_shared>> -> memref<80x128xf32, #tpu.memory_space<vmem_shared>>
        tpu.wait_dma2 semaphore(%run_scoped3A_209 : memref<!tpu.dma_semaphore, #tpu.memory_space<semaphore_mem>>) src(%dma_wait3A_222 : memref<80x128xf32, #tpu.memory_space<vmem_shared>>) dst(%dma_wait3A_219 : memref<80x128xf32, #tpu.memory_space<hbm>>)
        tpu.yield
      }) : () -> ()
    } else {
    }
    %barrier3A_174 = arith.constant 0 : index
    tpu.barrier barrier_id(%barrier3A_174)
    %run_scoped3A_175 = arith.constant 1 : i32
    %run_scoped3A_176 = arith.constant 1 : i32
    "tpu.region"() ({
      %run_scoped3A_208 = tpu.sem_alloc : memref<!tpu.dma_semaphore, #tpu.memory_space<semaphore_mem>>
      %dma_start3A_209 = arith.constant 0 : i32
      %dma_start3A_210 = arith.constant 0 : i32
      %dma_start3A_211 = tpu.memref_slice %arg11[%dma_start3A_209, %dma_start3A_210] : memref<252x80xi32, #tpu.memory_space<vmem>> -> memref<126x80xi32, #tpu.memory_space<vmem>>
      %dma_start3A_212 = arith.constant 0 : i32
      %dma_start3A_213 = arith.constant 0 : i32
      %dma_start3A_214 = tpu.memref_slice %arg4[%run_scoped3A_175, %run_scoped3A_176, %arg1, %dma_start3A_212, %dma_start3A_213] : memref<2x2x16x126x80xi32, #tpu.memory_space<hbm>> -> memref<1x1x1x126x80xi32, #tpu.memory_space<hbm>>
      %dma_start3A_215 = tpu.memref_squeeze %dma_start3A_214 : memref<1x1x1x126x80xi32, #tpu.memory_space<hbm>> -> memref<126x80xi32, #tpu.memory_space<hbm>>
      %dma_start3A_216 = arith.constant 0 : i32
      %dma_start3A_217 = arith.constant 0 : i32
      %dma_start3A_218 = tpu.memref_slice %arg11[%dma_start3A_216, %dma_start3A_217] : memref<252x80xi32, #tpu.memory_space<vmem>> -> memref<126x80xi32, #tpu.memory_space<vmem>>
      %dma_start3A_219 = arith.constant 0 : i32
      %dma_start3A_220 = arith.constant 0 : i32
      %dma_start3A_221 = tpu.memref_slice %arg4[%run_scoped3A_175, %run_scoped3A_176, %arg1, %dma_start3A_219, %dma_start3A_220] : memref<2x2x16x126x80xi32, #tpu.memory_space<hbm>> -> memref<1x1x1x126x80xi32, #tpu.memory_space<hbm>>
      %dma_start3A_222 = tpu.memref_squeeze %dma_start3A_221 : memref<1x1x1x126x80xi32, #tpu.memory_space<hbm>> -> memref<126x80xi32, #tpu.memory_space<hbm>>
      tpu.enqueue_dma source(%dma_start3A_222 : memref<126x80xi32, #tpu.memory_space<hbm>>) target(%dma_start3A_218 : memref<126x80xi32, #tpu.memory_space<vmem>>) target_semaphore(%run_scoped3A_208 : memref<!tpu.dma_semaphore, #tpu.memory_space<semaphore_mem>>)
      %dma_wait3A = arith.constant 0 : i32
      %dma_wait3A_223 = arith.constant 0 : i32
      %dma_wait3A_224 = tpu.memref_slice %arg11[%dma_wait3A, %dma_wait3A_223] : memref<252x80xi32, #tpu.memory_space<vmem>> -> memref<126x80xi32, #tpu.memory_space<vmem>>
      %dma_wait3A_225 = arith.constant 0 : i32
      %dma_wait3A_226 = arith.constant 0 : i32
      %dma_wait3A_227 = tpu.memref_slice %arg4[%run_scoped3A_175, %run_scoped3A_176, %arg1, %dma_wait3A_225, %dma_wait3A_226] : memref<2x2x16x126x80xi32, #tpu.memory_space<hbm>> -> memref<1x1x1x126x80xi32, #tpu.memory_space<hbm>>
      %dma_wait3A_228 = tpu.memref_squeeze %dma_wait3A_227 : memref<1x1x1x126x80xi32, #tpu.memory_space<hbm>> -> memref<126x80xi32, #tpu.memory_space<hbm>>
      %dma_wait3A_229 = arith.constant 0 : i32
      %dma_wait3A_230 = arith.constant 0 : i32
      %dma_wait3A_231 = tpu.memref_slice %arg11[%dma_wait3A_229, %dma_wait3A_230] : memref<252x80xi32, #tpu.memory_space<vmem>> -> memref<126x80xi32, #tpu.memory_space<vmem>>
      %dma_wait3A_232 = arith.constant 0 : i32
      %dma_wait3A_233 = arith.constant 0 : i32
      %dma_wait3A_234 = tpu.memref_slice %arg4[%run_scoped3A_175, %run_scoped3A_176, %arg1, %dma_wait3A_232, %dma_wait3A_233] : memref<2x2x16x126x80xi32, #tpu.memory_space<hbm>> -> memref<1x1x1x126x80xi32, #tpu.memory_space<hbm>>
      %dma_wait3A_235 = tpu.memref_squeeze %dma_wait3A_234 : memref<1x1x1x126x80xi32, #tpu.memory_space<hbm>> -> memref<126x80xi32, #tpu.memory_space<hbm>>
      tpu.wait_dma2 semaphore(%run_scoped3A_208 : memref<!tpu.dma_semaphore, #tpu.memory_space<semaphore_mem>>) src(%dma_wait3A_235 : memref<126x80xi32, #tpu.memory_space<hbm>>) dst(%dma_wait3A_231 : memref<126x80xi32, #tpu.memory_space<vmem>>)
      tpu.yield
    }) : () -> ()
    %lt3A_177 = arith.constant 8 : i32
    %lt3A_178 = arith.cmpi slt, %arg1, %lt3A_177 : i32
    %convert_element_type3A_179 = arith.extui %lt3A_178 : i1 to i32
    %cond3A_180 = arith.constant 0 : i32
    %cond3A_181 = arith.cmpi ne, %convert_element_type3A_179, %cond3A_180 : i32
    scf.if %cond3A_181 {
      "tpu.region"() ({
        %run_scoped3A_208 = tpu.sem_alloc : memref<!tpu.dma_semaphore, #tpu.memory_space<semaphore_mem>>
        %dma_start3A_209 = arith.constant 0 : i32
        %dma_start3A_210 = tpu.memref_slice %arg14[%mul3A_1, %dma_start3A_209] : memref<5144x128xf32, #tpu.memory_space<vmem_shared>> -> memref<632x128xf32, #tpu.memory_space<vmem_shared>>
        tpu.enqueue_dma source(%arg7 : memref<632x128xf32, #tpu.memory_space<hbm>>) target(%dma_start3A_210 : memref<632x128xf32, #tpu.memory_space<vmem_shared>>) target_semaphore(%run_scoped3A_208 : memref<!tpu.dma_semaphore, #tpu.memory_space<semaphore_mem>>)
        %dma_wait3A = arith.constant 0 : i32
        %dma_wait3A_211 = tpu.memref_slice %arg14[%mul3A_1, %dma_wait3A] : memref<5144x128xf32, #tpu.memory_space<vmem_shared>> -> memref<632x128xf32, #tpu.memory_space<vmem_shared>>
        tpu.wait_dma2 semaphore(%run_scoped3A_208 : memref<!tpu.dma_semaphore, #tpu.memory_space<semaphore_mem>>) src(%arg7 : memref<632x128xf32, #tpu.memory_space<hbm>>) dst(%dma_wait3A_211 : memref<632x128xf32, #tpu.memory_space<vmem_shared>>)
        tpu.yield
      }) : () -> ()
    } else {
    }
    %eq3A_182 = arith.constant 8 : i32
    %eq3A_183 = arith.cmpi eq, %arg1, %eq3A_182 : i32
    %convert_element_type3A_184 = arith.extui %eq3A_183 : i1 to i32
    %cond3A_185 = arith.constant 0 : i32
    %cond3A_186 = arith.cmpi ne, %convert_element_type3A_184, %cond3A_185 : i32
    scf.if %cond3A_186 {
      "tpu.region"() ({
        %run_scoped3A_208 = tpu.sem_alloc : memref<!tpu.dma_semaphore, #tpu.memory_space<semaphore_mem>>
        %dma_start3A_209 = arith.constant 5056 : i32
        %dma_start3A_210 = arith.constant 0 : i32
        %dma_start3A_211 = tpu.memref_slice %arg14[%dma_start3A_209, %dma_start3A_210] : memref<5144x128xf32, #tpu.memory_space<vmem_shared>> -> memref<88x128xf32, #tpu.memory_space<vmem_shared>>
        %dma_start3A_212 = arith.constant 0 : i32
        %dma_start3A_213 = arith.constant 0 : i32
        %dma_start3A_214 = tpu.memref_slice %arg7[%dma_start3A_212, %dma_start3A_213] : memref<632x128xf32, #tpu.memory_space<hbm>> -> memref<88x128xf32, #tpu.memory_space<hbm>>
        tpu.enqueue_dma source(%dma_start3A_214 : memref<88x128xf32, #tpu.memory_space<hbm>>) target(%dma_start3A_211 : memref<88x128xf32, #tpu.memory_space<vmem_shared>>) target_semaphore(%run_scoped3A_208 : memref<!tpu.dma_semaphore, #tpu.memory_space<semaphore_mem>>)
        %dma_wait3A = arith.constant 5056 : i32
        %dma_wait3A_215 = arith.constant 0 : i32
        %dma_wait3A_216 = tpu.memref_slice %arg14[%dma_wait3A, %dma_wait3A_215] : memref<5144x128xf32, #tpu.memory_space<vmem_shared>> -> memref<88x128xf32, #tpu.memory_space<vmem_shared>>
        %dma_wait3A_217 = arith.constant 0 : i32
        %dma_wait3A_218 = arith.constant 0 : i32
        %dma_wait3A_219 = tpu.memref_slice %arg7[%dma_wait3A_217, %dma_wait3A_218] : memref<632x128xf32, #tpu.memory_space<hbm>> -> memref<88x128xf32, #tpu.memory_space<hbm>>
        tpu.wait_dma2 semaphore(%run_scoped3A_208 : memref<!tpu.dma_semaphore, #tpu.memory_space<semaphore_mem>>) src(%dma_wait3A_219 : memref<88x128xf32, #tpu.memory_space<hbm>>) dst(%dma_wait3A_216 : memref<88x128xf32, #tpu.memory_space<vmem_shared>>)
        tpu.yield
      }) : () -> ()
    } else {
    }
    %barrier3A_187 = arith.constant 0 : index
    tpu.barrier barrier_id(%barrier3A_187)
    %dma_start3A_188 = arith.constant 0 : i32
    %dma_start3A_189 = arith.constant 0 : i32
    %dma_start3A_190 = tpu.memref_slice %arg10[%dma_start3A_188, %dma_start3A_189] : memref<252x80xi32, #tpu.memory_space<vmem>> -> memref<1x80xi32, #tpu.memory_space<vmem>>
    %dma_start3A_191 = tpu.memref_squeeze %dma_start3A_190 : memref<1x80xi32, #tpu.memory_space<vmem>> -> memref<80xi32, #tpu.memory_space<vmem>>
    %dma_start3A_192 = arith.constant 0 : i32
    %dma_start3A_193 = arith.constant 0 : i32
    %dma_start3A_194 = tpu.memref_slice %arg6[%dma_start3A_192, %dma_start3A_193] : memref<20128x128xf32, #tpu.memory_space<hbm>> -> memref<20128x128xf32, #tpu.memory_space<hbm>>
    tpu.enqueue_indirect_dma source(%dma_start3A_194 : memref<20128x128xf32, #tpu.memory_space<hbm>>) target(%arg12 : memref<80x128xf32, #tpu.memory_space<vmem>>) offsets(%dma_start3A_191 : memref<80xi32, #tpu.memory_space<vmem>>) semaphore(%arg15 : memref<!tpu.dma_semaphore, #tpu.memory_space<semaphore_mem>>)
    %scan3A_195 = arith.constant 0 : i32
    %scan3A_196 = arith.constant 0 : i32
    %scan3A_197 = arith.constant 63 : i32
    %scan3A_198 = arith.addi %scan3A_196, %scan3A_197 : i32
    %scan3A_199 = arith.constant 1 : i32
    scf.for %scan3A_208 = %scan3A_196 to %scan3A_198 step %scan3A_199  : i32 {
      %mul3A_209 = arith.constant 2 : i32
      %mul3A_210 = arith.muli %mul3A_209, %scan3A_208 : i32
      %add3A_211 = arith.constant 1 : i32
      %add3A_212 = arith.addi %mul3A_210, %add3A_211 : i32
      %dma_start3A_213 = arith.constant 0 : i32
      %dma_start3A_214 = tpu.memref_slice %arg10[%add3A_212, %dma_start3A_213] : memref<252x80xi32, #tpu.memory_space<vmem>> -> memref<1x80xi32, #tpu.memory_space<vmem>>
      %dma_start3A_215 = tpu.memref_squeeze %dma_start3A_214 : memref<1x80xi32, #tpu.memory_space<vmem>> -> memref<80xi32, #tpu.memory_space<vmem>>
      %dma_start3A_216 = arith.constant 0 : i32
      %dma_start3A_217 = arith.constant 0 : i32
      %dma_start3A_218 = tpu.memref_slice %arg6[%dma_start3A_216, %dma_start3A_217] : memref<20128x128xf32, #tpu.memory_space<hbm>> -> memref<20128x128xf32, #tpu.memory_space<hbm>>
      tpu.enqueue_indirect_dma source(%dma_start3A_218 : memref<20128x128xf32, #tpu.memory_space<hbm>>) target(%arg13 : memref<80x128xf32, #tpu.memory_space<vmem>>) offsets(%dma_start3A_215 : memref<80xi32, #tpu.memory_space<vmem>>) semaphore(%arg16 : memref<!tpu.dma_semaphore, #tpu.memory_space<semaphore_mem>>)
      %dma_wait3A = arith.constant 0 : i32
      %dma_wait3A_219 = tpu.memref_slice %arg10[%mul3A_210, %dma_wait3A] : memref<252x80xi32, #tpu.memory_space<vmem>> -> memref<1x80xi32, #tpu.memory_space<vmem>>
      %dma_wait3A_220 = tpu.memref_squeeze %dma_wait3A_219 : memref<1x80xi32, #tpu.memory_space<vmem>> -> memref<80xi32, #tpu.memory_space<vmem>>
      %dma_wait3A_221 = arith.constant 0 : i32
      %dma_wait3A_222 = arith.constant 0 : i32
      %dma_wait3A_223 = tpu.memref_slice %arg6[%dma_wait3A_221, %dma_wait3A_222] : memref<20128x128xf32, #tpu.memory_space<hbm>> -> memref<20128x128xf32, #tpu.memory_space<hbm>>
      tpu.wait_indirect_dma semaphore(%arg15 : memref<!tpu.dma_semaphore, #tpu.memory_space<semaphore_mem>>) src(%dma_wait3A_223 : memref<20128x128xf32, #tpu.memory_space<hbm>>) dst(%arg12 : memref<80x128xf32, #tpu.memory_space<vmem>>)
      "tpu.region"() ({
        %run_scoped3A_241 = tpu.sem_alloc : memref<!tpu.dma_semaphore, #tpu.memory_space<semaphore_mem>>
        %dma_start3A_242 = arith.constant 0 : i32
        %dma_start3A_243 = tpu.memref_slice %arg11[%mul3A_210, %dma_start3A_242] : memref<252x80xi32, #tpu.memory_space<vmem>> -> memref<1x80xi32, #tpu.memory_space<vmem>>
        %dma_start3A_244 = tpu.memref_squeeze %dma_start3A_243 : memref<1x80xi32, #tpu.memory_space<vmem>> -> memref<80xi32, #tpu.memory_space<vmem>>
        %dma_start3A_245 = arith.constant 0 : i32
        %dma_start3A_246 = arith.constant 0 : i32
        %dma_start3A_247 = tpu.memref_slice %arg14[%dma_start3A_245, %dma_start3A_246] : memref<5144x128xf32, #tpu.memory_space<vmem_shared>> -> memref<5144x128xf32, #tpu.memory_space<vmem_shared>>
        tpu.enqueue_indirect_dma source(%arg12 : memref<80x128xf32, #tpu.memory_space<vmem>>) target(%dma_start3A_247 : memref<5144x128xf32, #tpu.memory_space<vmem_shared>>) offsets(%dma_start3A_244 : memref<80xi32, #tpu.memory_space<vmem>>) semaphore(%run_scoped3A_241 : memref<!tpu.dma_semaphore, #tpu.memory_space<semaphore_mem>>) {add = true}
        %dma_wait3A_248 = arith.constant 0 : i32
        %dma_wait3A_249 = tpu.memref_slice %arg11[%mul3A_210, %dma_wait3A_248] : memref<252x80xi32, #tpu.memory_space<vmem>> -> memref<1x80xi32, #tpu.memory_space<vmem>>
        %dma_wait3A_250 = tpu.memref_squeeze %dma_wait3A_249 : memref<1x80xi32, #tpu.memory_space<vmem>> -> memref<80xi32, #tpu.memory_space<vmem>>
        %dma_wait3A_251 = arith.constant 0 : i32
        %dma_wait3A_252 = arith.constant 0 : i32
        %dma_wait3A_253 = tpu.memref_slice %arg14[%dma_wait3A_251, %dma_wait3A_252] : memref<5144x128xf32, #tpu.memory_space<vmem_shared>> -> memref<5144x128xf32, #tpu.memory_space<vmem_shared>>
        tpu.wait_indirect_dma semaphore(%run_scoped3A_241 : memref<!tpu.dma_semaphore, #tpu.memory_space<semaphore_mem>>) src(%arg12 : memref<80x128xf32, #tpu.memory_space<vmem>>) dst(%dma_wait3A_253 : memref<5144x128xf32, #tpu.memory_space<vmem_shared>>)
        tpu.yield
      }) : () -> ()
      %add3A_224 = arith.constant 2 : i32
      %add3A_225 = arith.addi %mul3A_210, %add3A_224 : i32
      %lt3A_226 = arith.constant 126 : i32
      %lt3A_227 = arith.cmpi slt, %add3A_225, %lt3A_226 : i32
      %convert_element_type3A_228 = arith.extui %lt3A_227 : i1 to i32
      %cond3A_229 = arith.constant 0 : i32
      %cond3A_230 = arith.cmpi ne, %convert_element_type3A_228, %cond3A_229 : i32
      scf.if %cond3A_230 {
        %add3A_241 = arith.constant 2 : i32
        %add3A_242 = arith.addi %mul3A_210, %add3A_241 : i32
        %dma_start3A_243 = arith.constant 0 : i32
        %dma_start3A_244 = tpu.memref_slice %arg10[%add3A_242, %dma_start3A_243] : memref<252x80xi32, #tpu.memory_space<vmem>> -> memref<1x80xi32, #tpu.memory_space<vmem>>
        %dma_start3A_245 = tpu.memref_squeeze %dma_start3A_244 : memref<1x80xi32, #tpu.memory_space<vmem>> -> memref<80xi32, #tpu.memory_space<vmem>>
        %dma_start3A_246 = arith.constant 0 : i32
        %dma_start3A_247 = arith.constant 0 : i32
        %dma_start3A_248 = tpu.memref_slice %arg6[%dma_start3A_246, %dma_start3A_247] : memref<20128x128xf32, #tpu.memory_space<hbm>> -> memref<20128x128xf32, #tpu.memory_space<hbm>>
        tpu.enqueue_indirect_dma source(%dma_start3A_248 : memref<20128x128xf32, #tpu.memory_space<hbm>>) target(%arg12 : memref<80x128xf32, #tpu.memory_space<vmem>>) offsets(%dma_start3A_245 : memref<80xi32, #tpu.memory_space<vmem>>) semaphore(%arg15 : memref<!tpu.dma_semaphore, #tpu.memory_space<semaphore_mem>>)
      } else {
      }
      %add3A_231 = arith.constant 1 : i32
      %add3A_232 = arith.addi %mul3A_210, %add3A_231 : i32
      %dma_wait3A_233 = arith.constant 0 : i32
      %dma_wait3A_234 = tpu.memref_slice %arg10[%add3A_232, %dma_wait3A_233] : memref<252x80xi32, #tpu.memory_space<vmem>> -> memref<1x80xi32, #tpu.memory_space<vmem>>
      %dma_wait3A_235 = tpu.memref_squeeze %dma_wait3A_234 : memref<1x80xi32, #tpu.memory_space<vmem>> -> memref<80xi32, #tpu.memory_space<vmem>>
      %dma_wait3A_236 = arith.constant 0 : i32
      %dma_wait3A_237 = arith.constant 0 : i32
      %dma_wait3A_238 = tpu.memref_slice %arg6[%dma_wait3A_236, %dma_wait3A_237] : memref<20128x128xf32, #tpu.memory_space<hbm>> -> memref<20128x128xf32, #tpu.memory_space<hbm>>
      tpu.wait_indirect_dma semaphore(%arg16 : memref<!tpu.dma_semaphore, #tpu.memory_space<semaphore_mem>>) src(%dma_wait3A_238 : memref<20128x128xf32, #tpu.memory_space<hbm>>) dst(%arg13 : memref<80x128xf32, #tpu.memory_space<vmem>>)
      %add3A_239 = arith.constant 1 : i32
      %add3A_240 = arith.addi %mul3A_210, %add3A_239 : i32
      "tpu.region"() ({
        %run_scoped3A_241 = tpu.sem_alloc : memref<!tpu.dma_semaphore, #tpu.memory_space<semaphore_mem>>
        %dma_start3A_242 = arith.constant 0 : i32
        %dma_start3A_243 = tpu.memref_slice %arg11[%add3A_240, %dma_start3A_242] : memref<252x80xi32, #tpu.memory_space<vmem>> -> memref<1x80xi32, #tpu.memory_space<vmem>>
        %dma_start3A_244 = tpu.memref_squeeze %dma_start3A_243 : memref<1x80xi32, #tpu.memory_space<vmem>> -> memref<80xi32, #tpu.memory_space<vmem>>
        %dma_start3A_245 = arith.constant 0 : i32
        %dma_start3A_246 = arith.constant 0 : i32
        %dma_start3A_247 = tpu.memref_slice %arg14[%dma_start3A_245, %dma_start3A_246] : memref<5144x128xf32, #tpu.memory_space<vmem_shared>> -> memref<5144x128xf32, #tpu.memory_space<vmem_shared>>
        tpu.enqueue_indirect_dma source(%arg13 : memref<80x128xf32, #tpu.memory_space<vmem>>) target(%dma_start3A_247 : memref<5144x128xf32, #tpu.memory_space<vmem_shared>>) offsets(%dma_start3A_244 : memref<80xi32, #tpu.memory_space<vmem>>) semaphore(%run_scoped3A_241 : memref<!tpu.dma_semaphore, #tpu.memory_space<semaphore_mem>>) {add = true}
        %dma_wait3A_248 = arith.constant 0 : i32
        %dma_wait3A_249 = tpu.memref_slice %arg11[%add3A_240, %dma_wait3A_248] : memref<252x80xi32, #tpu.memory_space<vmem>> -> memref<1x80xi32, #tpu.memory_space<vmem>>
        %dma_wait3A_250 = tpu.memref_squeeze %dma_wait3A_249 : memref<1x80xi32, #tpu.memory_space<vmem>> -> memref<80xi32, #tpu.memory_space<vmem>>
        %dma_wait3A_251 = arith.constant 0 : i32
        %dma_wait3A_252 = arith.constant 0 : i32
        %dma_wait3A_253 = tpu.memref_slice %arg14[%dma_wait3A_251, %dma_wait3A_252] : memref<5144x128xf32, #tpu.memory_space<vmem_shared>> -> memref<5144x128xf32, #tpu.memory_space<vmem_shared>>
        tpu.wait_indirect_dma semaphore(%run_scoped3A_241 : memref<!tpu.dma_semaphore, #tpu.memory_space<semaphore_mem>>) src(%arg13 : memref<80x128xf32, #tpu.memory_space<vmem>>) dst(%dma_wait3A_253 : memref<5144x128xf32, #tpu.memory_space<vmem_shared>>)
        tpu.yield
      }) : () -> ()
    }
    %scan3A_200 = arith.constant 63 : i32
    %barrier3A_201 = arith.constant 0 : index
    tpu.barrier barrier_id(%barrier3A_201)
    %lt3A_202 = arith.constant 8 : i32
    %lt3A_203 = arith.cmpi slt, %arg1, %lt3A_202 : i32
    %convert_element_type3A_204 = arith.extui %lt3A_203 : i1 to i32
    %cond3A_205 = arith.constant 0 : i32
    %cond3A_206 = arith.cmpi ne, %convert_element_type3A_204, %cond3A_205 : i32
    scf.if %cond3A_206 {
      %add3A_208 = arith.constant 5056 : i32
      %add3A_209 = arith.addi %add3A_208, %mul3A_1 : i32
      %run_scoped3A_210 = arith.constant 1 : i32
      "tpu.region"() ({
        %run_scoped3A_211 = tpu.sem_alloc : memref<!tpu.dma_semaphore, #tpu.memory_space<semaphore_mem>>
        %dma_start3A_212 = arith.constant 0 : i32
        %dma_start3A_213 = tpu.memref_slice %arg8[%run_scoped3A_210, %arg0, %add3A_209, %dma_start3A_212] : memref<2x2x10112x128xf32, #tpu.memory_space<hbm>> -> memref<1x1x632x128xf32, #tpu.memory_space<hbm>>
        %dma_start3A_214 = tpu.memref_squeeze %dma_start3A_213 : memref<1x1x632x128xf32, #tpu.memory_space<hbm>> -> memref<632x128xf32, #tpu.memory_space<hbm>>
        %dma_start3A_215 = arith.constant 0 : i32
        %dma_start3A_216 = tpu.memref_slice %arg14[%mul3A_1, %dma_start3A_215] : memref<5144x128xf32, #tpu.memory_space<vmem_shared>> -> memref<632x128xf32, #tpu.memory_space<vmem_shared>>
        tpu.enqueue_dma source(%dma_start3A_216 : memref<632x128xf32, #tpu.memory_space<vmem_shared>>) target(%dma_start3A_214 : memref<632x128xf32, #tpu.memory_space<hbm>>) target_semaphore(%run_scoped3A_211 : memref<!tpu.dma_semaphore, #tpu.memory_space<semaphore_mem>>)
        %dma_wait3A = arith.constant 0 : i32
        %dma_wait3A_217 = tpu.memref_slice %arg8[%run_scoped3A_210, %arg0, %add3A_209, %dma_wait3A] : memref<2x2x10112x128xf32, #tpu.memory_space<hbm>> -> memref<1x1x632x128xf32, #tpu.memory_space<hbm>>
        %dma_wait3A_218 = tpu.memref_squeeze %dma_wait3A_217 : memref<1x1x632x128xf32, #tpu.memory_space<hbm>> -> memref<632x128xf32, #tpu.memory_space<hbm>>
        %dma_wait3A_219 = arith.constant 0 : i32
        %dma_wait3A_220 = tpu.memref_slice %arg14[%mul3A_1, %dma_wait3A_219] : memref<5144x128xf32, #tpu.memory_space<vmem_shared>> -> memref<632x128xf32, #tpu.memory_space<vmem_shared>>
        tpu.wait_dma2 semaphore(%run_scoped3A_211 : memref<!tpu.dma_semaphore, #tpu.memory_space<semaphore_mem>>) src(%dma_wait3A_220 : memref<632x128xf32, #tpu.memory_space<vmem_shared>>) dst(%dma_wait3A_218 : memref<632x128xf32, #tpu.memory_space<hbm>>)
        tpu.yield
      }) : () -> ()
    } else {
    }
    %barrier3A_207 = arith.constant 0 : index
    tpu.barrier barrier_id(%barrier3A_207)
    return
  }
}

module attributes {stable_mosaic.version = 14 : i64} {
  func.func @_tc_body(%arg0: i32, %arg1: memref<400x256xf32, #tpu.memory_space<vmem>>, %arg2: memref<2x2x400x128xf32, #tpu.memory_space<vmem>>, %arg3: memref<2x400x16xf32, #tpu.memory_space<vmem>>, %arg4: memref<256x256xf32, #tpu.memory_space<vmem>>, %arg5: memref<1x256xf32, #tpu.memory_space<vmem>>, %arg6: memref<256x256xf32, #tpu.memory_space<vmem>>, %arg7: memref<1x256xf32, #tpu.memory_space<vmem>>, %arg8: memref<1x256xf32, #tpu.memory_space<vmem>>, %arg9: memref<1x256xf32, #tpu.memory_space<vmem>>, %arg10: memref<256x256xf32, #tpu.memory_space<vmem>>, %arg11: memref<1x256xf32, #tpu.memory_space<vmem>>, %arg12: memref<256x256xf32, #tpu.memory_space<vmem>>, %arg13: memref<1x256xf32, #tpu.memory_space<vmem>>, %arg14: memref<1x256xf32, #tpu.memory_space<vmem>>, %arg15: memref<1x256xf32, #tpu.memory_space<vmem>>, %arg16: memref<2x256x16xf32, #tpu.memory_space<vmem>>, %arg17: memref<2x1x16xf32, #tpu.memory_space<vmem>>, %arg18: memref<1x256xf32, #tpu.memory_space<vmem>>) attributes {dimension_semantics = [#tpu.dimension_semantics<arbitrary>], iteration_bounds = array<i64: 25>, scalar_prefetch = 0 : i64, scratch_operands = 0 : i64, tpu.core_type = #tpu.core_type<tc>, window_params = [{transform_indices = @transform_0, window_bounds = array<i64: 400, 256>}, {transform_indices = @transform_1, window_bounds = array<i64: 2, 2, 400, 128>}, {transform_indices = @transform_2, window_bounds = array<i64: 2, 400, 16>}, {pipeline_mode = #tpu.pipeline_mode<synchronous>, transform_indices = @transform_3, window_bounds = array<i64: 256, 256>}, {pipeline_mode = #tpu.pipeline_mode<synchronous>, transform_indices = @transform_4, window_bounds = array<i64: 1, 256>}, {pipeline_mode = #tpu.pipeline_mode<synchronous>, transform_indices = @transform_5, window_bounds = array<i64: 256, 256>}, {pipeline_mode = #tpu.pipeline_mode<synchronous>, transform_indices = @transform_6, window_bounds = array<i64: 1, 256>}, {pipeline_mode = #tpu.pipeline_mode<synchronous>, transform_indices = @transform_7, window_bounds = array<i64: 1, 256>}, {pipeline_mode = #tpu.pipeline_mode<synchronous>, transform_indices = @transform_8, window_bounds = array<i64: 1, 256>}, {pipeline_mode = #tpu.pipeline_mode<synchronous>, transform_indices = @transform_9, window_bounds = array<i64: 256, 256>}, {pipeline_mode = #tpu.pipeline_mode<synchronous>, transform_indices = @transform_10, window_bounds = array<i64: 1, 256>}, {pipeline_mode = #tpu.pipeline_mode<synchronous>, transform_indices = @transform_11, window_bounds = array<i64: 256, 256>}, {pipeline_mode = #tpu.pipeline_mode<synchronous>, transform_indices = @transform_12, window_bounds = array<i64: 1, 256>}, {pipeline_mode = #tpu.pipeline_mode<synchronous>, transform_indices = @transform_13, window_bounds = array<i64: 1, 256>}, {pipeline_mode = #tpu.pipeline_mode<synchronous>, transform_indices = @transform_14, window_bounds = array<i64: 1, 256>}, {pipeline_mode = #tpu.pipeline_mode<synchronous>, transform_indices = @transform_15, window_bounds = array<i64: 2, 256, 16>}, {pipeline_mode = #tpu.pipeline_mode<synchronous>, transform_indices = @transform_16, window_bounds = array<i64: 2, 1, 16>}, {pipeline_mode = #tpu.pipeline_mode<synchronous>, transform_indices = @transform_17, window_bounds = array<i64: 1, 256>}]} {
    %get3A = arith.constant 0 : index
    %get3A_0 = arith.constant 0 : index
    %get3A_1 = vector.load %arg1[%get3A, %get3A_0] : memref<400x256xf32, #tpu.memory_space<vmem>>, vector<400x256xf32>
    %get3A_2 = arith.constant 0 : index
    %get3A_3 = arith.constant 0 : index
    %get3A_4 = arith.constant 0 : index
    %get3A_5 = arith.constant 0 : index
    %get3A_6 = vector.load %arg2[%get3A_2, %get3A_3, %get3A_4, %get3A_5] : memref<2x2x400x128xf32, #tpu.memory_space<vmem>>, vector<1x1x400x128xf32>
    %get3A_7 = vector.shape_cast %get3A_6 : vector<1x1x400x128xf32> to vector<400x128xf32>
    %get3A_8 = arith.constant 0 : index
    %get3A_9 = arith.constant 1 : index
    %get3A_10 = arith.constant 0 : index
    %get3A_11 = arith.constant 0 : index
    %get3A_12 = vector.load %arg2[%get3A_8, %get3A_9, %get3A_10, %get3A_11] : memref<2x2x400x128xf32, #tpu.memory_space<vmem>>, vector<1x1x400x128xf32>
    %get3A_13 = vector.shape_cast %get3A_12 : vector<1x1x400x128xf32> to vector<400x128xf32>
    %concatenate3A = tpu.concatenate %get3A_7, %get3A_13 in 1 : vector<400x128xf32>, vector<400x128xf32> -> vector<400x256xf32>
    %get3A_14 = arith.constant 0 : index
    %get3A_15 = arith.constant 0 : index
    %get3A_16 = arith.constant 0 : index
    %get3A_17 = vector.load %arg3[%get3A_14, %get3A_15, %get3A_16] : memref<2x400x16xf32, #tpu.memory_space<vmem>>, vector<1x400x1xf32>
    %get3A_18 = vector.shape_cast %get3A_17 : vector<1x400x1xf32> to vector<400x1xf32>
    %max3A = arith.constant 1.000000e+00 : f32
    %max3A_19 = vector.broadcast %max3A : f32 to vector<400x1xf32>
    %max3A_20 = arith.maximumf %get3A_18, %max3A_19 : vector<400x1xf32>
    %div3A = vector.broadcast %max3A_20 : vector<400x1xf32> to vector<400x256xf32>
    %div3A_21 = arith.divf %concatenate3A, %div3A : vector<400x256xf32>
    %add3A = arith.addf %get3A_1, %div3A_21 : vector<400x256xf32>
    %get3A_22 = arith.constant 0 : index
    %get3A_23 = arith.constant 0 : index
    %get3A_24 = vector.load %arg4[%get3A_22, %get3A_23] : memref<256x256xf32, #tpu.memory_space<vmem>>, vector<256x256xf32>
    %dot_general3A = arith.constant dense<0.000000e+00> : vector<400x256xf32>
    %dot_general3A_25 = tpu.matmul %add3A, %get3A_24, %dot_general3A {dimension_numbers = #tpu.dot_dimension_numbers<[1], [0], [0], [1], [0, 0, 1, 1], [], []>, precision = #tpu.contract_precision<fp32>, transpose_lhs_hint = false} : vector<400x256xf32>, vector<256x256xf32>, vector<400x256xf32> -> vector<400x256xf32>
    %get3A_26 = arith.constant 0 : index
    %get3A_27 = arith.constant 0 : index
    %get3A_28 = vector.load %arg5[%get3A_26, %get3A_27] : memref<1x256xf32, #tpu.memory_space<vmem>>, vector<1x256xf32>
    %add3A_29 = vector.broadcast %get3A_28 : vector<1x256xf32> to vector<400x256xf32>
    %add3A_30 = arith.addf %dot_general3A_25, %add3A_29 : vector<400x256xf32>
    %get3A_31 = arith.constant 0 : index
    %get3A_32 = arith.constant 0 : index
    %get3A_33 = vector.load %arg8[%get3A_31, %get3A_32] : memref<1x256xf32, #tpu.memory_space<vmem>>, vector<1x256xf32>
    %get3A_34 = arith.constant 0 : index
    %get3A_35 = arith.constant 0 : index
    %get3A_36 = vector.load %arg9[%get3A_34, %get3A_35] : memref<1x256xf32, #tpu.memory_space<vmem>>, vector<1x256xf32>
    %reduce_sum3A = arith.constant dense<0.000000e+00> : vector<400xf32>
    %reduce_sum3A_37 = vector.multi_reduction <add>, %add3A_30, %reduce_sum3A [1] : vector<400x256xf32> to vector<400xf32>
    %broadcast_in_dim3A = vector.shape_cast %reduce_sum3A_37 : vector<400xf32> to vector<400x1xf32>
    %div3A_38 = arith.constant 2.560000e+02 : f32
    %div3A_39 = vector.broadcast %div3A_38 : f32 to vector<400x1xf32>
    %div3A_40 = arith.divf %broadcast_in_dim3A, %div3A_39 : vector<400x1xf32>
    %sub3A = vector.broadcast %div3A_40 : vector<400x1xf32> to vector<400x256xf32>
    %sub3A_41 = arith.subf %add3A_30, %sub3A : vector<400x256xf32>
    %integer_pow3A = arith.mulf %sub3A_41, %sub3A_41 : vector<400x256xf32>
    %reduce_sum3A_42 = arith.constant dense<0.000000e+00> : vector<400xf32>
    %reduce_sum3A_43 = vector.multi_reduction <add>, %integer_pow3A, %reduce_sum3A_42 [1] : vector<400x256xf32> to vector<400xf32>
    %broadcast_in_dim3A_44 = vector.shape_cast %reduce_sum3A_43 : vector<400xf32> to vector<400x1xf32>
    %div3A_45 = arith.constant 2.560000e+02 : f32
    %div3A_46 = vector.broadcast %div3A_45 : f32 to vector<400x1xf32>
    %div3A_47 = arith.divf %broadcast_in_dim3A_44, %div3A_46 : vector<400x1xf32>
    %sub3A_48 = vector.broadcast %div3A_40 : vector<400x1xf32> to vector<400x256xf32>
    %sub3A_49 = arith.subf %add3A_30, %sub3A_48 : vector<400x256xf32>
    %add3A_50 = arith.constant 9.99999974E-6 : f32
    %add3A_51 = vector.broadcast %add3A_50 : f32 to vector<400x1xf32>
    %add3A_52 = arith.addf %div3A_47, %add3A_51 : vector<400x1xf32>
    %sqrt3A = math.sqrt %add3A_52 : vector<400x1xf32>
    %div3A_53 = vector.broadcast %sqrt3A : vector<400x1xf32> to vector<400x256xf32>
    %div3A_54 = arith.divf %sub3A_49, %div3A_53 : vector<400x256xf32>
    %mul3A = vector.broadcast %get3A_33 : vector<1x256xf32> to vector<400x256xf32>
    %mul3A_55 = arith.mulf %div3A_54, %mul3A : vector<400x256xf32>
    %add3A_56 = vector.broadcast %get3A_36 : vector<1x256xf32> to vector<400x256xf32>
    %add3A_57 = arith.addf %mul3A_55, %add3A_56 : vector<400x256xf32>
    %max3A_58 = arith.constant 0.000000e+00 : f32
    %max3A_59 = vector.broadcast %max3A_58 : f32 to vector<400x256xf32>
    %max3A_60 = arith.maximumf %add3A_57, %max3A_59 : vector<400x256xf32>
    %get3A_61 = arith.constant 0 : index
    %get3A_62 = arith.constant 0 : index
    %get3A_63 = vector.load %arg6[%get3A_61, %get3A_62] : memref<256x256xf32, #tpu.memory_space<vmem>>, vector<256x256xf32>
    %dot_general3A_64 = arith.constant dense<0.000000e+00> : vector<400x256xf32>
    %dot_general3A_65 = tpu.matmul %max3A_60, %get3A_63, %dot_general3A_64 {dimension_numbers = #tpu.dot_dimension_numbers<[1], [0], [0], [1], [0, 0, 1, 1], [], []>, precision = #tpu.contract_precision<fp32>, transpose_lhs_hint = false} : vector<400x256xf32>, vector<256x256xf32>, vector<400x256xf32> -> vector<400x256xf32>
    %get3A_66 = arith.constant 0 : index
    %get3A_67 = arith.constant 0 : index
    %get3A_68 = vector.load %arg7[%get3A_66, %get3A_67] : memref<1x256xf32, #tpu.memory_space<vmem>>, vector<1x256xf32>
    %add3A_69 = vector.broadcast %get3A_68 : vector<1x256xf32> to vector<400x256xf32>
    %add3A_70 = arith.addf %dot_general3A_65, %add3A_69 : vector<400x256xf32>
    %get3A_71 = arith.constant 0 : index
    %get3A_72 = arith.constant 0 : index
    %get3A_73 = vector.load %arg8[%get3A_71, %get3A_72] : memref<1x256xf32, #tpu.memory_space<vmem>>, vector<1x256xf32>
    %get3A_74 = arith.constant 0 : index
    %get3A_75 = arith.constant 0 : index
    %get3A_76 = vector.load %arg9[%get3A_74, %get3A_75] : memref<1x256xf32, #tpu.memory_space<vmem>>, vector<1x256xf32>
    %reduce_sum3A_77 = arith.constant dense<0.000000e+00> : vector<400xf32>
    %reduce_sum3A_78 = vector.multi_reduction <add>, %add3A_70, %reduce_sum3A_77 [1] : vector<400x256xf32> to vector<400xf32>
    %broadcast_in_dim3A_79 = vector.shape_cast %reduce_sum3A_78 : vector<400xf32> to vector<400x1xf32>
    %div3A_80 = arith.constant 2.560000e+02 : f32
    %div3A_81 = vector.broadcast %div3A_80 : f32 to vector<400x1xf32>
    %div3A_82 = arith.divf %broadcast_in_dim3A_79, %div3A_81 : vector<400x1xf32>
    %sub3A_83 = vector.broadcast %div3A_82 : vector<400x1xf32> to vector<400x256xf32>
    %sub3A_84 = arith.subf %add3A_70, %sub3A_83 : vector<400x256xf32>
    %integer_pow3A_85 = arith.mulf %sub3A_84, %sub3A_84 : vector<400x256xf32>
    %reduce_sum3A_86 = arith.constant dense<0.000000e+00> : vector<400xf32>
    %reduce_sum3A_87 = vector.multi_reduction <add>, %integer_pow3A_85, %reduce_sum3A_86 [1] : vector<400x256xf32> to vector<400xf32>
    %broadcast_in_dim3A_88 = vector.shape_cast %reduce_sum3A_87 : vector<400xf32> to vector<400x1xf32>
    %div3A_89 = arith.constant 2.560000e+02 : f32
    %div3A_90 = vector.broadcast %div3A_89 : f32 to vector<400x1xf32>
    %div3A_91 = arith.divf %broadcast_in_dim3A_88, %div3A_90 : vector<400x1xf32>
    %sub3A_92 = vector.broadcast %div3A_82 : vector<400x1xf32> to vector<400x256xf32>
    %sub3A_93 = arith.subf %add3A_70, %sub3A_92 : vector<400x256xf32>
    %add3A_94 = arith.constant 9.99999974E-6 : f32
    %add3A_95 = vector.broadcast %add3A_94 : f32 to vector<400x1xf32>
    %add3A_96 = arith.addf %div3A_91, %add3A_95 : vector<400x1xf32>
    %sqrt3A_97 = math.sqrt %add3A_96 : vector<400x1xf32>
    %div3A_98 = vector.broadcast %sqrt3A_97 : vector<400x1xf32> to vector<400x256xf32>
    %div3A_99 = arith.divf %sub3A_93, %div3A_98 : vector<400x256xf32>
    %mul3A_100 = vector.broadcast %get3A_73 : vector<1x256xf32> to vector<400x256xf32>
    %mul3A_101 = arith.mulf %div3A_99, %mul3A_100 : vector<400x256xf32>
    %add3A_102 = vector.broadcast %get3A_76 : vector<1x256xf32> to vector<400x256xf32>
    %add3A_103 = arith.addf %mul3A_101, %add3A_102 : vector<400x256xf32>
    %max3A_104 = arith.constant 0.000000e+00 : f32
    %max3A_105 = vector.broadcast %max3A_104 : f32 to vector<400x256xf32>
    %max3A_106 = arith.maximumf %add3A_103, %max3A_105 : vector<400x256xf32>
    %get3A_107 = arith.constant 0 : index
    %get3A_108 = arith.constant 0 : index
    %get3A_109 = arith.constant 0 : index
    %get3A_110 = vector.load %arg16[%get3A_107, %get3A_108, %get3A_109] : memref<2x256x16xf32, #tpu.memory_space<vmem>>, vector<1x256x16xf32>
    %get3A_111 = vector.shape_cast %get3A_110 : vector<1x256x16xf32> to vector<256x16xf32>
    %dot_general3A_112 = arith.constant dense<0.000000e+00> : vector<400x16xf32>
    %dot_general3A_113 = tpu.matmul %max3A_106, %get3A_111, %dot_general3A_112 {dimension_numbers = #tpu.dot_dimension_numbers<[1], [0], [0], [1], [0, 0, 1, 1], [], []>, precision = #tpu.contract_precision<fp32>, transpose_lhs_hint = false} : vector<400x256xf32>, vector<256x16xf32>, vector<400x16xf32> -> vector<400x16xf32>
    %tanh3A = math.tanh %dot_general3A_113 : vector<400x16xf32>
    %get3A_114 = arith.constant 0 : index
    %get3A_115 = arith.constant 0 : index
    %get3A_116 = arith.constant 0 : index
    %get3A_117 = vector.load %arg17[%get3A_114, %get3A_115, %get3A_116] : memref<2x1x16xf32, #tpu.memory_space<vmem>>, vector<1x1x16xf32>
    %get3A_118 = vector.shape_cast %get3A_117 : vector<1x1x16xf32> to vector<1x16xf32>
    %mul3A_119 = vector.broadcast %get3A_118 : vector<1x16xf32> to vector<400x16xf32>
    %mul3A_120 = arith.mulf %tanh3A, %mul3A_119 : vector<400x16xf32>
    %reduce_sum3A_121 = arith.constant dense<0.000000e+00> : vector<400xf32>
    %reduce_sum3A_122 = vector.multi_reduction <add>, %mul3A_120, %reduce_sum3A_121 [1] : vector<400x16xf32> to vector<400xf32>
    %broadcast_in_dim3A_123 = vector.shape_cast %reduce_sum3A_122 : vector<400xf32> to vector<400x1xf32>
    %get3A_124 = arith.constant 1 : index
    %get3A_125 = arith.constant 0 : index
    %get3A_126 = arith.constant 0 : index
    %get3A_127 = arith.constant 0 : index
    %get3A_128 = vector.load %arg2[%get3A_124, %get3A_125, %get3A_126, %get3A_127] : memref<2x2x400x128xf32, #tpu.memory_space<vmem>>, vector<1x1x400x128xf32>
    %get3A_129 = vector.shape_cast %get3A_128 : vector<1x1x400x128xf32> to vector<400x128xf32>
    %get3A_130 = arith.constant 1 : index
    %get3A_131 = arith.constant 1 : index
    %get3A_132 = arith.constant 0 : index
    %get3A_133 = arith.constant 0 : index
    %get3A_134 = vector.load %arg2[%get3A_130, %get3A_131, %get3A_132, %get3A_133] : memref<2x2x400x128xf32, #tpu.memory_space<vmem>>, vector<1x1x400x128xf32>
    %get3A_135 = vector.shape_cast %get3A_134 : vector<1x1x400x128xf32> to vector<400x128xf32>
    %concatenate3A_136 = tpu.concatenate %get3A_129, %get3A_135 in 1 : vector<400x128xf32>, vector<400x128xf32> -> vector<400x256xf32>
    %get3A_137 = arith.constant 1 : index
    %get3A_138 = arith.constant 0 : index
    %get3A_139 = arith.constant 0 : index
    %get3A_140 = vector.load %arg3[%get3A_137, %get3A_138, %get3A_139] : memref<2x400x16xf32, #tpu.memory_space<vmem>>, vector<1x400x1xf32>
    %get3A_141 = vector.shape_cast %get3A_140 : vector<1x400x1xf32> to vector<400x1xf32>
    %max3A_142 = arith.constant 1.000000e+00 : f32
    %max3A_143 = vector.broadcast %max3A_142 : f32 to vector<400x1xf32>
    %max3A_144 = arith.maximumf %get3A_141, %max3A_143 : vector<400x1xf32>
    %div3A_145 = vector.broadcast %max3A_144 : vector<400x1xf32> to vector<400x256xf32>
    %div3A_146 = arith.divf %concatenate3A_136, %div3A_145 : vector<400x256xf32>
    %add3A_147 = arith.addf %get3A_1, %div3A_146 : vector<400x256xf32>
    %get3A_148 = arith.constant 0 : index
    %get3A_149 = arith.constant 0 : index
    %get3A_150 = vector.load %arg10[%get3A_148, %get3A_149] : memref<256x256xf32, #tpu.memory_space<vmem>>, vector<256x256xf32>
    %dot_general3A_151 = arith.constant dense<0.000000e+00> : vector<400x256xf32>
    %dot_general3A_152 = tpu.matmul %add3A_147, %get3A_150, %dot_general3A_151 {dimension_numbers = #tpu.dot_dimension_numbers<[1], [0], [0], [1], [0, 0, 1, 1], [], []>, precision = #tpu.contract_precision<fp32>, transpose_lhs_hint = false} : vector<400x256xf32>, vector<256x256xf32>, vector<400x256xf32> -> vector<400x256xf32>
    %get3A_153 = arith.constant 0 : index
    %get3A_154 = arith.constant 0 : index
    %get3A_155 = vector.load %arg11[%get3A_153, %get3A_154] : memref<1x256xf32, #tpu.memory_space<vmem>>, vector<1x256xf32>
    %add3A_156 = vector.broadcast %get3A_155 : vector<1x256xf32> to vector<400x256xf32>
    %add3A_157 = arith.addf %dot_general3A_152, %add3A_156 : vector<400x256xf32>
    %get3A_158 = arith.constant 0 : index
    %get3A_159 = arith.constant 0 : index
    %get3A_160 = vector.load %arg14[%get3A_158, %get3A_159] : memref<1x256xf32, #tpu.memory_space<vmem>>, vector<1x256xf32>
    %get3A_161 = arith.constant 0 : index
    %get3A_162 = arith.constant 0 : index
    %get3A_163 = vector.load %arg15[%get3A_161, %get3A_162] : memref<1x256xf32, #tpu.memory_space<vmem>>, vector<1x256xf32>
    %reduce_sum3A_164 = arith.constant dense<0.000000e+00> : vector<400xf32>
    %reduce_sum3A_165 = vector.multi_reduction <add>, %add3A_157, %reduce_sum3A_164 [1] : vector<400x256xf32> to vector<400xf32>
    %broadcast_in_dim3A_166 = vector.shape_cast %reduce_sum3A_165 : vector<400xf32> to vector<400x1xf32>
    %div3A_167 = arith.constant 2.560000e+02 : f32
    %div3A_168 = vector.broadcast %div3A_167 : f32 to vector<400x1xf32>
    %div3A_169 = arith.divf %broadcast_in_dim3A_166, %div3A_168 : vector<400x1xf32>
    %sub3A_170 = vector.broadcast %div3A_169 : vector<400x1xf32> to vector<400x256xf32>
    %sub3A_171 = arith.subf %add3A_157, %sub3A_170 : vector<400x256xf32>
    %integer_pow3A_172 = arith.mulf %sub3A_171, %sub3A_171 : vector<400x256xf32>
    %reduce_sum3A_173 = arith.constant dense<0.000000e+00> : vector<400xf32>
    %reduce_sum3A_174 = vector.multi_reduction <add>, %integer_pow3A_172, %reduce_sum3A_173 [1] : vector<400x256xf32> to vector<400xf32>
    %broadcast_in_dim3A_175 = vector.shape_cast %reduce_sum3A_174 : vector<400xf32> to vector<400x1xf32>
    %div3A_176 = arith.constant 2.560000e+02 : f32
    %div3A_177 = vector.broadcast %div3A_176 : f32 to vector<400x1xf32>
    %div3A_178 = arith.divf %broadcast_in_dim3A_175, %div3A_177 : vector<400x1xf32>
    %sub3A_179 = vector.broadcast %div3A_169 : vector<400x1xf32> to vector<400x256xf32>
    %sub3A_180 = arith.subf %add3A_157, %sub3A_179 : vector<400x256xf32>
    %add3A_181 = arith.constant 9.99999974E-6 : f32
    %add3A_182 = vector.broadcast %add3A_181 : f32 to vector<400x1xf32>
    %add3A_183 = arith.addf %div3A_178, %add3A_182 : vector<400x1xf32>
    %sqrt3A_184 = math.sqrt %add3A_183 : vector<400x1xf32>
    %div3A_185 = vector.broadcast %sqrt3A_184 : vector<400x1xf32> to vector<400x256xf32>
    %div3A_186 = arith.divf %sub3A_180, %div3A_185 : vector<400x256xf32>
    %mul3A_187 = vector.broadcast %get3A_160 : vector<1x256xf32> to vector<400x256xf32>
    %mul3A_188 = arith.mulf %div3A_186, %mul3A_187 : vector<400x256xf32>
    %add3A_189 = vector.broadcast %get3A_163 : vector<1x256xf32> to vector<400x256xf32>
    %add3A_190 = arith.addf %mul3A_188, %add3A_189 : vector<400x256xf32>
    %max3A_191 = arith.constant 0.000000e+00 : f32
    %max3A_192 = vector.broadcast %max3A_191 : f32 to vector<400x256xf32>
    %max3A_193 = arith.maximumf %add3A_190, %max3A_192 : vector<400x256xf32>
    %get3A_194 = arith.constant 0 : index
    %get3A_195 = arith.constant 0 : index
    %get3A_196 = vector.load %arg12[%get3A_194, %get3A_195] : memref<256x256xf32, #tpu.memory_space<vmem>>, vector<256x256xf32>
    %dot_general3A_197 = arith.constant dense<0.000000e+00> : vector<400x256xf32>
    %dot_general3A_198 = tpu.matmul %max3A_193, %get3A_196, %dot_general3A_197 {dimension_numbers = #tpu.dot_dimension_numbers<[1], [0], [0], [1], [0, 0, 1, 1], [], []>, precision = #tpu.contract_precision<fp32>, transpose_lhs_hint = false} : vector<400x256xf32>, vector<256x256xf32>, vector<400x256xf32> -> vector<400x256xf32>
    %get3A_199 = arith.constant 0 : index
    %get3A_200 = arith.constant 0 : index
    %get3A_201 = vector.load %arg13[%get3A_199, %get3A_200] : memref<1x256xf32, #tpu.memory_space<vmem>>, vector<1x256xf32>
    %add3A_202 = vector.broadcast %get3A_201 : vector<1x256xf32> to vector<400x256xf32>
    %add3A_203 = arith.addf %dot_general3A_198, %add3A_202 : vector<400x256xf32>
    %get3A_204 = arith.constant 0 : index
    %get3A_205 = arith.constant 0 : index
    %get3A_206 = vector.load %arg14[%get3A_204, %get3A_205] : memref<1x256xf32, #tpu.memory_space<vmem>>, vector<1x256xf32>
    %get3A_207 = arith.constant 0 : index
    %get3A_208 = arith.constant 0 : index
    %get3A_209 = vector.load %arg15[%get3A_207, %get3A_208] : memref<1x256xf32, #tpu.memory_space<vmem>>, vector<1x256xf32>
    %reduce_sum3A_210 = arith.constant dense<0.000000e+00> : vector<400xf32>
    %reduce_sum3A_211 = vector.multi_reduction <add>, %add3A_203, %reduce_sum3A_210 [1] : vector<400x256xf32> to vector<400xf32>
    %broadcast_in_dim3A_212 = vector.shape_cast %reduce_sum3A_211 : vector<400xf32> to vector<400x1xf32>
    %div3A_213 = arith.constant 2.560000e+02 : f32
    %div3A_214 = vector.broadcast %div3A_213 : f32 to vector<400x1xf32>
    %div3A_215 = arith.divf %broadcast_in_dim3A_212, %div3A_214 : vector<400x1xf32>
    %sub3A_216 = vector.broadcast %div3A_215 : vector<400x1xf32> to vector<400x256xf32>
    %sub3A_217 = arith.subf %add3A_203, %sub3A_216 : vector<400x256xf32>
    %integer_pow3A_218 = arith.mulf %sub3A_217, %sub3A_217 : vector<400x256xf32>
    %reduce_sum3A_219 = arith.constant dense<0.000000e+00> : vector<400xf32>
    %reduce_sum3A_220 = vector.multi_reduction <add>, %integer_pow3A_218, %reduce_sum3A_219 [1] : vector<400x256xf32> to vector<400xf32>
    %broadcast_in_dim3A_221 = vector.shape_cast %reduce_sum3A_220 : vector<400xf32> to vector<400x1xf32>
    %div3A_222 = arith.constant 2.560000e+02 : f32
    %div3A_223 = vector.broadcast %div3A_222 : f32 to vector<400x1xf32>
    %div3A_224 = arith.divf %broadcast_in_dim3A_221, %div3A_223 : vector<400x1xf32>
    %sub3A_225 = vector.broadcast %div3A_215 : vector<400x1xf32> to vector<400x256xf32>
    %sub3A_226 = arith.subf %add3A_203, %sub3A_225 : vector<400x256xf32>
    %add3A_227 = arith.constant 9.99999974E-6 : f32
    %add3A_228 = vector.broadcast %add3A_227 : f32 to vector<400x1xf32>
    %add3A_229 = arith.addf %div3A_224, %add3A_228 : vector<400x1xf32>
    %sqrt3A_230 = math.sqrt %add3A_229 : vector<400x1xf32>
    %div3A_231 = vector.broadcast %sqrt3A_230 : vector<400x1xf32> to vector<400x256xf32>
    %div3A_232 = arith.divf %sub3A_226, %div3A_231 : vector<400x256xf32>
    %mul3A_233 = vector.broadcast %get3A_206 : vector<1x256xf32> to vector<400x256xf32>
    %mul3A_234 = arith.mulf %div3A_232, %mul3A_233 : vector<400x256xf32>
    %add3A_235 = vector.broadcast %get3A_209 : vector<1x256xf32> to vector<400x256xf32>
    %add3A_236 = arith.addf %mul3A_234, %add3A_235 : vector<400x256xf32>
    %max3A_237 = arith.constant 0.000000e+00 : f32
    %max3A_238 = vector.broadcast %max3A_237 : f32 to vector<400x256xf32>
    %max3A_239 = arith.maximumf %add3A_236, %max3A_238 : vector<400x256xf32>
    %get3A_240 = arith.constant 1 : index
    %get3A_241 = arith.constant 0 : index
    %get3A_242 = arith.constant 0 : index
    %get3A_243 = vector.load %arg16[%get3A_240, %get3A_241, %get3A_242] : memref<2x256x16xf32, #tpu.memory_space<vmem>>, vector<1x256x16xf32>
    %get3A_244 = vector.shape_cast %get3A_243 : vector<1x256x16xf32> to vector<256x16xf32>
    %dot_general3A_245 = arith.constant dense<0.000000e+00> : vector<400x16xf32>
    %dot_general3A_246 = tpu.matmul %max3A_239, %get3A_244, %dot_general3A_245 {dimension_numbers = #tpu.dot_dimension_numbers<[1], [0], [0], [1], [0, 0, 1, 1], [], []>, precision = #tpu.contract_precision<fp32>, transpose_lhs_hint = false} : vector<400x256xf32>, vector<256x16xf32>, vector<400x16xf32> -> vector<400x16xf32>
    %tanh3A_247 = math.tanh %dot_general3A_246 : vector<400x16xf32>
    %get3A_248 = arith.constant 1 : index
    %get3A_249 = arith.constant 0 : index
    %get3A_250 = arith.constant 0 : index
    %get3A_251 = vector.load %arg17[%get3A_248, %get3A_249, %get3A_250] : memref<2x1x16xf32, #tpu.memory_space<vmem>>, vector<1x1x16xf32>
    %get3A_252 = vector.shape_cast %get3A_251 : vector<1x1x16xf32> to vector<1x16xf32>
    %mul3A_253 = vector.broadcast %get3A_252 : vector<1x16xf32> to vector<400x16xf32>
    %mul3A_254 = arith.mulf %tanh3A_247, %mul3A_253 : vector<400x16xf32>
    %reduce_sum3A_255 = arith.constant dense<0.000000e+00> : vector<400xf32>
    %reduce_sum3A_256 = vector.multi_reduction <add>, %mul3A_254, %reduce_sum3A_255 [1] : vector<400x16xf32> to vector<400xf32>
    %broadcast_in_dim3A_257 = vector.shape_cast %reduce_sum3A_256 : vector<400xf32> to vector<400x1xf32>
    %max3A_258 = arith.maximumf %broadcast_in_dim3A_123, %broadcast_in_dim3A_257 : vector<400x1xf32>
    %sub3A_259 = arith.subf %broadcast_in_dim3A_123, %max3A_258 : vector<400x1xf32>
    %exp3A = math.exp %sub3A_259 : vector<400x1xf32>
    %sub3A_260 = arith.subf %broadcast_in_dim3A_257, %max3A_258 : vector<400x1xf32>
    %exp3A_261 = math.exp %sub3A_260 : vector<400x1xf32>
    %mul3A_262 = vector.broadcast %exp3A : vector<400x1xf32> to vector<400x256xf32>
    %mul3A_263 = arith.mulf %mul3A_262, %max3A_106 : vector<400x256xf32>
    %mul3A_264 = vector.broadcast %exp3A_261 : vector<400x1xf32> to vector<400x256xf32>
    %mul3A_265 = arith.mulf %mul3A_264, %max3A_239 : vector<400x256xf32>
    %add3A_266 = arith.addf %mul3A_263, %mul3A_265 : vector<400x256xf32>
    %add3A_267 = arith.addf %exp3A, %exp3A_261 : vector<400x1xf32>
    %div3A_268 = vector.broadcast %add3A_267 : vector<400x1xf32> to vector<400x256xf32>
    %div3A_269 = arith.divf %add3A_266, %div3A_268 : vector<400x256xf32>
    %reduce_sum3A_270 = arith.constant dense<0.000000e+00> : vector<256xf32>
    %reduce_sum3A_271 = vector.multi_reduction <add>, %div3A_269, %reduce_sum3A_270 [0] : vector<400x256xf32> to vector<256xf32>
    %broadcast_in_dim3A_272 = vector.shape_cast %reduce_sum3A_271 : vector<256xf32> to vector<1x256xf32>
    %mul3A_273 = arith.constant 9.99999974E-5 : f32
    %mul3A_274 = vector.broadcast %mul3A_273 : f32 to vector<1x256xf32>
    %mul3A_275 = arith.mulf %broadcast_in_dim3A_272, %mul3A_274 : vector<1x256xf32>
    %eq3A = arith.constant 0 : i32
    %eq3A_276 = arith.cmpi eq, %arg0, %eq3A : i32
    %convert_element_type3A = arith.extui %eq3A_276 : i1 to i32
    %cond3A = arith.constant 0 : i32
    %cond3A_277 = arith.cmpi ne, %convert_element_type3A, %cond3A : i32
    scf.if %cond3A_277 {
      %broadcast_in_dim3A_284 = arith.constant 0.000000e+00 : f32
      %broadcast_in_dim3A_285 = vector.broadcast %broadcast_in_dim3A_284 : f32 to vector<1x256xf32>
      %swap3A_286 = arith.constant 0 : index
      %swap3A_287 = arith.constant 0 : index
      %swap3A_288 = vector.load %arg18[%swap3A_286, %swap3A_287] : memref<1x256xf32, #tpu.memory_space<vmem>>, vector<1x256xf32>
      tpu.vector_store %arg18[%swap3A_286, %swap3A_287], %broadcast_in_dim3A_285 {strides = array<i32>} : memref<1x256xf32, #tpu.memory_space<vmem>>, vector<1x256xf32>,
    } else {
    }
    %get3A_278 = arith.constant 0 : index
    %get3A_279 = arith.constant 0 : index
    %get3A_280 = vector.load %arg18[%get3A_278, %get3A_279] : memref<1x256xf32, #tpu.memory_space<vmem>>, vector<1x256xf32>
    %add3A_281 = arith.addf %get3A_280, %mul3A_275 : vector<1x256xf32>
    %swap3A = arith.constant 0 : index
    %swap3A_282 = arith.constant 0 : index
    %swap3A_283 = vector.load %arg18[%swap3A, %swap3A_282] : memref<1x256xf32, #tpu.memory_space<vmem>>, vector<1x256xf32>
    tpu.vector_store %arg18[%swap3A, %swap3A_282], %add3A_281 {strides = array<i32>} : memref<1x256xf32, #tpu.memory_space<vmem>>, vector<1x256xf32>,
    return
  }
  func.func @transform_0(%arg0: i32) -> (i32, i32) {
    %c0_i32 = arith.constant 0 : i32
    %c0_i32_0 = arith.constant 0 : i32
    return %arg0, %c0_i32 : i32, i32
  }
  func.func @transform_1(%arg0: i32) -> (i32, i32, i32, i32) {
    %c0_i32 = arith.constant 0 : i32
    %c0_i32_0 = arith.constant 0 : i32
    %c0_i32_1 = arith.constant 0 : i32
    %c0_i32_2 = arith.constant 0 : i32
    return %c0_i32, %c0_i32_0, %arg0, %c0_i32_1 : i32, i32, i32, i32
  }
  func.func @transform_2(%arg0: i32) -> (i32, i32, i32) {
    %c0_i32 = arith.constant 0 : i32
    %c0_i32_0 = arith.constant 0 : i32
    %c0_i32_1 = arith.constant 0 : i32
    return %c0_i32, %arg0, %c0_i32_0 : i32, i32, i32
  }
  func.func @transform_3(%arg0: i32) -> (i32, i32) {
    %c0_i32 = arith.constant 0 : i32
    %c0_i32_0 = arith.constant 0 : i32
    %c0_i32_1 = arith.constant 0 : i32
    return %c0_i32, %c0_i32_0 : i32, i32
  }
  func.func @transform_4(%arg0: i32) -> (i32, i32) {
    %c0_i32 = arith.constant 0 : i32
    %c0_i32_0 = arith.constant 0 : i32
    %c0_i32_1 = arith.constant 0 : i32
    return %c0_i32, %c0_i32_0 : i32, i32
  }
  func.func @transform_5(%arg0: i32) -> (i32, i32) {
    %c0_i32 = arith.constant 0 : i32
    %c0_i32_0 = arith.constant 0 : i32
    %c0_i32_1 = arith.constant 0 : i32
    return %c0_i32, %c0_i32_0 : i32, i32
  }
  func.func @transform_6(%arg0: i32) -> (i32, i32) {
    %c0_i32 = arith.constant 0 : i32
    %c0_i32_0 = arith.constant 0 : i32
    %c0_i32_1 = arith.constant 0 : i32
    return %c0_i32, %c0_i32_0 : i32, i32
  }
  func.func @transform_7(%arg0: i32) -> (i32, i32) {
    %c0_i32 = arith.constant 0 : i32
    %c0_i32_0 = arith.constant 0 : i32
    %c0_i32_1 = arith.constant 0 : i32
    return %c0_i32, %c0_i32_0 : i32, i32
  }
  func.func @transform_8(%arg0: i32) -> (i32, i32) {
    %c0_i32 = arith.constant 0 : i32
    %c0_i32_0 = arith.constant 0 : i32
    %c0_i32_1 = arith.constant 0 : i32
    return %c0_i32, %c0_i32_0 : i32, i32
  }
  func.func @transform_9(%arg0: i32) -> (i32, i32) {
    %c0_i32 = arith.constant 0 : i32
    %c0_i32_0 = arith.constant 0 : i32
    %c0_i32_1 = arith.constant 0 : i32
    return %c0_i32, %c0_i32_0 : i32, i32
  }
  func.func @transform_10(%arg0: i32) -> (i32, i32) {
    %c0_i32 = arith.constant 0 : i32
    %c0_i32_0 = arith.constant 0 : i32
    %c0_i32_1 = arith.constant 0 : i32
    return %c0_i32, %c0_i32_0 : i32, i32
  }
  func.func @transform_11(%arg0: i32) -> (i32, i32) {
    %c0_i32 = arith.constant 0 : i32
    %c0_i32_0 = arith.constant 0 : i32
    %c0_i32_1 = arith.constant 0 : i32
    return %c0_i32, %c0_i32_0 : i32, i32
  }
  func.func @transform_12(%arg0: i32) -> (i32, i32) {
    %c0_i32 = arith.constant 0 : i32
    %c0_i32_0 = arith.constant 0 : i32
    %c0_i32_1 = arith.constant 0 : i32
    return %c0_i32, %c0_i32_0 : i32, i32
  }
  func.func @transform_13(%arg0: i32) -> (i32, i32) {
    %c0_i32 = arith.constant 0 : i32
    %c0_i32_0 = arith.constant 0 : i32
    %c0_i32_1 = arith.constant 0 : i32
    return %c0_i32, %c0_i32_0 : i32, i32
  }
  func.func @transform_14(%arg0: i32) -> (i32, i32) {
    %c0_i32 = arith.constant 0 : i32
    %c0_i32_0 = arith.constant 0 : i32
    %c0_i32_1 = arith.constant 0 : i32
    return %c0_i32, %c0_i32_0 : i32, i32
  }
  func.func @transform_15(%arg0: i32) -> (i32, i32, i32) {
    %c0_i32 = arith.constant 0 : i32
    %c0_i32_0 = arith.constant 0 : i32
    %c0_i32_1 = arith.constant 0 : i32
    %c0_i32_2 = arith.constant 0 : i32
    return %c0_i32, %c0_i32_0, %c0_i32_1 : i32, i32, i32
  }
  func.func @transform_16(%arg0: i32) -> (i32, i32, i32) {
    %c0_i32 = arith.constant 0 : i32
    %c0_i32_0 = arith.constant 0 : i32
    %c0_i32_1 = arith.constant 0 : i32
    %c0_i32_2 = arith.constant 0 : i32
    return %c0_i32, %c0_i32_0, %c0_i32_1 : i32, i32, i32
  }
  func.func @transform_17(%arg0: i32) -> (i32, i32) {
    %c0_i32 = arith.constant 0 : i32
    %c0_i32_0 = arith.constant 0 : i32
    %c0_i32_1 = arith.constant 0 : i32
    return %c0_i32, %c0_i32_0 : i32, i32
  }
}

</mosaic_0001>

<sc_bundles>
// kernel: kernel.4.cloned.1.call-start
scs
__scs_entry_jumppad:
0x0: {  	(pc) =	sbr.rel $0x88, $3  }
0x1: {  	(tag) =	ssettag $0x0;
	lr =	simm.s32 $0x1  }
0x2: {  	[smem:$0x3F91] =	sst lr;
	_ =	strace $0xD0000000  }
0x3: {  	_ = 	snop  }
0x4: {  	_ = 	snop  }
0x5: {  	_ = 	snop  }
0x6: {  	_ = 	snop  }
0x7: {  	_ = 	snop  }
__scs_overlays_trampoline_lowered:
0x8: {  	[smem:$0x3FA0] =	sst s0  }
0x9: {  	[smem:$0x3FA1] =	sst s1  }
0xa: {  	[smem:$0x3FA2] =	sst s2  }
0xb: {  	[smem:$0x3FA3] =	sst s3  }
0xc: {  	[smem:$0x3FA4] =	sst s4  }
0xd: {  	[smem:$0x3FA5] =	sst s5  }
0xe: {  	[smem:$0x3FA6] =	sst s6  }
0xf: {  	[smem:$0x3FA7] =	sst s7  }
0x10: {  	[smem:$0x3FA8] =	sst s8  }
0x11: {  	[smem:$0x3FA9] =	sst s9;
	s0 =	simm.s32 @!p0 $0x0  }
0x12: {  	s1 =	sld [smem:$0x3F8F];
	s0 =	simm.s32 @p0 $0x1  }
0x13: {  	[smem:$0x3FAA] =	sst s0;
	s0 =	simm.s32 @!p1 $0x0  }
0x14: {  	s2 =	sld [smem:$0x3F8E];
	s0 =	simm.s32 @p1 $0x1  }
0x15: {  	[smem:$0x3FAB] =	sst s0;
	s0 =	simm.s32 @!p2 $0x0  }
0x16: {  	s3 =	sld [smem:$0x3FDB];
	s0 =	simm.s32 @p2 $0x1  }
0x17: {  	s4 =	simm.s32 $0x1BF5;
	[smem:$0x3FAD] =	sst s0  }
0x18: {  	s0 =	sld [smem:$0x3F90];
	_ =	swait.ge [sflag:s4], $0x0  }
0x19: {  	s7 =	sld [smem:$0x3F91]  }
0x1a: {  	s8 =	sadd.s32 $0xFFFFE003, lr  }
0x1b: {  	s9 =	sadd.s32 $0xFFFFFEF7, lr;
	s5 =	simm.s32 $0xFFFFFFFF;
	p2 =	slt.u32 s8, $0xFFFFF086  }
0x1c: {  	p1 =	slt.u32 s9, $0xF7A;
	s5 =	simm.s32 @!p2 $0x0  }
0x1d: {  	s5 =	simm.s32 @p1 $0x1;
	p0 =	seq.s32 s7, s2  }
0x1e: {  	s7 =	smul.u32 @!p0 $0xF7A, s2;
	p2 =	seq.s32 @!p0 s5, $0x0  }
0x1f: {  	s9 =	smul.u32 $0xF7A, s1;
	s8 =	simm.s32 @!p0 $0x1BF5;
	p2 =	por !p2, p0  }
0x20: {  	[sflag:s8] =	ssyncset.s32 @!p0 $0xFFFFF086;
	s6 =	sadd.s32 @!p0 s3, s7;
	s7 =	simm.s32 @!p0 $0x108  }
0x21: {  	s3 =	sadd.s32 s3, s9;
	s6 =	sadd.s32 @!p0 $0x88, s6;
	s7 =	simm.s32 @p2 $0x1082  }
0x22: {  	[simem:s7], [sflag:s8] =	dma.local @!p0 [hbm:s6], $0xF7A  }
0x23: {  	s9 =	sor.u32 $0xD0000000, s2;
	s6 =	simm.s32 $0x108;
	_ =	swait.ge @!p0 [sflag:s8], $0x0  }
0x24: {  	s3 =	sadd.s32 $0x88, s3;
	s6 =	simm.s32 @!p1 $0x1082;
	[sflag:s4] =	ssyncset.s32 $0xFFFFF086  }
0x25: {  	[simem:s6], [sflag:s4] =	dma.local [hbm:s3], $0xF7A  }
0x26: {  	[smem:$0x3F91] =	sst s1;
	(tag) =	ssettag s2;
	_ =	strace s9  }
0x27: {  	s1 =	sld [smem:$0x3FA1]  }
0x28: {  	s2 =	sld [smem:$0x3FA2]  }
0x29: {  	s4 =	sld [smem:$0x3FA4]  }
0x2a: {  	p0 =	seq.s32 s5, $0x0;
	s5 =	sld [smem:$0x3FA5]  }
0x2b: {  	s6 =	sld [smem:$0x3FA6]  }
0x2c: {  	s7 =	sld [smem:$0x3FA7]  }
0x2d: {  	s3 =	simm.s32 $0x108;
	s8 =	sld [smem:$0x3FA8]  }
0x2e: {  	s3 =	simm.s32 @!p0 $0x1082;
	s9 =	sld [smem:$0x3FA9]  }
0x2f: {  	lr =	sadd.s32 s0, s3;
	s0 =	sld [smem:$0x3FA0]  }
0x30: {  	s3 =	sld [smem:$0x3FA3]  }
0x31: {  	[smem:$0x3FAC] =	sst s10  }
0x32: {  	s10 =	sld [smem:$0x3FAA];
	_ =	sdelay $0x3  }
0x33: {  	p0 =	seq.s32 s10, $0x1;
	s10 =	sld [smem:$0x3FAC];
	_ =	sdelay $0x3  }
0x34: {  	[smem:$0x3FAC] =	sst s10  }
0x35: {  	s10 =	sld [smem:$0x3FAB];
	_ =	sdelay $0x3  }
0x36: {  	p1 =	seq.s32 s10, $0x1;
	s10 =	sld [smem:$0x3FAC];
	_ =	sdelay $0x3  }
0x37: {  	[smem:$0x3FAC] =	sst s10  }
0x38: {  	s10 =	sld [smem:$0x3FAD]  }
0x39: {  	_ = 	snop;
	(pc) =	sbr.ind lr, $3  }
0x3a: {  	_ = 	snop  }
0x3b: {  	_ = 	snop  }
0x3c: {  	p2 =	seq.s32 s10, $0x1;
	s10 =	sld [smem:$0x3FAC]  }
0x3d: {  	_ =	shalt  }
0x3e: {  	_ =	shalt  }
0x3f: {  	_ =	shalt  }
0x40: {  	_ =	shalt  }
0x41: {  	_ =	shalt  }
0x42: {  	_ =	shalt  }
0x43: {  	_ =	shalt  }
0x44: {  	_ =	shalt  }
0x45: {  	_ =	shalt  }
0x46: {  	_ =	shalt  }
0x47: {  	_ =	shalt  }
0x48: {  	_ =	shalt  }
0x49: {  	_ =	shalt  }
0x4a: {  	_ =	shalt  }
0x4b: {  	_ =	shalt  }
0x4c: {  	_ =	shalt  }
0x4d: {  	_ =	shalt  }
0x4e: {  	_ =	shalt  }
0x4f: {  	_ =	shalt  }
0x50: {  	_ =	shalt  }
0x51: {  	_ =	shalt  }
0x52: {  	_ =	shalt  }
0x53: {  	_ =	shalt  }
0x54: {  	_ =	shalt  }
0x55: {  	_ =	shalt  }
0x56: {  	_ =	shalt  }
0x57: {  	_ =	shalt  }
0x58: {  	_ =	shalt  }
0x59: {  	_ =	shalt  }
0x5a: {  	_ =	shalt  }
0x5b: {  	_ =	shalt  }
0x5c: {  	_ =	shalt  }
0x5d: {  	_ =	shalt  }
0x5e: {  	_ =	shalt  }
0x5f: {  	_ =	shalt  }
0x60: {  	_ =	shalt  }
0x61: {  	_ =	shalt  }
0x62: {  	_ =	shalt  }
0x63: {  	_ =	shalt  }
0x64: {  	_ =	shalt  }
0x65: {  	_ =	shalt  }
0x66: {  	_ =	shalt  }
0x67: {  	_ =	shalt  }
0x68: {  	_ =	shalt  }
0x69: {  	_ =	shalt  }
0x6a: {  	_ =	shalt  }
0x6b: {  	_ =	shalt  }
0x6c: {  	_ =	shalt  }
0x6d: {  	_ =	shalt  }
0x6e: {  	_ =	shalt  }
0x6f: {  	_ =	shalt  }
0x70: {  	_ =	shalt  }
0x71: {  	_ =	shalt  }
0x72: {  	_ =	shalt  }
0x73: {  	_ =	shalt  }
0x74: {  	_ =	shalt  }
0x75: {  	_ =	shalt  }
0x76: {  	_ =	shalt  }
0x77: {  	_ =	shalt  }
0x78: {  	_ =	shalt  }
0x79: {  	_ =	shalt  }
0x7a: {  	_ =	shalt  }
0x7b: {  	_ =	shalt  }
0x7c: {  	_ =	shalt  }
0x7d: {  	_ =	shalt  }
0x7e: {  	_ =	shalt  }
0x7f: {  	_ =	shalt  }
0x80: {  	_ =	shalt  }
0x81: {  	_ =	shalt  }
0x82: {  	_ =	shalt  }
0x83: {  	_ =	shalt  }
0x84: {  	_ =	shalt  }
0x85: {  	_ =	shalt  }
0x86: {  	_ =	shalt  }
0x87: {  	_ =	shalt  }
.Lfunc_end0:
.L_simem_size_0:
called_computation_lowered:
.L_overlay_start_0:
0x88: {  	s2 =	sld [smem:$0x3FD9]  }
0x89: {  	s3 =	sld [smem:$0x3FFE];
	_ =	sdelay $0x1  }
0x8a: {  	s1 =	srdreg.scid  }
0x8b: {  	s0 =	sand.u32 $0x1, s1  }
0x8c: {  	s16 =	sshll.u32 s0, $0xA;
	s2 =	sadd.s32 s3, s2  }
0x8d: {  	s2 =	sadd.s32 s2, s16  }
0x8e: {  	[smem:$0x3FB8] =	sst s2  }
0x8f: {  	_ = 	snop  }
0x90: {  	(tm) =	ssettm $0x1  }
0x91: {  	s17 =	sld [smem:$0x3FFB];
	_ =	sdelay $0x3  }
0x92: {  	_ =	strace s17  }
0x93: {  	s2 =	sld [smem:$0x3FFC];
	_ =	sdelay $0x3  }
0x94: {  	_ =	strace s2  }
0x95: {  	s2 =	sld [smem:$0x3FFD];
	_ =	sdelay $0x3  }
0x96: {  	_ =	strace s2  }
0x97: {  	_ =	strace $0x8FFFFFFF  }
0x98: {  	s18 =	sld [smem:$0x3FDB];
	_ =	sdelay $0x1  }
0x99: {  	s19 =	simm.s32 $_scs_section_size  }
0x9a: {  	s4 =	simm.s32 $_size__tile_overlayer_lowered;
	s5 =	simm.s32 $_tile_overlayer_lowered  }
0x9b: {  	s22 =	simm.s32 $0x1BFF;
	s21 =	sshll.u32 s5, $0x1;
	s2 =	sadd.s32 s19, s18  }
0x9c: {  	s6 =	simm.s32 $0x0;
	s20 =	sshll.u32 s4, $0x1;
	s4 =	sadd.s32 s21, s2  }
0x9d: {  	[timem:s6], [sflag:s22] =	dma.local [hbm:s4], s20  }
0x9e: {  	_ =	swait.ge [sflag:s22], s20  }
0x9f: {  	s3 =	ssub.s32 $0x0, s20;
	[sflag:s22] =	ssyncset.done $0x0  }
0xa0: {  	[sflag:s22] =	ssyncadd.s32 s3;
	_ =	sdelay $0x1  }
0xa1: {  	s23 =	simm.s32 $0x1B8B  }
0xa2: {  	_ =	swait.ge [sflag:s23], $0x1  }
0xa3: {  	[sflag:s23] =	ssyncset.done $0x0  }
0xa4: {  	s25 =	simm.s32 $0x1B8E;
	s24 =	sld [smem:$0x3FFE];
	[sflag:s23] =	ssyncadd.s32 $0xFFFFFFFF  }
0xa5: {  	s26 =	simm.s32 $execute0_lowered;
	[smem:$0x3FD2] =	sst s25  }
0xa6: {  	s4 =	sshll.u32 s26, $0x1;
	_ =	strace $0x80000046;
	[dreg:$0x1] =	wrdreg $0xFFFFFFFF  }
0xa7: {  	s28 =	simm.s32 $_size_execute0_lowered;
	s2 =	sadd.s32 s2, s4;
	[dreg:$0x0] =	wrdreg $0x0  }
0xa8: {  	s4 =	sshll.u32 s28, $0x1;
	[dreg:$0x2] =	wrdreg s2  }
0xa9: {  	[dreg:$0x3] =	wrdreg s4  }
0xaa: {  	[dreg:$0x4] =	wrdreg $0xC0  }
0xab: {  	_ =	task [dreg:s6], $0x5FFFF  }
0xac: {  	[dreg:$0x1] =	wrdreg $0xFFFFFFFF  }
0xad: {  	[dreg:$0x0] =	wrdreg $0x60  }
0xae: {  	[dreg:$0x2] =	wrdreg s24  }
0xaf: {  	[dreg:$0x3] =	wrdreg $0x150000  }
0xb0: {  	[dreg:$0x4] =	wrdreg $0x9  }
0xb1: {  	_ =	task.clear_ibuf [dreg:s6], $0x5FFFF;
	_ =	strace $0x90000046  }
0xb2: {  	s29 =	simm.s32 $0x9;
	_ =	strace $0x80000048  }
0xb3: {  	_ =	swait.ge [sflag:s29], $0x1  }
0xb4: {  	[sflag:s29] =	ssyncadd.s32 $0xFFFFFFFF  }
0xb5: {  	_ =	strace $0x90000048  }
0xb6: {  	_ =	sfence  }
0xb7: {  	s30 =	sld [smem:$0x0];
	_ =	sdelay $0x2  }
0xb8: {  	s31 =	sshll.u32 s1, $0xD;
	s1 =	sshrl.u32 s1, $0x2  }
0xb9: {  	s3 =	sand.u32 $0x4000, s31;
	s1 =	sadd.s32 s1, s30  }
0xba: {  	s0 =	sor.u32 s3, s0;
	s1 =	sshll.u32 s1, $0x11  }
0xbb: {  	s0 =	sor.u32 s1, s0  }
0xbc: {  	s0 =	sadd.s32 $0x8F2B, s0  }
0xbd: {  	[sflag:s0] =	ssyncadd.remote.s32 $0x1  }
0xbe: {  	_ =	sfence.sel $0xFFFF  }
0xbf: {  	[dreg:$0x0] =	wrdreg $0xFFFFFFFF;
	(pc) =	sbr.abs _section_cstart, $3  }
0xc0: {  	[dreg:$0x1] =	wrdreg $0xFFFFFFFF  }
0xc1: {  	_ =	task.clear_ibuf [dreg:s6], $0x2FFFF;
	_ =	strace $0x9FFFFFFF  }
0xc2: {  	(tm) =	ssettm $0x7FFFFFFF  }
0xc3: {  	_ =	shalt  }
tec
execute0_lowered:
.L_overlay_start_1:
0x0: {  	(tag) =	ssettag $0x1  }
0x1: {  	s0 =	rddreg [dreg:$0x0]  }
0x2: {  	s1 =	rddreg [dreg:$0x1]  }
0x3: {  	s2 =	srdreg.scid;
	s3 =	simm.s32 $0x0;
	s30 =	simm.s32 $0x3E80  }
0x4: {  	s7 =	sand.u32 $0x1, s2;
	s2 =	stileid.u32;
	[smem:$0x7FF] =	sst s3  }
0x5: {  	s12 =	sadd.s32 $0x43600, s0;
	s14 =	sadd.s32 $0x23600, s0;
	s17 =	sadd.s32 $0x53600, s0  }
0x6: {  	s19 =	sadd.s32 $0xB4800, s0;
	s31 =	sadd.s32 $0x9E000, s1;
	s4 =	sshll.u32 s7, $0xF  }
0x7: {  	s8 =	sshll.u32 s2, $0xB;
	s9 =	smin.u32 s2, $0x7;
	s5 =	smul.u32 $0x13C000, s7  }
0x8: {  	_ =	strace $0x80000047;
	s15 =	ssub.s32 $0x2, s7;
	[dreg:$0x3] =	wrdreg s19  }
0x9: {  	p0 =	seq.s32 s7, $0x0;
	p1 =	sne.s32 s7, $0x0;
	p2 =	sgt.u32 s2, $0x7  }
0xa: {  	s4 =	sor.u32 s8, s4;
	s10 =	smul.u32 $0x13C00, s9;
	s21 =	sshrl.u32 s15, $0x1  }
0xb: {  	s22 =	smul.u32 $0x4F000, s9;
	s25 =	sadd.s32 s12, s8;
	s9 =	sadd.s32 s14, s8  }
0xc: {  	s20 =	sadd.s32 s17, s8;
	s8 =	sor.u32 $0x8000, s8;
	[dreg:$0x5] =	wrdreg s25  }
0xd: {  	s11 =	sadd.s32 s4, s0;
	s4 =	sadd.s32 $0x63600, s0;
	[dreg:$0x7] =	wrdreg s20  }
0xe: {  	s19 =	ssub.s32 s15, s21;
	s14 =	sadd.s32 s14, s8;
	[dreg:$0x6] =	wrdreg s9  }
0xf: {  	s20 =	simm.s32 $0x12800;
	s24 =	sadd.s32 $0x3600, s11;
	[dreg:$0xa] =	wrdreg s14  }
0x10: {  	s5 =	sadd.s32 s5, s10;
	s11 =	sadd.s32 $0x13600, s11;
	[dreg:$0x4] =	wrdreg s24  }
0x11: {  	s26 =	sshrl.u32 s22, $0x2;
	s14 =	sadd.s32 s12, s8;
	[dreg:$0xc] =	wrdreg s11  }
0x12: {  	s8 =	sadd.s32 s17, s8;
	s10 =	sshrl.u32 s5, $0x3;
	[dreg:$0xd] =	wrdreg s14  }
0x13: {  	s5 =	sadd.s32 $0xB2000, s0;
	s15 =	sadd.s32 s26, s1;
	[dreg:$0xe] =	wrdreg s8  }
0x14: {  	s24 =	smax.u32 s19, $0x1;
	s11 =	simm.s32 $0x8000;
	s19 =	simm.s32 $0x10000  }
0x15: {  	s18 =	sadd.s32 s10, s0;
	s10 =	simm.s32 $0xFC;
	[dreg:$0x8] =	wrdreg s15  }
0x16: {  	s15 =	simm.s32 $0xFC;
	s0 =	sadd.s32 $0xB4D00, s0;
	[dreg:$0x12] =	wrdreg s24  }
0x17: {  	s10 =	simm.s32 @!p0 $0x7E;
	s21 =	sadd.s32 $0xB5200, s18;
	p0 =	seq.s32 s7, $0x1  }
0x18: {  	s29 =	sadd.s32 $0xC8E00, s18;
	s7 =	simm.s32 @!p1 $0x0;
	[dreg:$0x10] =	wrdreg s0  }
0x19: {  	s22 =	sadd.s32 $0x117E00, s18;
	s28 =	sshrl.u32 s10, $0x1;
	[dreg:$0x9] =	wrdreg s21  }
0x1a: {  	[dreg:$0xb] =	wrdreg s29;
	s15 =	simm.s32 @!p0 $0x7E;
	s7 =	simm.s32 @p1 $0x1  }
0x1b: {  	s21 =	sadd.s32 $0x104200, s18;
	[dreg:$0x11] =	wrdreg s22;
	p1 =	sne.s32 @p2 s2, $0x8  }
0x1c: {  	s29 =	sadd.s32 $0x18000, s9;
	s18 =	simm.s32 $0x50;
	[smem:$0x7FC] =	sst s7  }
0x1d: {  	s22 =	simm.s32 $0x2;
	s17 =	sshrl.u32 s15, $0x1;
	[dreg:$0xf] =	wrdreg s21  }
0x1e: {  	s25 =	sadd.s32 $0xFFFFFFFF, s28;
	p3 =	por p1, !p2;
	[dreg:$0x16] =	wrdreg s29  }
0x1f: {  	p1 =	por !p1, !p2;
	s28 =	sadd.s32 $0x10000, s9;
	[dreg:$0x13] =	wrdreg s25  }
0x20: {  	s26 =	sadd.s32 $0xFFFFFFFF, s17;
	s0 =	simm.s32 @!p1 $0x0;
	[dreg:$0x15] =	wrdreg s28  }
0x21: {  	s7 =	simm.s32 $0x3;
	[dreg:$0x14] =	wrdreg s26;
	s0 =	simm.s32 @p1 $0x1  }
0x22: {  	s21 =	simm.s32 $0x1;
	s26 =	simm.s32 $0x0;
	[smem:$0x7FD] =	sst s0  }
.LBB2_1:
0x23: {  	s0 =	rddreg [dreg:$0x4]  }
0x24: {  	[tilespmem:s3], [sflag:$0x3] =	stream.linear.gather [hbm4b:s0+s3], $0x3F00, $0x38;
	[tilespmem:$0x1F0C0] =	vst v63  }
0x25: {  	_ =	swait.ge [sflag:s7], $0x3F00  }
0x26: {  	[sflag:s7] =	ssyncset.done $0x0  }
0x27: {  	s8 =	simm.s32 $0x3F00;
	s12 =	rddreg [dreg:$0x5];
	[sflag:s7] =	ssyncadd.s32 $0xFFFFC100  }
0x28: {  	[tilespmem:s8], [sflag:$0x3] =	stream.linear.gather [hbm4b:s12+s3], $0x3F00, $0x38;
	[tilespmem:$0x1F0C0] =	vst v63  }
0x29: {  	_ =	swait.ge [sflag:s7], $0x3F00  }
0x2a: {  	[sflag:s7] =	ssyncset.done $0x0  }
0x2b: {  	s14 =	rddreg [dreg:$0x6];
	[sflag:s7] =	ssyncadd.s32 $0xFFFFC100  }
0x2c: {  	[tilespmem:s11], [sflag:$0x3] =	stream.linear.gather [hbm4b:s14+s3], $0x3F00, $0x38;
	[tilespmem:$0x1F0C0] =	vst v63  }
0x2d: {  	_ =	swait.ge [sflag:s7], $0x3F00  }
0x2e: {  	[sflag:s7] =	ssyncset.done $0x0  }
0x2f: {  	s24 =	simm.s32 $0xBF00;
	s17 =	rddreg [dreg:$0x7];
	[sflag:s7] =	ssyncadd.s32 $0xFFFFC100  }
0x30: {  	[tilespmem:s24], [sflag:$0x3] =	stream.linear.gather [hbm4b:s17+s3], $0x3F00, $0x38;
	[tilespmem:$0x1F0C0] =	vst v63  }
0x31: {  	_ =	swait.ge [sflag:s7], $0x3F00  }
0x32: {  	[sflag:s7] =	ssyncset.done $0x0  }
0x33: {  	s0 =	sshrl.u32 @!p3 s31, $0x3;
	s8 =	simm.s32 @!p3 $0x1E03;
	[sflag:s7] =	ssyncadd.s32 $0xFFFFC100  }
0x34: {  	[spmem:s0], [sflag:s8] =	dma.local @!p3 [hbm:s5], $0x580  }
0x35: {  	s0 =	simm.s32 @!p3 $0x3  }
0x36: {  	_ =	swait.ge @!p3 [sflag:s0], $0x580  }
0x37: {  	[sflag:s0] =	ssyncset.done @!p3 $0x0  }
0x38: {  	s8 =	sshll.u32 @!p2 s2, $0x6;
	[sflag:s0] =	ssyncadd.s32 @!p3 $0xFFFFFA80;
	s0 =	rddreg [dreg:$0x8]  }
0x39: {  	s12 =	simm.s32 @!p2 $0x3;
	s28 =	sor.u32 @!p2 $0x1C03, s8;
	s8 =	sshrl.u32 @!p2 s0, $0x3  }
0x3a: {  	[spmem:s8], [sflag:s28] =	dma.local @!p2 [hbm:s5], $0x2780  }
0x3b: {  	_ =	swait.ge @!p2 [sflag:s12], $0x2780  }
0x3c: {  	[sflag:s12] =	ssyncset.done @!p2 $0x0  }
0x3d: {  	[sflag:s12] =	ssyncadd.s32 @!p2 $0xFFFFD880  }
0x3e: {  	[bflag:$0x0] =	sbarrier.arrive $0xFFFF  }
0x3f: {  	s25 =	sld [smem:$0x7FD];
	_ =	sdelay $0x1  }
0x40: {  	p1 =	por @p2 $0x0, $0x0  }
0x41: {  	p5 =	por @!p3 $0x1, $0x1;
	s29 =	rddreg [dreg:$0x13];
	p4 =	seq.s32 s25, $0x1  }
0x42: {  	s17 =	sadd.s32 $0xFFFFFFFF, s29;
	p5 =	por @!p4 p1, p1;
	p1 =	por @!p2 $0x0, $0x0  }
0x43: {  	p5 =	por @!p2 p1, p1;
	p1 =	sne.s32 s17, $0x0  }
.Ltmp0:
0x44: {  	_ = 	snop;
	(pc) =	sbr.rel @!p1 .LBB2_2-.Ltmp0, $3  }
0x45: {  	_ =	sdelay $0x1  }
0x46: {  	p6 =	por $0x0, $0x0;
	s14 =	simm.s32 $0x100;
	s0 =	simm.s32 $0x8080  }
0x47: {  	[tilespmem:s19], [sflag:$0x1] =	stream.indirect.gather [hbm4b:s4+s18], $0x80, s3, s18, $0xb8;
	[tilespmem:$0x1F0C0] =	vst v63  }
0x48: {  	s24 =	simm.s32 $0x80  }
0x49: {  	[tilespmem:s20], [sflag:$0x2] =	stream.indirect.gather [hbm4b:s4+s18], $0x80, s24, s18, $0xb8;
	[tilespmem:$0x1F0C0] =	vst v63  }
0x4a: {  	_ =	swait.ge [sflag:s21], $0x2800  }
0x4b: {  	[sflag:s21] =	ssyncset.done $0x0  }
0x4c: {  	s29 =	simm.s32 $0x8000;
	[sflag:s21] =	ssyncadd.s32 $0xFFFFD800  }
0x4d: {  	[spmem:s1] =	stream.indirect.scatter.add.f32 [tilespmem:s19], [sflag:$0x3], $0x80, s29, s18, $0xb8;
	[tilespmem:$0x1F0C0] =	vst v63  }
0x4e: {  	_ =	swait.ge [sflag:s7], $0x2800  }
0x4f: {  	p1 =	sle.u32 s10, $0x2;
	[sflag:s7] =	ssyncset.done $0x0  }
0x50: {  	s24 =	simm.s32 @!p1 $0x50;
	s25 =	simm.s32 @!p1 $0x10000;
	[sflag:s7] =	ssyncadd.s32 $0xFFFFD800  }
0x51: {  	[tilespmem:s25], [sflag:$0x1] =	stream.indirect.gather @!p1 [hbm4b:s4+s24], $0x80, s14, s24, $0xb8;
	[tilespmem:$0x1F0C0] =	vst v63  }
0x52: {  	s24 =	sadd.s32 $0xFFFFFFFF, s17  }
0x53: {  	_ =	swait.ge [sflag:s22], $0x2800;
	p1 =	sne.s32 s24, $0x0  }
.Ltmp1:
0x54: {  	[sflag:s22] =	ssyncset.done $0x0;
	(pc) =	sbr.rel @!p1 .LBB2_6-.Ltmp1, $4  }
0x55: {  	[sflag:s22] =	ssyncadd.s32 $0xFFFFD800  }
0x56: {  	[spmem:s1] =	stream.indirect.scatter.add.f32 [tilespmem:s20], [sflag:$0x3], $0x80, s0, s18, $0xb8;
	[tilespmem:$0x1F0C0] =	vst v63  }
0x57: {  	p6 =	por $0x1, $0x1;
	s14 =	simm.s32 $0x200;
	_ =	swait.ge [sflag:s7], $0x2800  }
0x58: {  	s17 =	simm.s32 $0x4;
	s0 =	simm.s32 $0x8180;
	[sflag:s7] =	ssyncset.done $0x0  }
.LBB2_4:
0x59: {  	s24 =	sadd.s32 $0xFFFFFFFF, s24;
	s13 =	sadd.s32 $0xFFFFFF80, s14;
	[sflag:s7] =	ssyncadd.s32 $0xFFFFD800  }
0x5a: {  	[tilespmem:s20], [sflag:$0x2] =	stream.indirect.gather [hbm4b:s4+s18], $0x80, s13, s18, $0xb8;
	[tilespmem:$0x1F0C0] =	vst v63  }
0x5b: {  	p1 =	sne.s32 s24, $0x0;
	_ =	swait.ge [sflag:s21], $0x2800  }
0x5c: {  	[sflag:s21] =	ssyncset.done $0x0  }
0x5d: {  	s13 =	sadd.s32 $0xFFFFFF80, s0;
	[sflag:s21] =	ssyncadd.s32 $0xFFFFD800  }
0x5e: {  	[spmem:s1] =	stream.indirect.scatter.add.f32 [tilespmem:s19], [sflag:$0x3], $0x80, s13, s18, $0xb8;
	[tilespmem:$0x1F0C0] =	vst v63  }
0x5f: {  	_ =	swait.ge [sflag:s7], $0x2800  }
0x60: {  	p4 =	sge.u32 s17, s10;
	[sflag:s7] =	ssyncset.done $0x0  }
0x61: {  	s16 =	simm.s32 @!p4 $0x10000;
	s13 =	simm.s32 @!p4 $0x50;
	[sflag:s7] =	ssyncadd.s32 $0xFFFFD800  }
0x62: {  	[tilespmem:s16], [sflag:$0x1] =	stream.indirect.gather @!p4 [hbm4b:s4+s13], $0x80, s14, s13, $0xb8;
	[tilespmem:$0x1F0C0] =	vst v63  }
0x63: {  	_ =	swait.ge [sflag:s22], $0x2800  }
.Ltmp2:
0x64: {  	[sflag:s22] =	ssyncset.done $0x0;
	(pc) =	sbr.rel @p1 .LBB2_4-.Ltmp2, $4  }
0x65: {  	s17 =	sadd.s32 $0x2, s17;
	[sflag:s22] =	ssyncadd.s32 $0xFFFFD800  }
0x66: {  	[spmem:s1] =	stream.indirect.scatter.add.f32 [tilespmem:s20], [sflag:$0x3], $0x80, s0, s18, $0xb8;
	[tilespmem:$0x1F0C0] =	vst v63  }
0x67: {  	s13 =	sadd.s32 $0x100, s0;
	s16 =	sadd.s32 $0x100, s14;
	_ =	swait.ge [sflag:s7], $0x2800  }
0x68: {  	s14 =	smov.u32 s16;
	s0 =	smov.u32 s13;
	[sflag:s7] =	ssyncset.done $0x0  }
0x69: {  	s14 =	smov.u32 s16;
	s0 =	smov.u32 s13  }
.LBB2_6:
0x6a: {  	s24 =	sadd.s32 $0xFFFFFF80, s14;
	[sflag:s7] =	ssyncadd.s32 @p6 $0xFFFFD800  }
0x6b: {  	[tilespmem:s20], [sflag:$0x2] =	stream.indirect.gather [hbm4b:s4+s18], $0x80, s24, s18, $0xb8;
	[tilespmem:$0x1F0C0] =	vst v63  }
0x6c: {  	_ =	swait.ge [sflag:s21], $0x2800  }
0x6d: {  	[sflag:s21] =	ssyncset.done $0x0  }
0x6e: {  	s25 =	sadd.s32 $0xFFFFFF80, s0;
	[sflag:s21] =	ssyncadd.s32 $0xFFFFD800  }
0x6f: {  	[spmem:s1] =	stream.indirect.scatter.add.f32 [tilespmem:s19], [sflag:$0x3], $0x80, s25, s18, $0xb8;
	[tilespmem:$0x1F0C0] =	vst v63  }
0x70: {  	_ =	swait.ge [sflag:s7], $0x2800  }
0x71: {  	p1 =	sge.u32 s17, s10;
	[sflag:s7] =	ssyncset.done $0x0  }
0x72: {  	s24 =	simm.s32 @!p1 $0x50;
	s25 =	simm.s32 @!p1 $0x10000;
	[sflag:s7] =	ssyncadd.s32 $0xFFFFD800  }
0x73: {  	[tilespmem:s25], [sflag:$0x1] =	stream.indirect.gather @!p1 [hbm4b:s4+s24], $0x80, s14, s24, $0xb8;
	[tilespmem:$0x1F0C0] =	vst v63  }
0x74: {  	_ =	swait.ge [sflag:s22], $0x2800  }
0x75: {  	[sflag:s22] =	ssyncset.done $0x0  }
0x76: {  	[sflag:s22] =	ssyncadd.s32 $0xFFFFD800  }
0x77: {  	[spmem:s1] =	stream.indirect.scatter.add.f32 [tilespmem:s20], [sflag:$0x3], $0x80, s0, s18, $0xb8;
	[tilespmem:$0x1F0C0] =	vst v63  }
0x78: {  	_ =	swait.ge [sflag:s7], $0x2800  }
0x79: {  	[sflag:s7] =	ssyncset.done $0x0  }
0x7a: {  	s9 =	sadd.s32 $0x80, s16;
	[sflag:s7] =	ssyncadd.s32 $0xFFFFD800  }
0x7b: {  	[tilespmem:s20], [sflag:$0x2] =	stream.indirect.gather [hbm4b:s4+s18], $0x80, s9, s18, $0xb8;
	[tilespmem:$0x1F0C0] =	vst v63  }
0x7c: {  	_ =	swait.ge [sflag:s21], $0x2800  }
0x7d: {  	[sflag:s21] =	ssyncset.done $0x0  }
0x7e: {  	s25 =	sadd.s32 $0x80, s13;
	[sflag:s21] =	ssyncadd.s32 $0xFFFFD800  }
0x7f: {  	[spmem:s1] =	stream.indirect.scatter.add.f32 [tilespmem:s19], [sflag:$0x3], $0x80, s25, s18, $0xb8;
	[tilespmem:$0x1F0C0] =	vst v63  }
0x80: {  	s9 =	sadd.s32 $0x2, s17;
	_ =	swait.ge [sflag:s7], $0x2800  }
0x81: {  	s14 =	sadd.s32 $0x100, s14;
	p1 =	sge.u32 s9, s10;
	[sflag:s7] =	ssyncset.done $0x0  }
0x82: {  	s17 =	simm.s32 @!p1 $0x50;
	s24 =	simm.s32 @!p1 $0x10000;
	[sflag:s7] =	ssyncadd.s32 $0xFFFFD800  }
0x83: {  	[tilespmem:s24], [sflag:$0x1] =	stream.indirect.gather @!p1 [hbm4b:s4+s17], $0x80, s14, s17, $0xb8;
	[tilespmem:$0x1F0C0] =	vst v63  }
0x84: {  	_ =	swait.ge [sflag:s22], $0x2800  }
0x85: {  	[sflag:s22] =	ssyncset.done $0x0  }
0x86: {  	s17 =	sadd.s32 $0x100, s0;
	[sflag:s22] =	ssyncadd.s32 $0xFFFFD800  }
0x87: {  	[spmem:s1] =	stream.indirect.scatter.add.f32 [tilespmem:s20], [sflag:$0x3], $0x80, s17, s18, $0xb8;
	[tilespmem:$0x1F0C0] =	vst v63  }
0x88: {  	_ =	swait.ge [sflag:s7], $0x2800  }
0x89: {  	[sflag:s7] =	ssyncset.done $0x0  }
0x8a: {  	[sflag:s7] =	ssyncadd.s32 $0xFFFFD800  }
0x8b: {  	[bflag:$0x0] =	sbarrier.arrive $0xFFFF  }
0x8c: {  	s0 =	rddreg [dreg:$0x9]  }
0x8d: {  	[hbm:s0], [sflag:s28] =	dma.local @!p2 [spmem:s8], $0x2780  }
0x8e: {  	_ =	swait.ge @!p2 [sflag:s12], $0x2780  }
0x8f: {  	s24 =	sld [smem:$0x7FC];
	_ =	sdelay $0x2  }
0x90: {  	p6 =	por !p5, !p5;
	p4 =	seq.s32 s24, $0x1  }
0x91: {  	p1 =	por p4, p6  }
0x92: {  	[sflag:s12] =	ssyncset.done @!p2 $0x0;
	s9 =	rddreg [dreg:$0x3];
	s0 =	sshll.u32 @!p1 s2, $0x6  }
0x93: {  	[sflag:s12] =	ssyncadd.s32 @!p2 $0xFFFFD880;
	s14 =	sshrl.u32 @!p1 s31, $0x3;
	s0 =	sor.u32 @!p1 $0x1C03, s0  }
0x94: {  	[hbm:s9], [sflag:s0] =	dma.local @!p1 [spmem:s14], $0x500  }
0x95: {  	s0 =	simm.s32 @!p1 $0x3  }
0x96: {  	_ =	swait.ge @!p1 [sflag:s0], $0x500  }
0x97: {  	[sflag:s0] =	ssyncset.done @!p1 $0x0  }
0x98: {  	[sflag:s0] =	ssyncadd.s32 @!p1 $0xFFFFFB00  }
0x99: {  	[bflag:$0x0] =	sbarrier.arrive $0xFFFF  }
0x9a: {  	s25 =	rddreg [dreg:$0xa]  }
0x9b: {  	[tilespmem:s11], [sflag:$0x3] =	stream.linear.gather [hbm4b:s25+s3], $0x3F00, $0x38;
	[tilespmem:$0x1F0C0] =	vst v63  }
0x9c: {  	_ =	swait.ge [sflag:s7], $0x3F00  }
0x9d: {  	[sflag:s7] =	ssyncset.done $0x0  }
0x9e: {  	[sflag:s7] =	ssyncadd.s32 $0xFFFFC100  }
0x9f: {  	[spmem:s8], [sflag:s28] =	dma.local @!p2 [hbm:s5], $0x2780  }
0xa0: {  	s0 =	sshll.u32 @p5 s2, $0x6;
	_ =	swait.ge @!p2 [sflag:s12], $0x2780  }
0xa1: {  	s29 =	sor.u32 @p5 $0x1C03, s0;
	[sflag:s12] =	ssyncset.done @!p2 $0x0  }
0xa2: {  	s0 =	simm.s32 @p5 $0x3;
	[sflag:s12] =	ssyncadd.s32 @!p2 $0xFFFFD880;
	s12 =	sshrl.u32 @p5 s31, $0x3  }
0xa3: {  	[spmem:s12], [sflag:s29] =	dma.local @p5 [hbm:s5], $0x580  }
0xa4: {  	_ =	swait.ge @p5 [sflag:s0], $0x580  }
0xa5: {  	[sflag:s0] =	ssyncset.done @p5 $0x0  }
0xa6: {  	[sflag:s0] =	ssyncadd.s32 @p5 $0xFFFFFA80  }
0xa7: {  	s9 =	simm.s32 $0x0;
	[bflag:$0x0] =	sbarrier.arrive $0xFFFF  }
0xa8: {  	[tilespmem:s19], [sflag:$0x1] =	stream.indirect.gather [hbm4b:s4+s18], $0x80, s9, s18, $0xb8;
	[tilespmem:$0x1F0C0] =	vst v63  }
0xa9: {  	s14 =	simm.s32 $0x80  }
0xaa: {  	[tilespmem:s20], [sflag:$0x2] =	stream.indirect.gather [hbm4b:s4+s18], $0x80, s14, s18, $0xb8;
	[tilespmem:$0x1F0C0] =	vst v63  }
0xab: {  	_ =	swait.ge [sflag:s21], $0x2800  }
0xac: {  	[sflag:s21] =	ssyncset.done $0x0  }
0xad: {  	s17 =	simm.s32 $0x8000;
	[sflag:s21] =	ssyncadd.s32 $0xFFFFD800  }
0xae: {  	[spmem:s1] =	stream.indirect.scatter.add.f32 [tilespmem:s19], [sflag:$0x3], $0x80, s17, s18, $0xb8;
	[tilespmem:$0x1F0C0] =	vst v63  }
0xaf: {  	_ =	swait.ge [sflag:s7], $0x2800  }
0xb0: {  	[sflag:s7] =	ssyncset.done $0x0  }
0xb1: {  	s24 =	simm.s32 $0x100;
	[sflag:s7] =	ssyncadd.s32 $0xFFFFD800  }
0xb2: {  	[tilespmem:s19], [sflag:$0x1] =	stream.indirect.gather [hbm4b:s4+s18], $0x80, s24, s18, $0xb8;
	[tilespmem:$0x1F0C0] =	vst v63  }
0xb3: {  	_ =	swait.ge [sflag:s22], $0x2800  }
0xb4: {  	[sflag:s22] =	ssyncset.done $0x0  }
0xb5: {  	s25 =	simm.s32 $0x8080;
	[sflag:s22] =	ssyncadd.s32 $0xFFFFD800  }
0xb6: {  	[spmem:s1] =	stream.indirect.scatter.add.f32 [tilespmem:s20], [sflag:$0x3], $0x80, s25, s18, $0xb8;
	[tilespmem:$0x1F0C0] =	vst v63  }
0xb7: {  	_ =	swait.ge [sflag:s7], $0x2800  }
0xb8: {  	s0 =	simm.s32 $0x100;
	s14 =	simm.s32 $0x800;
	[sflag:s7] =	ssyncset.done $0x0  }
.LBB2_7:
0xb9: {  	s17 =	sadd.s32 $0x80, s0  }
0xba: {  	[sflag:s7] =	ssyncadd.s32 $0xFFFFD800;
	s24 =	smov.u32 s14;
	s25 =	sadd.s32 $0x400, s14  }
0xbb: {  	[tilespmem:s20], [sflag:$0x2] =	stream.indirect.gather [hbm4b:s4+s18], $0x80, s17, s18, $0xb8;
	[tilespmem:$0x1F0C0] =	vst v63  }
0xbc: {  	p1 =	sne.s32 s14, $0xF400;
	_ =	swait.ge [sflag:s21], $0x2800  }
0xbd: {  	[sflag:s21] =	ssyncset.done $0x0  }
0xbe: {  	s14 =	sadd.s32 $0x8000, s0;
	[sflag:s21] =	ssyncadd.s32 $0xFFFFD800  }
0xbf: {  	[spmem:s1] =	stream.indirect.scatter.add.f32 [tilespmem:s19], [sflag:$0x3], $0x80, s14, s18, $0xb8;
	[tilespmem:$0x1F0C0] =	vst v63  }
0xc0: {  	_ =	swait.ge [sflag:s7], $0x2800  }
0xc1: {  	[sflag:s7] =	ssyncset.done $0x0  }
0xc2: {  	s14 =	sadd.s32 $0x100, s0;
	[sflag:s7] =	ssyncadd.s32 $0xFFFFD800  }
0xc3: {  	[tilespmem:s19], [sflag:$0x1] =	stream.indirect.gather [hbm4b:s4+s18], $0x80, s14, s18, $0xb8;
	[tilespmem:$0x1F0C0] =	vst v63  }
0xc4: {  	_ =	swait.ge [sflag:s22], $0x2800  }
.Ltmp3:
0xc5: {  	[sflag:s22] =	ssyncset.done $0x0;
	(pc) =	sbr.rel @p1 .LBB2_7-.Ltmp3, $4  }
0xc6: {  	s0 =	sadd.s32 $0x8080, s0;
	[sflag:s22] =	ssyncadd.s32 $0xFFFFD800  }
0xc7: {  	[spmem:s1] =	stream.indirect.scatter.add.f32 [tilespmem:s20], [sflag:$0x3], $0x80, s0, s18, $0xb8;
	[tilespmem:$0x1F0C0] =	vst v63  }
0xc8: {  	_ =	swait.ge [sflag:s7], $0x2800  }
0xc9: {  	s14 =	smov.u32 s25;
	s0 =	sshra.s32 s24, $0x2;
	[sflag:s7] =	ssyncset.done $0x0  }
0xca: {  	s14 =	sadd.s32 $0x80, s0;
	[sflag:s7] =	ssyncadd.s32 $0xFFFFD800  }
0xcb: {  	[tilespmem:s20], [sflag:$0x2] =	stream.indirect.gather [hbm4b:s4+s18], $0x80, s14, s18, $0xb8;
	[tilespmem:$0x1F0C0] =	vst v63  }
0xcc: {  	_ =	swait.ge [sflag:s21], $0x2800  }
0xcd: {  	[sflag:s21] =	ssyncset.done $0x0  }
0xce: {  	s24 =	sadd.s32 $0x8000, s0;
	[sflag:s21] =	ssyncadd.s32 $0xFFFFD800  }
0xcf: {  	[spmem:s1] =	stream.indirect.scatter.add.f32 [tilespmem:s19], [sflag:$0x3], $0x80, s24, s18, $0xb8;
	[tilespmem:$0x1F0C0] =	vst v63  }
0xd0: {  	_ =	swait.ge [sflag:s7], $0x2800  }
0xd1: {  	[sflag:s7] =	ssyncset.done $0x0  }
0xd2: {  	s25 =	sadd.s32 $0x100, s0;
	[sflag:s7] =	ssyncadd.s32 $0xFFFFD800  }
0xd3: {  	[tilespmem:s19], [sflag:$0x1] =	stream.indirect.gather [hbm4b:s4+s18], $0x80, s25, s18, $0xb8;
	[tilespmem:$0x1F0C0] =	vst v63  }
0xd4: {  	_ =	swait.ge [sflag:s22], $0x2800  }
0xd5: {  	[sflag:s22] =	ssyncset.done $0x0  }
0xd6: {  	s9 =	sadd.s32 $0x8080, s0;
	[sflag:s22] =	ssyncadd.s32 $0xFFFFD800  }
0xd7: {  	[spmem:s1] =	stream.indirect.scatter.add.f32 [tilespmem:s20], [sflag:$0x3], $0x80, s9, s18, $0xb8;
	[tilespmem:$0x1F0C0] =	vst v63  }
0xd8: {  	_ =	swait.ge [sflag:s7], $0x2800  }
0xd9: {  	[sflag:s7] =	ssyncset.done $0x0  }
0xda: {  	[sflag:s7] =	ssyncadd.s32 $0xFFFFD800  }
0xdb: {  	[tilespmem:s20], [sflag:$0x2] =	stream.indirect.gather [hbm4b:s4+s18], $0x80, s30, s18, $0xb8;
	[tilespmem:$0x1F0C0] =	vst v63  }
0xdc: {  	_ =	swait.ge [sflag:s21], $0x2800  }
0xdd: {  	[sflag:s21] =	ssyncset.done $0x0  }
0xde: {  	s14 =	simm.s32 $0xBE00;
	[sflag:s21] =	ssyncadd.s32 $0xFFFFD800  }
0xdf: {  	[spmem:s1] =	stream.indirect.scatter.add.f32 [tilespmem:s19], [sflag:$0x3], $0x80, s14, s18, $0xb8;
	[tilespmem:$0x1F0C0] =	vst v63  }
0xe0: {  	_ =	swait.ge [sflag:s7], $0x2800  }
0xe1: {  	[sflag:s7] =	ssyncset.done $0x0  }
0xe2: {  	[sflag:s7] =	ssyncadd.s32 $0xFFFFD800  }
0xe3: {  	_ =	swait.ge [sflag:s22], $0x2800  }
0xe4: {  	[sflag:s22] =	ssyncset.done $0x0  }
0xe5: {  	s17 =	simm.s32 $0xBE80;
	[sflag:s22] =	ssyncadd.s32 $0xFFFFD800  }
0xe6: {  	[spmem:s1] =	stream.indirect.scatter.add.f32 [tilespmem:s20], [sflag:$0x3], $0x80, s17, s18, $0xb8;
	[tilespmem:$0x1F0C0] =	vst v63  }
0xe7: {  	_ =	swait.ge [sflag:s7], $0x2800  }
0xe8: {  	[sflag:s7] =	ssyncset.done $0x0  }
0xe9: {  	[sflag:s7] =	ssyncadd.s32 $0xFFFFD800  }
0xea: {  	[bflag:$0x0] =	sbarrier.arrive $0xFFFF  }
0xeb: {  	s30 =	simm.s32 @!p2 $0x3;
	s0 =	rddreg [dreg:$0xb]  }
0xec: {  	[hbm:s0], [sflag:s28] =	dma.local @!p2 [spmem:s8], $0x2780  }
0xed: {  	_ =	swait.ge @!p2 [sflag:s30], $0x2780  }
0xee: {  	[sflag:s30] =	ssyncset.done @!p2 $0x0  }
0xef: {  	[sflag:s30] =	ssyncadd.s32 @!p2 $0xFFFFD880  }
0xf0: {  	[bflag:$0x0] =	sbarrier.arrive $0xFFFF  }
0xf1: {  	s24 =	rddreg [dreg:$0xc]  }
0xf2: {  	[tilespmem:s3], [sflag:$0x3] =	stream.linear.gather [hbm4b:s24+s3], $0x3F00, $0x38;
	[tilespmem:$0x1F0C0] =	vst v63  }
0xf3: {  	_ =	swait.ge [sflag:s7], $0x3F00  }
0xf4: {  	[sflag:s7] =	ssyncset.done $0x0  }
0xf5: {  	s9 =	simm.s32 $0x3F00;
	s25 =	rddreg [dreg:$0xd];
	[sflag:s7] =	ssyncadd.s32 $0xFFFFC100  }
0xf6: {  	[tilespmem:s9], [sflag:$0x3] =	stream.linear.gather [hbm4b:s25+s3], $0x3F00, $0x38;
	[tilespmem:$0x1F0C0] =	vst v63  }
0xf7: {  	_ =	swait.ge [sflag:s7], $0x3F00  }
0xf8: {  	[sflag:s7] =	ssyncset.done $0x0  }
0xf9: {  	s14 =	rddreg [dreg:$0x15];
	[sflag:s7] =	ssyncadd.s32 $0xFFFFC100  }
0xfa: {  	[tilespmem:s11], [sflag:$0x3] =	stream.linear.gather [hbm4b:s14+s3], $0x3F00, $0x38;
	[tilespmem:$0x1F0C0] =	vst v63  }
0xfb: {  	_ =	swait.ge [sflag:s7], $0x3F00  }
0xfc: {  	[sflag:s7] =	ssyncset.done $0x0  }
0xfd: {  	s24 =	simm.s32 $0xBF00;
	s17 =	rddreg [dreg:$0xe];
	[sflag:s7] =	ssyncadd.s32 $0xFFFFC100  }
0xfe: {  	[tilespmem:s24], [sflag:$0x3] =	stream.linear.gather [hbm4b:s17+s3], $0x3F00, $0x38;
	[tilespmem:$0x1F0C0] =	vst v63  }
0xff: {  	_ =	swait.ge [sflag:s7], $0x3F00  }
0x100: {  	[sflag:s7] =	ssyncset.done $0x0  }
0x101: {  	[sflag:s7] =	ssyncadd.s32 $0xFFFFC100  }
0x102: {  	[spmem:s8], [sflag:s28] =	dma.local @!p2 [hbm:s5], $0x2780  }
0x103: {  	_ =	swait.ge @!p2 [sflag:s30], $0x2780  }
0x104: {  	[sflag:s30] =	ssyncset.done @!p2 $0x0  }
0x105: {  	s0 =	simm.s32 @p5 $0x3;
	[sflag:s30] =	ssyncadd.s32 @!p2 $0xFFFFD880  }
0x106: {  	[spmem:s12], [sflag:s29] =	dma.local @p5 [hbm:s5], $0x580  }
0x107: {  	_ =	swait.ge @p5 [sflag:s0], $0x580  }
0x108: {  	[sflag:s0] =	ssyncset.done @p5 $0x0  }
0x109: {  	[sflag:s0] =	ssyncadd.s32 @p5 $0xFFFFFA80  }
0x10a: {  	[bflag:$0x0] =	sbarrier.arrive $0xFFFF  }
0x10b: {  	s25 =	rddreg [dreg:$0x14]  }
0x10c: {  	s25 =	sadd.s32 $0xFFFFFFFF, s25  }
0x10d: {  	p1 =	sne.s32 s25, $0x0  }
.Ltmp4:
0x10e: {  	_ = 	snop;
	(pc) =	sbr.rel @!p1 .LBB2_12-.Ltmp4, $4  }
0x10f: {  	_ = 	snop  }
0x110: {  	p6 =	por $0x0, $0x0  }
0x111: {  	s14 =	simm.s32 $0x8080;
	s17 =	simm.s32 $0x100;
	s24 =	simm.s32 $0x2  }
0x112: {  	[tilespmem:s19], [sflag:$0x1] =	stream.indirect.gather [hbm4b:s4+s18], $0x80, s3, s18, $0xb8;
	[tilespmem:$0x1F0C0] =	vst v63  }
0x113: {  	s24 =	simm.s32 $0x80  }
0x114: {  	[tilespmem:s20], [sflag:$0x2] =	stream.indirect.gather [hbm4b:s4+s18], $0x80, s24, s18, $0xb8;
	[tilespmem:$0x1F0C0] =	vst v63  }
0x115: {  	_ =	swait.ge [sflag:s21], $0x2800  }
0x116: {  	[sflag:s21] =	ssyncset.done $0x0  }
0x117: {  	s9 =	simm.s32 $0x8000;
	[sflag:s21] =	ssyncadd.s32 $0xFFFFD800  }
0x118: {  	[spmem:s1] =	stream.indirect.scatter.add.f32 [tilespmem:s19], [sflag:$0x3], $0x80, s9, s18, $0xb8;
	[tilespmem:$0x1F0C0] =	vst v63  }
0x119: {  	_ =	swait.ge [sflag:s7], $0x2800  }
0x11a: {  	p1 =	sle.u32 s15, $0x2;
	s25 =	sadd.s32 $0xFFFFFFFF, s25;
	[sflag:s7] =	ssyncset.done $0x0  }
0x11b: {  	s24 =	simm.s32 @!p1 $0x50;
	s9 =	simm.s32 @!p1 $0x10000;
	[sflag:s7] =	ssyncadd.s32 $0xFFFFD800  }
0x11c: {  	[tilespmem:s9], [sflag:$0x1] =	stream.indirect.gather @!p1 [hbm4b:s4+s24], $0x80, s17, s24, $0xb8;
	[tilespmem:$0x1F0C0] =	vst v63  }
0x11d: {  	p1 =	sne.s32 s25, $0x0;
	_ =	swait.ge [sflag:s22], $0x2800  }
.Ltmp5:
0x11e: {  	[sflag:s22] =	ssyncset.done $0x0;
	(pc) =	sbr.rel @!p1 .LBB2_12-.Ltmp5, $4  }
0x11f: {  	[sflag:s22] =	ssyncadd.s32 $0xFFFFD800  }
0x120: {  	[spmem:s1] =	stream.indirect.scatter.add.f32 [tilespmem:s20], [sflag:$0x3], $0x80, s14, s18, $0xb8;
	[tilespmem:$0x1F0C0] =	vst v63  }
0x121: {  	p6 =	por $0x1, $0x1;
	s17 =	simm.s32 $0x200;
	_ =	swait.ge [sflag:s7], $0x2800  }
0x122: {  	s24 =	simm.s32 $0x4;
	s14 =	simm.s32 $0x8180;
	[sflag:s7] =	ssyncset.done $0x0  }
.LBB2_10:
0x123: {  	s25 =	sadd.s32 $0xFFFFFFFF, s25;
	s6 =	sadd.s32 $0xFFFFFF80, s17;
	[sflag:s7] =	ssyncadd.s32 $0xFFFFD800  }
0x124: {  	[tilespmem:s20], [sflag:$0x2] =	stream.indirect.gather [hbm4b:s4+s18], $0x80, s6, s18, $0xb8;
	[tilespmem:$0x1F0C0] =	vst v63  }
0x125: {  	p1 =	sne.s32 s25, $0x0;
	_ =	swait.ge [sflag:s21], $0x2800  }
0x126: {  	[sflag:s21] =	ssyncset.done $0x0  }
0x127: {  	s6 =	sadd.s32 $0xFFFFFF80, s14;
	[sflag:s21] =	ssyncadd.s32 $0xFFFFD800  }
0x128: {  	[spmem:s1] =	stream.indirect.scatter.add.f32 [tilespmem:s19], [sflag:$0x3], $0x80, s6, s18, $0xb8;
	[tilespmem:$0x1F0C0] =	vst v63  }
0x129: {  	_ =	swait.ge [sflag:s7], $0x2800  }
0x12a: {  	p4 =	sge.u32 s24, s15;
	[sflag:s7] =	ssyncset.done $0x0  }
0x12b: {  	s9 =	simm.s32 @!p4 $0x10000;
	s6 =	simm.s32 @!p4 $0x50;
	[sflag:s7] =	ssyncadd.s32 $0xFFFFD800  }
0x12c: {  	[tilespmem:s9], [sflag:$0x1] =	stream.indirect.gather @!p4 [hbm4b:s4+s6], $0x80, s17, s6, $0xb8;
	[tilespmem:$0x1F0C0] =	vst v63  }
0x12d: {  	_ =	swait.ge [sflag:s22], $0x2800  }
.Ltmp6:
0x12e: {  	[sflag:s22] =	ssyncset.done $0x0;
	(pc) =	sbr.rel @p1 .LBB2_10-.Ltmp6, $4  }
0x12f: {  	s23 =	sadd.s32 $0x100, s14;
	[sflag:s22] =	ssyncadd.s32 $0xFFFFD800  }
0x130: {  	[spmem:s1] =	stream.indirect.scatter.add.f32 [tilespmem:s20], [sflag:$0x3], $0x80, s14, s18, $0xb8;
	[tilespmem:$0x1F0C0] =	vst v63  }
0x131: {  	s24 =	sadd.s32 $0x2, s24;
	s6 =	sadd.s32 $0x100, s17;
	_ =	swait.ge [sflag:s7], $0x2800  }
0x132: {  	s17 =	smov.u32 s6;
	s14 =	smov.u32 s23;
	[sflag:s7] =	ssyncset.done $0x0  }
0x133: {  	s17 =	smov.u32 s6;
	s14 =	smov.u32 s23  }
.LBB2_12:
0x134: {  	s9 =	sadd.s32 $0xFFFFFF80, s17;
	[sflag:s7] =	ssyncadd.s32 @p6 $0xFFFFD800  }
0x135: {  	[tilespmem:s20], [sflag:$0x2] =	stream.indirect.gather [hbm4b:s4+s18], $0x80, s9, s18, $0xb8;
	[tilespmem:$0x1F0C0] =	vst v63  }
0x136: {  	_ =	swait.ge [sflag:s21], $0x2800  }
0x137: {  	[sflag:s21] =	ssyncset.done $0x0  }
0x138: {  	s25 =	sadd.s32 $0xFFFFFF80, s14;
	[sflag:s21] =	ssyncadd.s32 $0xFFFFD800  }
0x139: {  	[spmem:s1] =	stream.indirect.scatter.add.f32 [tilespmem:s19], [sflag:$0x3], $0x80, s25, s18, $0xb8;
	[tilespmem:$0x1F0C0] =	vst v63  }
0x13a: {  	_ =	swait.ge [sflag:s7], $0x2800  }
0x13b: {  	p1 =	sge.u32 s24, s15;
	[sflag:s7] =	ssyncset.done $0x0  }
0x13c: {  	s9 =	simm.s32 @!p1 $0x50;
	s25 =	simm.s32 @!p1 $0x10000;
	[sflag:s7] =	ssyncadd.s32 $0xFFFFD800  }
0x13d: {  	[tilespmem:s25], [sflag:$0x1] =	stream.indirect.gather @!p1 [hbm4b:s4+s9], $0x80, s17, s9, $0xb8;
	[tilespmem:$0x1F0C0] =	vst v63  }
0x13e: {  	_ =	swait.ge [sflag:s22], $0x2800  }
0x13f: {  	[sflag:s22] =	ssyncset.done $0x0  }
0x140: {  	[sflag:s22] =	ssyncadd.s32 $0xFFFFD800  }
0x141: {  	[spmem:s1] =	stream.indirect.scatter.add.f32 [tilespmem:s20], [sflag:$0x3], $0x80, s14, s18, $0xb8;
	[tilespmem:$0x1F0C0] =	vst v63  }
0x142: {  	_ =	swait.ge [sflag:s7], $0x2800  }
0x143: {  	[sflag:s7] =	ssyncset.done $0x0  }
0x144: {  	s25 =	sadd.s32 $0x80, s6;
	[sflag:s7] =	ssyncadd.s32 $0xFFFFD800  }
0x145: {  	[tilespmem:s20], [sflag:$0x2] =	stream.indirect.gather [hbm4b:s4+s18], $0x80, s25, s18, $0xb8;
	[tilespmem:$0x1F0C0] =	vst v63  }
0x146: {  	_ =	swait.ge [sflag:s21], $0x2800  }
0x147: {  	[sflag:s21] =	ssyncset.done $0x0  }
0x148: {  	s25 =	sadd.s32 $0x80, s23;
	[sflag:s21] =	ssyncadd.s32 $0xFFFFD800  }
0x149: {  	[spmem:s1] =	stream.indirect.scatter.add.f32 [tilespmem:s19], [sflag:$0x3], $0x80, s25, s18, $0xb8;
	[tilespmem:$0x1F0C0] =	vst v63  }
0x14a: {  	s24 =	sadd.s32 $0x2, s24;
	_ =	swait.ge [sflag:s7], $0x2800  }
0x14b: {  	s17 =	sadd.s32 $0x100, s17;
	p1 =	sge.u32 s24, s15;
	[sflag:s7] =	ssyncset.done $0x0  }
0x14c: {  	s9 =	simm.s32 @!p1 $0x50;
	s24 =	simm.s32 @!p1 $0x10000;
	[sflag:s7] =	ssyncadd.s32 $0xFFFFD800  }
0x14d: {  	[tilespmem:s24], [sflag:$0x1] =	stream.indirect.gather @!p1 [hbm4b:s4+s9], $0x80, s17, s9, $0xb8;
	[tilespmem:$0x1F0C0] =	vst v63  }
0x14e: {  	_ =	swait.ge [sflag:s22], $0x2800  }
0x14f: {  	[sflag:s22] =	ssyncset.done $0x0  }
0x150: {  	s25 =	sadd.s32 $0x100, s14;
	[sflag:s22] =	ssyncadd.s32 $0xFFFFD800  }
0x151: {  	[spmem:s1] =	stream.indirect.scatter.add.f32 [tilespmem:s20], [sflag:$0x3], $0x80, s25, s18, $0xb8;
	[tilespmem:$0x1F0C0] =	vst v63  }
0x152: {  	_ =	swait.ge [sflag:s7], $0x2800  }
0x153: {  	[sflag:s7] =	ssyncset.done $0x0  }
0x154: {  	[sflag:s7] =	ssyncadd.s32 $0xFFFFD800  }
0x155: {  	[bflag:$0x0] =	sbarrier.arrive $0xFFFF  }
0x156: {  	p6 =	por !p5, !p0;
	s9 =	rddreg [dreg:$0xf]  }
0x157: {  	[hbm:s9], [sflag:s28] =	dma.local @!p2 [spmem:s8], $0x2780  }
0x158: {  	p1 =	por !p6, !p6;
	_ =	swait.ge @!p2 [sflag:s30], $0x2780  }
0x159: {  	s14 =	sshrl.u32 @p1 s31, $0x3;
	s9 =	sshll.u32 @p1 s2, $0x6;
	[sflag:s30] =	ssyncset.done @!p2 $0x0  }
0x15a: {  	s9 =	sor.u32 @p1 $0x1C03, s9;
	s17 =	rddreg [dreg:$0x10];
	[sflag:s30] =	ssyncadd.s32 @!p2 $0xFFFFD880  }
0x15b: {  	[hbm:s17], [sflag:s9] =	dma.local @p1 [spmem:s14], $0x500  }
0x15c: {  	s9 =	simm.s32 @p1 $0x3  }
0x15d: {  	_ =	swait.ge @p1 [sflag:s9], $0x500  }
0x15e: {  	[sflag:s9] =	ssyncset.done @p1 $0x0  }
0x15f: {  	[sflag:s9] =	ssyncadd.s32 @p1 $0xFFFFFB00  }
0x160: {  	[bflag:$0x0] =	sbarrier.arrive $0xFFFF  }
0x161: {  	s14 =	rddreg [dreg:$0x16]  }
0x162: {  	[tilespmem:s11], [sflag:$0x3] =	stream.linear.gather [hbm4b:s14+s3], $0x3F00, $0x38;
	[tilespmem:$0x1F0C0] =	vst v63  }
0x163: {  	_ =	swait.ge [sflag:s7], $0x3F00  }
0x164: {  	[sflag:s7] =	ssyncset.done $0x0  }
0x165: {  	[sflag:s7] =	ssyncadd.s32 $0xFFFFC100  }
0x166: {  	[spmem:s8], [sflag:s28] =	dma.local @!p2 [hbm:s5], $0x2780  }
0x167: {  	_ =	swait.ge @!p2 [sflag:s30], $0x2780  }
0x168: {  	[sflag:s30] =	ssyncset.done @!p2 $0x0  }
0x169: {  	[sflag:s30] =	ssyncadd.s32 @!p2 $0xFFFFD880  }
0x16a: {  	[spmem:s12], [sflag:s29] =	dma.local @p5 [hbm:s5], $0x580  }
0x16b: {  	_ =	swait.ge @p5 [sflag:s0], $0x580  }
0x16c: {  	[sflag:s0] =	ssyncset.done @p5 $0x0  }
0x16d: {  	[sflag:s0] =	ssyncadd.s32 @p5 $0xFFFFFA80  }
0x16e: {  	s17 =	simm.s32 $0x0;
	[bflag:$0x0] =	sbarrier.arrive $0xFFFF  }
0x16f: {  	[tilespmem:s19], [sflag:$0x1] =	stream.indirect.gather [hbm4b:s4+s18], $0x80, s17, s18, $0xb8;
	[tilespmem:$0x1F0C0] =	vst v63  }
0x170: {  	s24 =	simm.s32 $0x80  }
0x171: {  	[tilespmem:s20], [sflag:$0x2] =	stream.indirect.gather [hbm4b:s4+s18], $0x80, s24, s18, $0xb8;
	[tilespmem:$0x1F0C0] =	vst v63  }
0x172: {  	_ =	swait.ge [sflag:s21], $0x2800  }
0x173: {  	[sflag:s21] =	ssyncset.done $0x0  }
0x174: {  	s25 =	simm.s32 $0x8000;
	[sflag:s21] =	ssyncadd.s32 $0xFFFFD800  }
0x175: {  	[spmem:s1] =	stream.indirect.scatter.add.f32 [tilespmem:s19], [sflag:$0x3], $0x80, s25, s18, $0xb8;
	[tilespmem:$0x1F0C0] =	vst v63  }
0x176: {  	_ =	swait.ge [sflag:s7], $0x2800  }
0x177: {  	[sflag:s7] =	ssyncset.done $0x0  }
0x178: {  	s29 =	simm.s32 $0x100;
	[sflag:s7] =	ssyncadd.s32 $0xFFFFD800  }
0x179: {  	[tilespmem:s19], [sflag:$0x1] =	stream.indirect.gather [hbm4b:s4+s18], $0x80, s29, s18, $0xb8;
	[tilespmem:$0x1F0C0] =	vst v63  }
0x17a: {  	_ =	swait.ge [sflag:s22], $0x2800  }
0x17b: {  	[sflag:s22] =	ssyncset.done $0x0  }
0x17c: {  	s30 =	simm.s32 $0x8080;
	[sflag:s22] =	ssyncadd.s32 $0xFFFFD800  }
0x17d: {  	[spmem:s1] =	stream.indirect.scatter.add.f32 [tilespmem:s20], [sflag:$0x3], $0x80, s30, s18, $0xb8;
	[tilespmem:$0x1F0C0] =	vst v63  }
0x17e: {  	_ =	swait.ge [sflag:s7], $0x2800  }
0x17f: {  	s12 =	simm.s32 $0x800;
	s0 =	simm.s32 $0x100;
	[sflag:s7] =	ssyncset.done $0x0  }
.LBB2_13:
0x180: {  	s9 =	sadd.s32 $0x80, s0  }
0x181: {  	[sflag:s7] =	ssyncadd.s32 $0xFFFFD800;
	s14 =	smov.u32 s12;
	s17 =	sadd.s32 $0x400, s12  }
0x182: {  	[tilespmem:s20], [sflag:$0x2] =	stream.indirect.gather [hbm4b:s4+s18], $0x80, s9, s18, $0xb8;
	[tilespmem:$0x1F0C0] =	vst v63  }
0x183: {  	p1 =	sne.s32 s12, $0xF400;
	_ =	swait.ge [sflag:s21], $0x2800  }
0x184: {  	[sflag:s21] =	ssyncset.done $0x0  }
0x185: {  	s9 =	sadd.s32 $0x8000, s0;
	[sflag:s21] =	ssyncadd.s32 $0xFFFFD800  }
0x186: {  	[spmem:s1] =	stream.indirect.scatter.add.f32 [tilespmem:s19], [sflag:$0x3], $0x80, s9, s18, $0xb8;
	[tilespmem:$0x1F0C0] =	vst v63  }
0x187: {  	_ =	swait.ge [sflag:s7], $0x2800  }
0x188: {  	[sflag:s7] =	ssyncset.done $0x0  }
0x189: {  	s9 =	sadd.s32 $0x100, s0;
	[sflag:s7] =	ssyncadd.s32 $0xFFFFD800  }
0x18a: {  	[tilespmem:s19], [sflag:$0x1] =	stream.indirect.gather [hbm4b:s4+s18], $0x80, s9, s18, $0xb8;
	[tilespmem:$0x1F0C0] =	vst v63  }
0x18b: {  	_ =	swait.ge [sflag:s22], $0x2800  }
.Ltmp7:
0x18c: {  	[sflag:s22] =	ssyncset.done $0x0;
	(pc) =	sbr.rel @p1 .LBB2_13-.Ltmp7, $4  }
0x18d: {  	s0 =	sadd.s32 $0x8080, s0;
	[sflag:s22] =	ssyncadd.s32 $0xFFFFD800  }
0x18e: {  	[spmem:s1] =	stream.indirect.scatter.add.f32 [tilespmem:s20], [sflag:$0x3], $0x80, s0, s18, $0xb8;
	[tilespmem:$0x1F0C0] =	vst v63  }
0x18f: {  	_ =	swait.ge [sflag:s7], $0x2800  }
0x190: {  	s12 =	smov.u32 s17;
	s0 =	sshra.s32 s14, $0x2;
	[sflag:s7] =	ssyncset.done $0x0  }
0x191: {  	s9 =	sadd.s32 $0x80, s0;
	[sflag:s7] =	ssyncadd.s32 $0xFFFFD800  }
0x192: {  	[tilespmem:s20], [sflag:$0x2] =	stream.indirect.gather [hbm4b:s4+s18], $0x80, s9, s18, $0xb8;
	[tilespmem:$0x1F0C0] =	vst v63  }
0x193: {  	_ =	swait.ge [sflag:s21], $0x2800  }
0x194: {  	[sflag:s21] =	ssyncset.done $0x0  }
0x195: {  	s12 =	sadd.s32 $0x8000, s0;
	[sflag:s21] =	ssyncadd.s32 $0xFFFFD800  }
0x196: {  	[spmem:s1] =	stream.indirect.scatter.add.f32 [tilespmem:s19], [sflag:$0x3], $0x80, s12, s18, $0xb8;
	[tilespmem:$0x1F0C0] =	vst v63  }
0x197: {  	_ =	swait.ge [sflag:s7], $0x2800  }
0x198: {  	[sflag:s7] =	ssyncset.done $0x0  }
0x199: {  	s14 =	sadd.s32 $0x100, s0;
	[sflag:s7] =	ssyncadd.s32 $0xFFFFD800  }
0x19a: {  	[tilespmem:s19], [sflag:$0x1] =	stream.indirect.gather [hbm4b:s4+s18], $0x80, s14, s18, $0xb8;
	[tilespmem:$0x1F0C0] =	vst v63  }
0x19b: {  	_ =	swait.ge [sflag:s22], $0x2800  }
0x19c: {  	[sflag:s22] =	ssyncset.done $0x0  }
0x19d: {  	s17 =	sadd.s32 $0x8080, s0;
	[sflag:s22] =	ssyncadd.s32 $0xFFFFD800  }
0x19e: {  	[spmem:s1] =	stream.indirect.scatter.add.f32 [tilespmem:s20], [sflag:$0x3], $0x80, s17, s18, $0xb8;
	[tilespmem:$0x1F0C0] =	vst v63  }
0x19f: {  	_ =	swait.ge [sflag:s7], $0x2800  }
0x1a0: {  	[sflag:s7] =	ssyncset.done $0x0  }
0x1a1: {  	s30 =	simm.s32 $0x3E80;
	[sflag:s7] =	ssyncadd.s32 $0xFFFFD800  }
0x1a2: {  	[tilespmem:s20], [sflag:$0x2] =	stream.indirect.gather [hbm4b:s4+s18], $0x80, s30, s18, $0xb8;
	[tilespmem:$0x1F0C0] =	vst v63  }
0x1a3: {  	_ =	swait.ge [sflag:s21], $0x2800  }
0x1a4: {  	[sflag:s21] =	ssyncset.done $0x0  }
0x1a5: {  	s24 =	simm.s32 $0xBE00;
	[sflag:s21] =	ssyncadd.s32 $0xFFFFD800  }
0x1a6: {  	[spmem:s1] =	stream.indirect.scatter.add.f32 [tilespmem:s19], [sflag:$0x3], $0x80, s24, s18, $0xb8;
	[tilespmem:$0x1F0C0] =	vst v63  }
0x1a7: {  	_ =	swait.ge [sflag:s7], $0x2800  }
0x1a8: {  	[sflag:s7] =	ssyncset.done $0x0  }
0x1a9: {  	[sflag:s7] =	ssyncadd.s32 $0xFFFFD800  }
0x1aa: {  	_ =	swait.ge [sflag:s22], $0x2800  }
0x1ab: {  	[sflag:s22] =	ssyncset.done $0x0  }
0x1ac: {  	s25 =	simm.s32 $0xBE80;
	[sflag:s22] =	ssyncadd.s32 $0xFFFFD800  }
0x1ad: {  	[spmem:s1] =	stream.indirect.scatter.add.f32 [tilespmem:s20], [sflag:$0x3], $0x80, s25, s18, $0xb8;
	[tilespmem:$0x1F0C0] =	vst v63  }
0x1ae: {  	_ =	swait.ge [sflag:s7], $0x2800  }
0x1af: {  	[sflag:s7] =	ssyncset.done $0x0  }
0x1b0: {  	[sflag:s7] =	ssyncadd.s32 $0xFFFFD800  }
0x1b1: {  	[bflag:$0x0] =	sbarrier.arrive $0xFFFF  }
0x1b2: {  	s0 =	rddreg [dreg:$0x11]  }
0x1b3: {  	[hbm:s0], [sflag:s28] =	dma.local @!p2 [spmem:s8], $0x2780  }
0x1b4: {  	s0 =	simm.s32 @!p2 $0x3  }
0x1b5: {  	_ =	swait.ge @!p2 [sflag:s0], $0x2780  }
0x1b6: {  	s26 =	sadd.s32 $0x1, s26;
	s29 =	rddreg [dreg:$0x12]  }
0x1b7: {  	p1 =	sne.s32 s26, s29  }
.Ltmp8:
0x1b8: {  	_ = 	snop;
	(pc) =	sbr.rel @p1 .LBB2_1-.Ltmp8, $4  }
.Ltmp9:
0x1b9: {  	[sflag:s0] =	ssyncset.done @!p2 $0x0;
	(pc) =	sbr.rel @!p1 .LBB2_15-.Ltmp9, $4  }
0x1ba: {  	[sflag:s0] =	ssyncadd.s32 @!p2 $0xFFFFD880  }
0x1bb: {  	[bflag:$0x0] =	sbarrier.arrive $0xFFFF  }
0x1bc: {  	_ = 	snop  }
0x1bd: {  	_ = 	snop  }
.LBB2_2:
.Ltmp10:
0x1be: {  	(pc) =	sbr.rel .LBB2_6-.Ltmp10, $2  }
0x1bf: {  	_ =	sdelay $0x2  }
0x1c0: {  	s17 =	simm.s32 $0x2  }
.LBB2_15:
0x1c1: {  	_ =	sfence.sel $0x180000  }
0x1c2: {  	[bflag:$0x0] =	sbarrier.arrive $0xFFFF  }
0x1c3: {  	_ =	strace $0x90000047  }
0x1c4: {  	[bflag:$0x2] =	sbarrier.arrive $0xFFFF  }
0x1c5: {  	p0 =	sne.s32 s2, $0x0;
	s0 =	rddreg [dreg:$0x2]  }
0x1c6: {  	s0 =	sadd.s32 @!p0 $0x100000, s0  }
0x1c7: {  	[sflag:s0] =	ssyncadd.tile.s32 @!p0 $0x1;
	_ =	shalt  }
.Lfunc_end2:
_tile_overlayer_lowered:
.L_overlay_start_2:
0x1c8: {  	(tag) =	ssettag $0x2  }
0x1c9: {  	s0 =	rddreg [dreg:$0x0];
	s2 =	stileid.u32  }
0x1ca: {  	s1 =	rddreg [dreg:$0x1];
	p0 =	sne.s32 s2, $0x0  }
0x1cb: {  	s3 =	rddreg [dreg:$0x2];
	[bflag:$0x3] =	sbarrier.arrive $0xFFFF;
	s2 =	simm.s32 @!p0 $0x1C03  }
0x1cc: {  	[timem:s3], [sflag:s2] =	dma.local @!p0 [hbm:s0], s1  }
0x1cd: {  	s0 =	simm.s32 @!p0 $0x3  }
0x1ce: {  	_ =	swait.ge @!p0 [sflag:s0], s1  }
0x1cf: {  	s1 =	ssub.s32 @!p0 $0x0, s1;
	[sflag:s0] =	ssyncset.done @!p0 $0x0  }
0x1d0: {  	[sflag:s0] =	ssyncadd.s32 @!p0 s1  }
0x1d1: {  	[bflag:$0x3] =	sbarrier.arrive $0xFFFF  }
0x1d2: {  	_ =	shalt  }

</sc_bundles>
